<compile_context>
chip_gen: v7x
topology: tpu7x:2x2x1
jax: 0.10.2.dev20260603
libtpu: 0.0.44.dev20260713+nightly
codegen_flags: <defaults>
</compile_context>

<pallas_src>
import functools

import jax
import jax.numpy as jnp
from jax import lax
from jax.experimental import pallas as pl
from jax.experimental.pallas import tpu as pltpu
from jax.experimental.pallas import tpu_sc as plsc

B = 256
N = 512
PC_DIM = 3
PC_OUT = 256
STATE_DIM = 19
STATE_FEAT = 64
D_MODEL = PC_OUT + STATE_FEAT
E = 16
HID = 256
OUT = D_MODEL

NC = 64
GRID = N // NC


def _enc_body(pcn_ref, ap_ref, W1T, b1T, W2T, b2T, W3T, b3T,
              WpT, bpT, Ws1T, bs1T, Ws2T, bs2T, WrT, brT,
              g_ref, x_ref, p_ref, ent_ref):
    x = pcn_ref[...]
    h = jnp.maximum(
        jnp.dot(W1T[...], x, preferred_element_type=jnp.float32) + b1T[...],
        0.0).astype(jnp.bfloat16)
    h = jnp.maximum(
        jnp.dot(W2T[...], h, preferred_element_type=jnp.float32) + b2T[...],
        0.0).astype(jnp.bfloat16)
    h = jnp.maximum(
        jnp.dot(W3T[...], h, preferred_element_type=jnp.float32) + b3T[...],
        0.0).astype(jnp.bfloat16)
    w = NC * B
    while w > B:
        half = w // 2
        h = jnp.maximum(h[:, :half], h[:, half:w])
        w = half
    m = h

    @pl.when(pl.program_id(0) == 0)
    def _init():
        g_ref[...] = m

    @pl.when(pl.program_id(0) > 0)
    def _acc():
        g_ref[...] = jnp.maximum(g_ref[...], m)

    @pl.when(pl.program_id(0) == GRID - 1)
    def _mid():
        gT = g_ref[...]
        pcfT = (jnp.dot(WpT[...], gT, preferred_element_type=jnp.float32)
                + bpT[...])
        apT = ap_ref[...]
        sT = jnp.maximum(
            jnp.dot(Ws1T[...], apT, preferred_element_type=jnp.float32)
            + bs1T[...], 0.0)
        sT = jnp.dot(Ws2T[...], sT, preferred_element_type=jnp.float32) + bs2T[...]
        xT = jnp.concatenate([pcfT, sT], axis=0)
        x_ref[...] = xT

        logitsT = (jnp.dot(WrT[...], xT, preferred_element_type=jnp.float32)
                   + brT[...])
        mx = jnp.max(logitsT, axis=0, keepdims=True)
        ex = jnp.exp(logitsT - mx)
        pp = ex / jnp.sum(ex, axis=0, keepdims=True)
        p_ref[...] = pp.T
        ent = -jnp.sum(pp * jnp.log(pp + 1e-9)) / B
        ent_ref[...] = jnp.reshape(-0.01 * ent, (1, 1))


_SC_INFO = plsc.get_sparse_core_info()
_NCORES = _SC_INFO.num_cores
_NW = _SC_INFO.num_cores * _SC_INFO.num_subcores
_RPW = B // _NW


_GDN = lax.GatherDimensionNumbers(
    offset_dims=(), collapsed_slice_dims=(0,), start_index_map=(0,))


def _permute(x, perm):
    return lax.gather(x, perm[:, None], _GDN, (1,),
                      mode=lax.GatherScatterMode.PROMISE_IN_BOUNDS)


def _sc_route_body(p_hbm, gate_hbm, pv, gv):
    wid = lax.axis_index("s") * _NCORES + lax.axis_index("c")
    base = wid * _RPW
    pltpu.sync_copy(p_hbm.at[pl.ds(base, _RPW)], pv)
    idx = lax.iota(jnp.int32, 16)
    negE = jnp.full((16,), -E, jnp.int32)
    neg1 = jnp.full((16,), -1.0, jnp.float32)
    epsv = jnp.full((16,), 1e-9, jnp.float32)
    zerov = jnp.zeros((16,), jnp.float32)

    def splat_max(x):
        for k in (8, 4, 2, 1):
            x = jnp.maximum(x, _permute(x, idx ^ k))
        return x

    def splat_max_i(x):
        for k in (8, 4, 2, 1):
            x = jnp.maximum(x, _permute(x, idx ^ k))
        return x

    for r in range(_RPW):
        v = pv[r]
        m1v = splat_max(v)
        i1v = -splat_max_i(jnp.where(v == m1v, -idx, negE))
        mask1 = idx == i1v
        v2 = jnp.where(mask1, neg1, v)
        m2v = splat_max(v2)
        i2v = -splat_max_i(jnp.where(v2 == m2v, -idx, negE))
        mask2 = idx == i2v
        sw = m1v + m2v + epsv
        gv[r] = (jnp.where(mask1, m1v / sw, zerov)
                 + jnp.where(mask2, m2v / sw, zerov))
    pltpu.sync_copy(gv, gate_hbm.at[pl.ds(base, _RPW)])


def _exp_body(x_ref, gate_ref, p_ref, We1_ref, be1T_ref, We2_ref, be2T_ref,
              out_ref, load_ref):
    xT = x_ref[...]
    gate = gate_ref[...]
    gateT = gate.T

    disp = (gate > 0.0).astype(jnp.float32)
    f_i = jnp.sum(disp, axis=0, keepdims=True) / (B * 2.0)
    P_i = jnp.sum(p_ref[...], axis=0, keepdims=True) / B
    load_ref[...] = jnp.reshape(0.1 * E * jnp.sum(f_i * P_i), (1, 1))

    xTb = xT.astype(jnp.bfloat16)
    acc = xT
    cdim = (((0,), (0,)), ((), ()))
    for ei in range(E):
        ehT = jnp.maximum(
            jax.lax.dot_general(We1_ref[ei], xTb, cdim,
                                preferred_element_type=jnp.float32)
            + be1T_ref[:, ei:ei + 1], 0.0).astype(jnp.bfloat16)
        eyT = (jax.lax.dot_general(We2_ref[ei], ehT, cdim,
                                   preferred_element_type=jnp.float32)
               + be2T_ref[:, ei:ei + 1])
        acc = acc + gateT[ei:ei + 1, :] * eyT
    out_ref[...] = acc


def kernel(point_cloud, agent_pos, W1, b1, W2, b2, W3, b3, Wp, bp,
           Ws1, bs1, Ws2, bs2, Wr, br, We1, be1, We2, be2):
    bf = jnp.bfloat16
    f32 = jnp.float32
    pcn = point_cloud.astype(bf).transpose(2, 1, 0).reshape(PC_DIM, N * B)

    const = lambda shape: pl.BlockSpec(shape, lambda i: (0, 0))
    gT, xT, p, ent = pl.pallas_call(
        _enc_body,
        grid=(GRID,),
        in_specs=[
            pl.BlockSpec((PC_DIM, NC * B), lambda i: (0, i)),
            const((STATE_DIM, B)),
            const((64, PC_DIM)), const((64, 1)),
            const((128, 64)), const((128, 1)),
            const((256, 128)), const((256, 1)),
            const((PC_OUT, 256)), const((PC_OUT, 1)),
            const((STATE_FEAT, STATE_DIM)), const((STATE_FEAT, 1)),
            const((STATE_FEAT, STATE_FEAT)), const((STATE_FEAT, 1)),
            const((E, D_MODEL)), const((E, 1)),
        ],
        out_specs=[
            pl.BlockSpec((PC_OUT, B), lambda i: (0, 0)),
            pl.BlockSpec((D_MODEL, B), lambda i: (0, 0)),
            pl.BlockSpec((B, E), lambda i: (0, 0)),
            pl.BlockSpec((1, 1), lambda i: (0, 0)),
        ],
        out_shape=[
            jax.ShapeDtypeStruct((PC_OUT, B), bf),
            jax.ShapeDtypeStruct((D_MODEL, B), f32),
            jax.ShapeDtypeStruct((B, E), f32),
            jax.ShapeDtypeStruct((1, 1), f32),
        ],
    )(pcn, agent_pos.T,
      W1.T.astype(bf), b1.reshape(-1, 1),
      W2.T.astype(bf), b2.reshape(-1, 1),
      W3.T.astype(bf), b3.reshape(-1, 1),
      Wp.T.astype(bf), bp.reshape(-1, 1),
      Ws1.T, bs1.reshape(-1, 1),
      Ws2.T, bs2.reshape(-1, 1),
      Wr.T, br.reshape(-1, 1))

    sc_route = functools.partial(
        pl.kernel,
        mesh=plsc.VectorSubcoreMesh(core_axis_name="c", subcore_axis_name="s"),
        out_type=jax.ShapeDtypeStruct((B, E), f32),
        scratch_types=[
            pltpu.VMEM((_RPW, E), f32),
            pltpu.VMEM((_RPW, E), f32),
        ],
    )(_sc_route_body)
    gate = sc_route(p)

    outT, load = pl.pallas_call(
        _exp_body,
        out_shape=[
            jax.ShapeDtypeStruct((OUT, B), f32),
            jax.ShapeDtypeStruct((1, 1), f32),
        ],
    )(xT, gate, p, We1.astype(bf), be1.T, We2.astype(bf), be2.T)
    return outT.T, load[0, 0], ent[0, 0]

# --- scband reference (transcript-rebuilt; emitter-appended) ---
"""Pipeline reference for scband-mo-edp3-encoder-11407433138466 (READ-ONLY COPY).

The authoritative reference and input builder live on the scoring server;
editing this copy changes nothing except your own understanding.
"""

import jax, jax.numpy as jnp
import numpy as np

B = 256
N = 512
PC_DIM = 3
PC_OUT = 256
STATE_DIM = 19
STATE_FEAT = 64
D_MODEL = PC_OUT + STATE_FEAT  # 320
E = 16
TOPK = 2
HID = 256
OUT = D_MODEL  # moe_out_dim=None -> d_model (enables residual)
LAMBDA_LOAD = 0.1
BETA_ENT = 0.01
TEMP = 1.0


def _glorot(k, shape):
    fan_in = shape[-2] if len(shape) >= 2 else shape[0]
    return (jax.random.normal(k, shape, dtype=jnp.float32) / jnp.sqrt(float(fan_in)))


def setup_inputs(seed: int = 0) -> dict:
    key = jax.random.key(seed)
    ks = jax.random.split(key, 32)
    inp = {
        'point_cloud': jax.random.normal(ks[0], (B, N, PC_DIM), dtype=jnp.float32),
        'agent_pos': jax.random.normal(ks[1], (B, STATE_DIM), dtype=jnp.float32),
        # DP3 point-wise MLP (3 -> 64 -> 128 -> 256), maxpool, proj to PC_OUT
        'W1': _glorot(ks[2], (PC_DIM, 64)), 'b1': jnp.zeros((64,), jnp.float32),
        'W2': _glorot(ks[3], (64, 128)), 'b2': jnp.zeros((128,), jnp.float32),
        'W3': _glorot(ks[4], (128, 256)), 'b3': jnp.zeros((256,), jnp.float32),
        'Wp': _glorot(ks[5], (256, PC_OUT)), 'bp': jnp.zeros((PC_OUT,), jnp.float32),
        # state MLP (19 -> 64 -> 64)
        'Ws1': _glorot(ks[6], (STATE_DIM, STATE_FEAT)), 'bs1': jnp.zeros((STATE_FEAT,), jnp.float32),
        'Ws2': _glorot(ks[7], (STATE_FEAT, STATE_FEAT)), 'bs2': jnp.zeros((STATE_FEAT,), jnp.float32),
        # router
        'Wr': _glorot(ks[8], (D_MODEL, E)), 'br': jnp.zeros((E,), jnp.float32),
        # experts: 2-layer MLP each, batched over E
        'We1': _glorot(ks[9], (E, D_MODEL, HID)), 'be1': jnp.zeros((E, HID), jnp.float32),
        'We2': _glorot(ks[10], (E, HID, OUT)), 'be2': jnp.zeros((E, OUT), jnp.float32),
    }
    return inp


def _forward(point_cloud, agent_pos, W1, b1, W2, b2, W3, b3, Wp, bp,
             Ws1, bs1, Ws2, bs2, Wr, br, We1, be1, We2, be2):
    # --- DP3 encoder ---
    h = jax.nn.relu(point_cloud @ W1 + b1)
    h = jax.nn.relu(h @ W2 + b2)
    h = jax.nn.relu(h @ W3 + b3)            # [B, N, 256]
    g = jnp.max(h, axis=1)                   # [B, 256] global maxpool
    pc_feat = g @ Wp + bp                    # [B, PC_OUT]
    s = jax.nn.relu(agent_pos @ Ws1 + bs1)
    s = s @ Ws2 + bs2                        # [B, STATE_FEAT]
    x = jnp.concatenate([pc_feat, s], axis=-1)  # [B, D_MODEL]

    # --- MoE conditioner ---
    logits = (x @ Wr + br) / TEMP            # [B, E]
    probs = jax.nn.softmax(logits, axis=-1)
    topw, topi = jax.lax.top_k(probs, TOPK)  # [B, TOPK]
    topw = topw / (jnp.sum(topw, axis=-1, keepdims=True) + 1e-9)
    # dense expert compute (all experts), then gated combine
    eh = jax.nn.relu(jnp.einsum('bd,edh->ebh', x, We1) + be1[:, None, :])
    ey = jnp.einsum('ebh,eho->ebo', eh, We2) + be2[:, None, :]  # [E, B, OUT]
    gate = jnp.sum(jax.nn.one_hot(topi, E, dtype=x.dtype) * topw[..., None], axis=1)  # [B, E]
    out = jnp.einsum('be,ebo->bo', gate, ey)  # [B, OUT]
    out = out + x                              # residual

    # --- aux losses ---
    dispatch = jnp.sum(jax.nn.one_hot(topi, E, dtype=x.dtype), axis=1)  # [B, E]
    f_i = jnp.mean(dispatch, axis=0) / TOPK
    P_i = jnp.mean(probs, axis=0)
    load_loss = LAMBDA_LOAD * E * jnp.sum(f_i * P_i)
    ent = -jnp.mean(jnp.sum(probs * jnp.log(probs + 1e-9), axis=-1))
    ent_loss = -BETA_ENT * ent
    return out, load_loss, ent_loss


def reference(point_cloud, agent_pos, W1, b1, W2, b2, W3, b3, Wp, bp,
              Ws1, bs1, Ws2, bs2, Wr, br, We1, be1, We2, be2):
    return _forward(point_cloud, agent_pos, W1, b1, W2, b2, W3, b3, Wp, bp,
                    Ws1, bs1, Ws2, bs2, Wr, br, We1, be1, We2, be2)

if __name__ == "__main__":
    import jax
    _d = setup_inputs()
    print(jax.jit(kernel)(*tuple(_d.values())))

</pallas_src>

<mosaic_0001>
#map = affine_map<(d0, d1) -> (0, 0)>
module attributes {stable_mosaic.version = 14 : i64} {
  func.func @_sc_route_body(%arg0: i32, %arg1: i32, %arg2: memref<256x16xf32, #tpu.memory_space<hbm>>, %arg3: memref<256x16xf32, #tpu.memory_space<hbm>>, %arg4: memref<8x16xf32, #tpu.memory_space<vmem>>, %arg5: memref<8x16xf32, #tpu.memory_space<vmem>>) attributes {dimension_semantics = [#tpu.dimension_semantics<core_parallel>, #tpu.dimension_semantics<subcore_parallel>], iteration_bounds = array<i64: 2, 16>, scalar_prefetch = 0 : i64, scratch_operands = 2 : i64, tpu.core_type = #tpu.core_type<sc_vector_subcore>, window_params = [{transform_indices = #map}, {transform_indices = #map}]} {
    %mul3A = arith.constant 2 : i32
    %mul3A_0 = arith.muli %arg1, %mul3A : i32
    %add3A = arith.addi %mul3A_0, %arg0 : i32
    %mul3A_1 = arith.constant 8 : i32
    %mul3A_2 = arith.muli %add3A, %mul3A_1 : i32
    "tpu.region"() ({
      %run_scoped3A = tpu.sem_alloc : memref<!tpu.dma_semaphore, #tpu.memory_space<semaphore_mem>>
      %dma_start3A = arith.constant 0 : i32
      %dma_start3A_1193 = tpu.memref_slice %arg2[%mul3A_2, %dma_start3A] : memref<256x16xf32, #tpu.memory_space<hbm>> -> memref<8x16xf32, #tpu.memory_space<hbm>>
      %dma_start3A_1194 = arith.constant 0 : i32
      %dma_start3A_1195 = tpu.memref_slice %arg2[%mul3A_2, %dma_start3A_1194] : memref<256x16xf32, #tpu.memory_space<hbm>> -> memref<8x16xf32, #tpu.memory_space<hbm>>
      tpu.enqueue_dma source(%dma_start3A_1195 : memref<8x16xf32, #tpu.memory_space<hbm>>) target(%arg4 : memref<8x16xf32, #tpu.memory_space<vmem>>) target_semaphore(%run_scoped3A : memref<!tpu.dma_semaphore, #tpu.memory_space<semaphore_mem>>)
      %dma_wait3A = arith.constant 0 : i32
      %dma_wait3A_1196 = tpu.memref_slice %arg2[%mul3A_2, %dma_wait3A] : memref<256x16xf32, #tpu.memory_space<hbm>> -> memref<8x16xf32, #tpu.memory_space<hbm>>
      %dma_wait3A_1197 = arith.constant 0 : i32
      %dma_wait3A_1198 = tpu.memref_slice %arg2[%mul3A_2, %dma_wait3A_1197] : memref<256x16xf32, #tpu.memory_space<hbm>> -> memref<8x16xf32, #tpu.memory_space<hbm>>
      tpu.wait_dma2 semaphore(%run_scoped3A : memref<!tpu.dma_semaphore, #tpu.memory_space<semaphore_mem>>) src(%dma_wait3A_1198 : memref<8x16xf32, #tpu.memory_space<hbm>>) dst(%arg4 : memref<8x16xf32, #tpu.memory_space<vmem>>)
      tpu.yield
    }) : () -> ()
    %iota3A = tpu.iota {dimensions = array<i32: 0>} : vector<16xi32>
    %broadcast_in_dim3A = arith.constant -16 : i32
    %broadcast_in_dim3A_3 = vector.broadcast %broadcast_in_dim3A : i32 to vector<16xi32>
    %broadcast_in_dim3A_4 = arith.constant -1.000000e+00 : f32
    %broadcast_in_dim3A_5 = vector.broadcast %broadcast_in_dim3A_4 : f32 to vector<16xf32>
    %broadcast_in_dim3A_6 = arith.constant 9.99999971E-10 : f32
    %broadcast_in_dim3A_7 = vector.broadcast %broadcast_in_dim3A_6 : f32 to vector<16xf32>
    %broadcast_in_dim3A_8 = arith.constant 0.000000e+00 : f32
    %broadcast_in_dim3A_9 = vector.broadcast %broadcast_in_dim3A_8 : f32 to vector<16xf32>
    %get3A = arith.constant 0 : i32
    %get3A_10 = arith.index_cast %get3A : i32 to index
    %get3A_11 = arith.constant 0 : index
    %get3A_12 = tpu.vector_load %arg4[%get3A_10, %get3A_11] {strides = array<i32>} : memref<8x16xf32, #tpu.memory_space<vmem>>, vector<1x16xf32>,
    %get3A_13 = vector.shape_cast %get3A_12 : vector<1x16xf32> to vector<16xf32>
    %xor3A = arith.constant 8 : i32
    %xor3A_14 = vector.broadcast %xor3A : i32 to vector<16xi32>
    %xor3A_15 = arith.xori %iota3A, %xor3A_14 : vector<16xi32>
    %broadcast_in_dim3A_16 = vector.shape_cast %xor3A_15 : vector<16xi32> to vector<16x1xi32>
    %gather3A = vector.shape_cast %broadcast_in_dim3A_16 : vector<16x1xi32> to vector<16xi32>
    %gather3A_17 = tpu.dynamic_gather %get3A_13[%gather3A] in [0] : vector<16xf32>, vector<16xi32> -> vector<16xf32>
    %max3A = arith.maximumf %get3A_13, %gather3A_17 : vector<16xf32>
    %xor3A_18 = arith.constant 4 : i32
    %xor3A_19 = vector.broadcast %xor3A_18 : i32 to vector<16xi32>
    %xor3A_20 = arith.xori %iota3A, %xor3A_19 : vector<16xi32>
    %broadcast_in_dim3A_21 = vector.shape_cast %xor3A_20 : vector<16xi32> to vector<16x1xi32>
    %gather3A_22 = vector.shape_cast %broadcast_in_dim3A_21 : vector<16x1xi32> to vector<16xi32>
    %gather3A_23 = tpu.dynamic_gather %max3A[%gather3A_22] in [0] : vector<16xf32>, vector<16xi32> -> vector<16xf32>
    %max3A_24 = arith.maximumf %max3A, %gather3A_23 : vector<16xf32>
    %xor3A_25 = arith.constant 2 : i32
    %xor3A_26 = vector.broadcast %xor3A_25 : i32 to vector<16xi32>
    %xor3A_27 = arith.xori %iota3A, %xor3A_26 : vector<16xi32>
    %broadcast_in_dim3A_28 = vector.shape_cast %xor3A_27 : vector<16xi32> to vector<16x1xi32>
    %gather3A_29 = vector.shape_cast %broadcast_in_dim3A_28 : vector<16x1xi32> to vector<16xi32>
    %gather3A_30 = tpu.dynamic_gather %max3A_24[%gather3A_29] in [0] : vector<16xf32>, vector<16xi32> -> vector<16xf32>
    %max3A_31 = arith.maximumf %max3A_24, %gather3A_30 : vector<16xf32>
    %xor3A_32 = arith.constant 1 : i32
    %xor3A_33 = vector.broadcast %xor3A_32 : i32 to vector<16xi32>
    %xor3A_34 = arith.xori %iota3A, %xor3A_33 : vector<16xi32>
    %broadcast_in_dim3A_35 = vector.shape_cast %xor3A_34 : vector<16xi32> to vector<16x1xi32>
    %gather3A_36 = vector.shape_cast %broadcast_in_dim3A_35 : vector<16x1xi32> to vector<16xi32>
    %gather3A_37 = tpu.dynamic_gather %max3A_31[%gather3A_36] in [0] : vector<16xf32>, vector<16xi32> -> vector<16xf32>
    %max3A_38 = arith.maximumf %max3A_31, %gather3A_37 : vector<16xf32>
    %eq3A = arith.cmpf oeq, %get3A_13, %max3A_38 : vector<16xf32>
    %neg3A = arith.constant 0 : i32
    %neg3A_39 = vector.broadcast %neg3A : i32 to vector<16xi32>
    %neg3A_40 = arith.subi %neg3A_39, %iota3A : vector<16xi32>
    %select_n3A = arith.select %eq3A, %neg3A_40, %broadcast_in_dim3A_3 : vector<16xi1>, vector<16xi32>
    %xor3A_41 = arith.constant 8 : i32
    %xor3A_42 = vector.broadcast %xor3A_41 : i32 to vector<16xi32>
    %xor3A_43 = arith.xori %iota3A, %xor3A_42 : vector<16xi32>
    %broadcast_in_dim3A_44 = vector.shape_cast %xor3A_43 : vector<16xi32> to vector<16x1xi32>
    %gather3A_45 = vector.shape_cast %broadcast_in_dim3A_44 : vector<16x1xi32> to vector<16xi32>
    %gather3A_46 = tpu.dynamic_gather %select_n3A[%gather3A_45] in [0] : vector<16xi32>, vector<16xi32> -> vector<16xi32>
    %max3A_47 = arith.maxsi %select_n3A, %gather3A_46 : vector<16xi32>
    %xor3A_48 = arith.constant 4 : i32
    %xor3A_49 = vector.broadcast %xor3A_48 : i32 to vector<16xi32>
    %xor3A_50 = arith.xori %iota3A, %xor3A_49 : vector<16xi32>
    %broadcast_in_dim3A_51 = vector.shape_cast %xor3A_50 : vector<16xi32> to vector<16x1xi32>
    %gather3A_52 = vector.shape_cast %broadcast_in_dim3A_51 : vector<16x1xi32> to vector<16xi32>
    %gather3A_53 = tpu.dynamic_gather %max3A_47[%gather3A_52] in [0] : vector<16xi32>, vector<16xi32> -> vector<16xi32>
    %max3A_54 = arith.maxsi %max3A_47, %gather3A_53 : vector<16xi32>
    %xor3A_55 = arith.constant 2 : i32
    %xor3A_56 = vector.broadcast %xor3A_55 : i32 to vector<16xi32>
    %xor3A_57 = arith.xori %iota3A, %xor3A_56 : vector<16xi32>
    %broadcast_in_dim3A_58 = vector.shape_cast %xor3A_57 : vector<16xi32> to vector<16x1xi32>
    %gather3A_59 = vector.shape_cast %broadcast_in_dim3A_58 : vector<16x1xi32> to vector<16xi32>
    %gather3A_60 = tpu.dynamic_gather %max3A_54[%gather3A_59] in [0] : vector<16xi32>, vector<16xi32> -> vector<16xi32>
    %max3A_61 = arith.maxsi %max3A_54, %gather3A_60 : vector<16xi32>
    %xor3A_62 = arith.constant 1 : i32
    %xor3A_63 = vector.broadcast %xor3A_62 : i32 to vector<16xi32>
    %xor3A_64 = arith.xori %iota3A, %xor3A_63 : vector<16xi32>
    %broadcast_in_dim3A_65 = vector.shape_cast %xor3A_64 : vector<16xi32> to vector<16x1xi32>
    %gather3A_66 = vector.shape_cast %broadcast_in_dim3A_65 : vector<16x1xi32> to vector<16xi32>
    %gather3A_67 = tpu.dynamic_gather %max3A_61[%gather3A_66] in [0] : vector<16xi32>, vector<16xi32> -> vector<16xi32>
    %max3A_68 = arith.maxsi %max3A_61, %gather3A_67 : vector<16xi32>
    %neg3A_69 = arith.constant 0 : i32
    %neg3A_70 = vector.broadcast %neg3A_69 : i32 to vector<16xi32>
    %neg3A_71 = arith.subi %neg3A_70, %max3A_68 : vector<16xi32>
    %eq3A_72 = arith.cmpi eq, %iota3A, %neg3A_71 : vector<16xi32>
    %select_n3A_73 = arith.select %eq3A_72, %broadcast_in_dim3A_5, %get3A_13 : vector<16xi1>, vector<16xf32>
    %xor3A_74 = arith.constant 8 : i32
    %xor3A_75 = vector.broadcast %xor3A_74 : i32 to vector<16xi32>
    %xor3A_76 = arith.xori %iota3A, %xor3A_75 : vector<16xi32>
    %broadcast_in_dim3A_77 = vector.shape_cast %xor3A_76 : vector<16xi32> to vector<16x1xi32>
    %gather3A_78 = vector.shape_cast %broadcast_in_dim3A_77 : vector<16x1xi32> to vector<16xi32>
    %gather3A_79 = tpu.dynamic_gather %select_n3A_73[%gather3A_78] in [0] : vector<16xf32>, vector<16xi32> -> vector<16xf32>
    %max3A_80 = arith.maximumf %select_n3A_73, %gather3A_79 : vector<16xf32>
    %xor3A_81 = arith.constant 4 : i32
    %xor3A_82 = vector.broadcast %xor3A_81 : i32 to vector<16xi32>
    %xor3A_83 = arith.xori %iota3A, %xor3A_82 : vector<16xi32>
    %broadcast_in_dim3A_84 = vector.shape_cast %xor3A_83 : vector<16xi32> to vector<16x1xi32>
    %gather3A_85 = vector.shape_cast %broadcast_in_dim3A_84 : vector<16x1xi32> to vector<16xi32>
    %gather3A_86 = tpu.dynamic_gather %max3A_80[%gather3A_85] in [0] : vector<16xf32>, vector<16xi32> -> vector<16xf32>
    %max3A_87 = arith.maximumf %max3A_80, %gather3A_86 : vector<16xf32>
    %xor3A_88 = arith.constant 2 : i32
    %xor3A_89 = vector.broadcast %xor3A_88 : i32 to vector<16xi32>
    %xor3A_90 = arith.xori %iota3A, %xor3A_89 : vector<16xi32>
    %broadcast_in_dim3A_91 = vector.shape_cast %xor3A_90 : vector<16xi32> to vector<16x1xi32>
    %gather3A_92 = vector.shape_cast %broadcast_in_dim3A_91 : vector<16x1xi32> to vector<16xi32>
    %gather3A_93 = tpu.dynamic_gather %max3A_87[%gather3A_92] in [0] : vector<16xf32>, vector<16xi32> -> vector<16xf32>
    %max3A_94 = arith.maximumf %max3A_87, %gather3A_93 : vector<16xf32>
    %xor3A_95 = arith.constant 1 : i32
    %xor3A_96 = vector.broadcast %xor3A_95 : i32 to vector<16xi32>
    %xor3A_97 = arith.xori %iota3A, %xor3A_96 : vector<16xi32>
    %broadcast_in_dim3A_98 = vector.shape_cast %xor3A_97 : vector<16xi32> to vector<16x1xi32>
    %gather3A_99 = vector.shape_cast %broadcast_in_dim3A_98 : vector<16x1xi32> to vector<16xi32>
    %gather3A_100 = tpu.dynamic_gather %max3A_94[%gather3A_99] in [0] : vector<16xf32>, vector<16xi32> -> vector<16xf32>
    %max3A_101 = arith.maximumf %max3A_94, %gather3A_100 : vector<16xf32>
    %eq3A_102 = arith.cmpf oeq, %select_n3A_73, %max3A_101 : vector<16xf32>
    %neg3A_103 = arith.constant 0 : i32
    %neg3A_104 = vector.broadcast %neg3A_103 : i32 to vector<16xi32>
    %neg3A_105 = arith.subi %neg3A_104, %iota3A : vector<16xi32>
    %select_n3A_106 = arith.select %eq3A_102, %neg3A_105, %broadcast_in_dim3A_3 : vector<16xi1>, vector<16xi32>
    %xor3A_107 = arith.constant 8 : i32
    %xor3A_108 = vector.broadcast %xor3A_107 : i32 to vector<16xi32>
    %xor3A_109 = arith.xori %iota3A, %xor3A_108 : vector<16xi32>
    %broadcast_in_dim3A_110 = vector.shape_cast %xor3A_109 : vector<16xi32> to vector<16x1xi32>
    %gather3A_111 = vector.shape_cast %broadcast_in_dim3A_110 : vector<16x1xi32> to vector<16xi32>
    %gather3A_112 = tpu.dynamic_gather %select_n3A_106[%gather3A_111] in [0] : vector<16xi32>, vector<16xi32> -> vector<16xi32>
    %max3A_113 = arith.maxsi %select_n3A_106, %gather3A_112 : vector<16xi32>
    %xor3A_114 = arith.constant 4 : i32
    %xor3A_115 = vector.broadcast %xor3A_114 : i32 to vector<16xi32>
    %xor3A_116 = arith.xori %iota3A, %xor3A_115 : vector<16xi32>
    %broadcast_in_dim3A_117 = vector.shape_cast %xor3A_116 : vector<16xi32> to vector<16x1xi32>
    %gather3A_118 = vector.shape_cast %broadcast_in_dim3A_117 : vector<16x1xi32> to vector<16xi32>
    %gather3A_119 = tpu.dynamic_gather %max3A_113[%gather3A_118] in [0] : vector<16xi32>, vector<16xi32> -> vector<16xi32>
    %max3A_120 = arith.maxsi %max3A_113, %gather3A_119 : vector<16xi32>
    %xor3A_121 = arith.constant 2 : i32
    %xor3A_122 = vector.broadcast %xor3A_121 : i32 to vector<16xi32>
    %xor3A_123 = arith.xori %iota3A, %xor3A_122 : vector<16xi32>
    %broadcast_in_dim3A_124 = vector.shape_cast %xor3A_123 : vector<16xi32> to vector<16x1xi32>
    %gather3A_125 = vector.shape_cast %broadcast_in_dim3A_124 : vector<16x1xi32> to vector<16xi32>
    %gather3A_126 = tpu.dynamic_gather %max3A_120[%gather3A_125] in [0] : vector<16xi32>, vector<16xi32> -> vector<16xi32>
    %max3A_127 = arith.maxsi %max3A_120, %gather3A_126 : vector<16xi32>
    %xor3A_128 = arith.constant 1 : i32
    %xor3A_129 = vector.broadcast %xor3A_128 : i32 to vector<16xi32>
    %xor3A_130 = arith.xori %iota3A, %xor3A_129 : vector<16xi32>
    %broadcast_in_dim3A_131 = vector.shape_cast %xor3A_130 : vector<16xi32> to vector<16x1xi32>
    %gather3A_132 = vector.shape_cast %broadcast_in_dim3A_131 : vector<16x1xi32> to vector<16xi32>
    %gather3A_133 = tpu.dynamic_gather %max3A_127[%gather3A_132] in [0] : vector<16xi32>, vector<16xi32> -> vector<16xi32>
    %max3A_134 = arith.maxsi %max3A_127, %gather3A_133 : vector<16xi32>
    %neg3A_135 = arith.constant 0 : i32
    %neg3A_136 = vector.broadcast %neg3A_135 : i32 to vector<16xi32>
    %neg3A_137 = arith.subi %neg3A_136, %max3A_134 : vector<16xi32>
    %eq3A_138 = arith.cmpi eq, %iota3A, %neg3A_137 : vector<16xi32>
    %add3A_139 = arith.addf %max3A_38, %max3A_101 : vector<16xf32>
    %add3A_140 = arith.addf %add3A_139, %broadcast_in_dim3A_7 : vector<16xf32>
    %div3A = arith.divf %max3A_38, %add3A_140 : vector<16xf32>
    %select_n3A_141 = arith.select %eq3A_72, %div3A, %broadcast_in_dim3A_9 : vector<16xi1>, vector<16xf32>
    %div3A_142 = arith.divf %max3A_101, %add3A_140 : vector<16xf32>
    %select_n3A_143 = arith.select %eq3A_138, %div3A_142, %broadcast_in_dim3A_9 : vector<16xi1>, vector<16xf32>
    %add3A_144 = arith.addf %select_n3A_141, %select_n3A_143 : vector<16xf32>
    %swap3A = arith.constant 0 : i32
    %swap3A_145 = arith.index_cast %swap3A : i32 to index
    %swap3A_146 = arith.constant 0 : index
    %swap3A_147 = tpu.vector_load %arg5[%swap3A_145, %swap3A_146] {strides = array<i32>} : memref<8x16xf32, #tpu.memory_space<vmem>>, vector<1x16xf32>,
    %swap3A_148 = vector.shape_cast %swap3A_147 : vector<1x16xf32> to vector<16xf32>
    %swap3A_149 = vector.shape_cast %add3A_144 : vector<16xf32> to vector<1x16xf32>
    tpu.vector_store %arg5[%swap3A_145, %swap3A_146], %swap3A_149 {strides = array<i32>} : memref<8x16xf32, #tpu.memory_space<vmem>>, vector<1x16xf32>,
    %get3A_150 = arith.constant 1 : i32
    %get3A_151 = arith.index_cast %get3A_150 : i32 to index
    %get3A_152 = arith.constant 0 : index
    %get3A_153 = tpu.vector_load %arg4[%get3A_151, %get3A_152] {strides = array<i32>} : memref<8x16xf32, #tpu.memory_space<vmem>>, vector<1x16xf32>,
    %get3A_154 = vector.shape_cast %get3A_153 : vector<1x16xf32> to vector<16xf32>
    %xor3A_155 = arith.constant 8 : i32
    %xor3A_156 = vector.broadcast %xor3A_155 : i32 to vector<16xi32>
    %xor3A_157 = arith.xori %iota3A, %xor3A_156 : vector<16xi32>
    %broadcast_in_dim3A_158 = vector.shape_cast %xor3A_157 : vector<16xi32> to vector<16x1xi32>
    %gather3A_159 = vector.shape_cast %broadcast_in_dim3A_158 : vector<16x1xi32> to vector<16xi32>
    %gather3A_160 = tpu.dynamic_gather %get3A_154[%gather3A_159] in [0] : vector<16xf32>, vector<16xi32> -> vector<16xf32>
    %max3A_161 = arith.maximumf %get3A_154, %gather3A_160 : vector<16xf32>
    %xor3A_162 = arith.constant 4 : i32
    %xor3A_163 = vector.broadcast %xor3A_162 : i32 to vector<16xi32>
    %xor3A_164 = arith.xori %iota3A, %xor3A_163 : vector<16xi32>
    %broadcast_in_dim3A_165 = vector.shape_cast %xor3A_164 : vector<16xi32> to vector<16x1xi32>
    %gather3A_166 = vector.shape_cast %broadcast_in_dim3A_165 : vector<16x1xi32> to vector<16xi32>
    %gather3A_167 = tpu.dynamic_gather %max3A_161[%gather3A_166] in [0] : vector<16xf32>, vector<16xi32> -> vector<16xf32>
    %max3A_168 = arith.maximumf %max3A_161, %gather3A_167 : vector<16xf32>
    %xor3A_169 = arith.constant 2 : i32
    %xor3A_170 = vector.broadcast %xor3A_169 : i32 to vector<16xi32>
    %xor3A_171 = arith.xori %iota3A, %xor3A_170 : vector<16xi32>
    %broadcast_in_dim3A_172 = vector.shape_cast %xor3A_171 : vector<16xi32> to vector<16x1xi32>
    %gather3A_173 = vector.shape_cast %broadcast_in_dim3A_172 : vector<16x1xi32> to vector<16xi32>
    %gather3A_174 = tpu.dynamic_gather %max3A_168[%gather3A_173] in [0] : vector<16xf32>, vector<16xi32> -> vector<16xf32>
    %max3A_175 = arith.maximumf %max3A_168, %gather3A_174 : vector<16xf32>
    %xor3A_176 = arith.constant 1 : i32
    %xor3A_177 = vector.broadcast %xor3A_176 : i32 to vector<16xi32>
    %xor3A_178 = arith.xori %iota3A, %xor3A_177 : vector<16xi32>
    %broadcast_in_dim3A_179 = vector.shape_cast %xor3A_178 : vector<16xi32> to vector<16x1xi32>
    %gather3A_180 = vector.shape_cast %broadcast_in_dim3A_179 : vector<16x1xi32> to vector<16xi32>
    %gather3A_181 = tpu.dynamic_gather %max3A_175[%gather3A_180] in [0] : vector<16xf32>, vector<16xi32> -> vector<16xf32>
    %max3A_182 = arith.maximumf %max3A_175, %gather3A_181 : vector<16xf32>
    %eq3A_183 = arith.cmpf oeq, %get3A_154, %max3A_182 : vector<16xf32>
    %neg3A_184 = arith.constant 0 : i32
    %neg3A_185 = vector.broadcast %neg3A_184 : i32 to vector<16xi32>
    %neg3A_186 = arith.subi %neg3A_185, %iota3A : vector<16xi32>
    %select_n3A_187 = arith.select %eq3A_183, %neg3A_186, %broadcast_in_dim3A_3 : vector<16xi1>, vector<16xi32>
    %xor3A_188 = arith.constant 8 : i32
    %xor3A_189 = vector.broadcast %xor3A_188 : i32 to vector<16xi32>
    %xor3A_190 = arith.xori %iota3A, %xor3A_189 : vector<16xi32>
    %broadcast_in_dim3A_191 = vector.shape_cast %xor3A_190 : vector<16xi32> to vector<16x1xi32>
    %gather3A_192 = vector.shape_cast %broadcast_in_dim3A_191 : vector<16x1xi32> to vector<16xi32>
    %gather3A_193 = tpu.dynamic_gather %select_n3A_187[%gather3A_192] in [0] : vector<16xi32>, vector<16xi32> -> vector<16xi32>
    %max3A_194 = arith.maxsi %select_n3A_187, %gather3A_193 : vector<16xi32>
    %xor3A_195 = arith.constant 4 : i32
    %xor3A_196 = vector.broadcast %xor3A_195 : i32 to vector<16xi32>
    %xor3A_197 = arith.xori %iota3A, %xor3A_196 : vector<16xi32>
    %broadcast_in_dim3A_198 = vector.shape_cast %xor3A_197 : vector<16xi32> to vector<16x1xi32>
    %gather3A_199 = vector.shape_cast %broadcast_in_dim3A_198 : vector<16x1xi32> to vector<16xi32>
    %gather3A_200 = tpu.dynamic_gather %max3A_194[%gather3A_199] in [0] : vector<16xi32>, vector<16xi32> -> vector<16xi32>
    %max3A_201 = arith.maxsi %max3A_194, %gather3A_200 : vector<16xi32>
    %xor3A_202 = arith.constant 2 : i32
    %xor3A_203 = vector.broadcast %xor3A_202 : i32 to vector<16xi32>
    %xor3A_204 = arith.xori %iota3A, %xor3A_203 : vector<16xi32>
    %broadcast_in_dim3A_205 = vector.shape_cast %xor3A_204 : vector<16xi32> to vector<16x1xi32>
    %gather3A_206 = vector.shape_cast %broadcast_in_dim3A_205 : vector<16x1xi32> to vector<16xi32>
    %gather3A_207 = tpu.dynamic_gather %max3A_201[%gather3A_206] in [0] : vector<16xi32>, vector<16xi32> -> vector<16xi32>
    %max3A_208 = arith.maxsi %max3A_201, %gather3A_207 : vector<16xi32>
    %xor3A_209 = arith.constant 1 : i32
    %xor3A_210 = vector.broadcast %xor3A_209 : i32 to vector<16xi32>
    %xor3A_211 = arith.xori %iota3A, %xor3A_210 : vector<16xi32>
    %broadcast_in_dim3A_212 = vector.shape_cast %xor3A_211 : vector<16xi32> to vector<16x1xi32>
    %gather3A_213 = vector.shape_cast %broadcast_in_dim3A_212 : vector<16x1xi32> to vector<16xi32>
    %gather3A_214 = tpu.dynamic_gather %max3A_208[%gather3A_213] in [0] : vector<16xi32>, vector<16xi32> -> vector<16xi32>
    %max3A_215 = arith.maxsi %max3A_208, %gather3A_214 : vector<16xi32>
    %neg3A_216 = arith.constant 0 : i32
    %neg3A_217 = vector.broadcast %neg3A_216 : i32 to vector<16xi32>
    %neg3A_218 = arith.subi %neg3A_217, %max3A_215 : vector<16xi32>
    %eq3A_219 = arith.cmpi eq, %iota3A, %neg3A_218 : vector<16xi32>
    %select_n3A_220 = arith.select %eq3A_219, %broadcast_in_dim3A_5, %get3A_154 : vector<16xi1>, vector<16xf32>
    %xor3A_221 = arith.constant 8 : i32
    %xor3A_222 = vector.broadcast %xor3A_221 : i32 to vector<16xi32>
    %xor3A_223 = arith.xori %iota3A, %xor3A_222 : vector<16xi32>
    %broadcast_in_dim3A_224 = vector.shape_cast %xor3A_223 : vector<16xi32> to vector<16x1xi32>
    %gather3A_225 = vector.shape_cast %broadcast_in_dim3A_224 : vector<16x1xi32> to vector<16xi32>
    %gather3A_226 = tpu.dynamic_gather %select_n3A_220[%gather3A_225] in [0] : vector<16xf32>, vector<16xi32> -> vector<16xf32>
    %max3A_227 = arith.maximumf %select_n3A_220, %gather3A_226 : vector<16xf32>
    %xor3A_228 = arith.constant 4 : i32
    %xor3A_229 = vector.broadcast %xor3A_228 : i32 to vector<16xi32>
    %xor3A_230 = arith.xori %iota3A, %xor3A_229 : vector<16xi32>
    %broadcast_in_dim3A_231 = vector.shape_cast %xor3A_230 : vector<16xi32> to vector<16x1xi32>
    %gather3A_232 = vector.shape_cast %broadcast_in_dim3A_231 : vector<16x1xi32> to vector<16xi32>
    %gather3A_233 = tpu.dynamic_gather %max3A_227[%gather3A_232] in [0] : vector<16xf32>, vector<16xi32> -> vector<16xf32>
    %max3A_234 = arith.maximumf %max3A_227, %gather3A_233 : vector<16xf32>
    %xor3A_235 = arith.constant 2 : i32
    %xor3A_236 = vector.broadcast %xor3A_235 : i32 to vector<16xi32>
    %xor3A_237 = arith.xori %iota3A, %xor3A_236 : vector<16xi32>
    %broadcast_in_dim3A_238 = vector.shape_cast %xor3A_237 : vector<16xi32> to vector<16x1xi32>
    %gather3A_239 = vector.shape_cast %broadcast_in_dim3A_238 : vector<16x1xi32> to vector<16xi32>
    %gather3A_240 = tpu.dynamic_gather %max3A_234[%gather3A_239] in [0] : vector<16xf32>, vector<16xi32> -> vector<16xf32>
    %max3A_241 = arith.maximumf %max3A_234, %gather3A_240 : vector<16xf32>
    %xor3A_242 = arith.constant 1 : i32
    %xor3A_243 = vector.broadcast %xor3A_242 : i32 to vector<16xi32>
    %xor3A_244 = arith.xori %iota3A, %xor3A_243 : vector<16xi32>
    %broadcast_in_dim3A_245 = vector.shape_cast %xor3A_244 : vector<16xi32> to vector<16x1xi32>
    %gather3A_246 = vector.shape_cast %broadcast_in_dim3A_245 : vector<16x1xi32> to vector<16xi32>
    %gather3A_247 = tpu.dynamic_gather %max3A_241[%gather3A_246] in [0] : vector<16xf32>, vector<16xi32> -> vector<16xf32>
    %max3A_248 = arith.maximumf %max3A_241, %gather3A_247 : vector<16xf32>
    %eq3A_249 = arith.cmpf oeq, %select_n3A_220, %max3A_248 : vector<16xf32>
    %neg3A_250 = arith.constant 0 : i32
    %neg3A_251 = vector.broadcast %neg3A_250 : i32 to vector<16xi32>
    %neg3A_252 = arith.subi %neg3A_251, %iota3A : vector<16xi32>
    %select_n3A_253 = arith.select %eq3A_249, %neg3A_252, %broadcast_in_dim3A_3 : vector<16xi1>, vector<16xi32>
    %xor3A_254 = arith.constant 8 : i32
    %xor3A_255 = vector.broadcast %xor3A_254 : i32 to vector<16xi32>
    %xor3A_256 = arith.xori %iota3A, %xor3A_255 : vector<16xi32>
    %broadcast_in_dim3A_257 = vector.shape_cast %xor3A_256 : vector<16xi32> to vector<16x1xi32>
    %gather3A_258 = vector.shape_cast %broadcast_in_dim3A_257 : vector<16x1xi32> to vector<16xi32>
    %gather3A_259 = tpu.dynamic_gather %select_n3A_253[%gather3A_258] in [0] : vector<16xi32>, vector<16xi32> -> vector<16xi32>
    %max3A_260 = arith.maxsi %select_n3A_253, %gather3A_259 : vector<16xi32>
    %xor3A_261 = arith.constant 4 : i32
    %xor3A_262 = vector.broadcast %xor3A_261 : i32 to vector<16xi32>
    %xor3A_263 = arith.xori %iota3A, %xor3A_262 : vector<16xi32>
    %broadcast_in_dim3A_264 = vector.shape_cast %xor3A_263 : vector<16xi32> to vector<16x1xi32>
    %gather3A_265 = vector.shape_cast %broadcast_in_dim3A_264 : vector<16x1xi32> to vector<16xi32>
    %gather3A_266 = tpu.dynamic_gather %max3A_260[%gather3A_265] in [0] : vector<16xi32>, vector<16xi32> -> vector<16xi32>
    %max3A_267 = arith.maxsi %max3A_260, %gather3A_266 : vector<16xi32>
    %xor3A_268 = arith.constant 2 : i32
    %xor3A_269 = vector.broadcast %xor3A_268 : i32 to vector<16xi32>
    %xor3A_270 = arith.xori %iota3A, %xor3A_269 : vector<16xi32>
    %broadcast_in_dim3A_271 = vector.shape_cast %xor3A_270 : vector<16xi32> to vector<16x1xi32>
    %gather3A_272 = vector.shape_cast %broadcast_in_dim3A_271 : vector<16x1xi32> to vector<16xi32>
    %gather3A_273 = tpu.dynamic_gather %max3A_267[%gather3A_272] in [0] : vector<16xi32>, vector<16xi32> -> vector<16xi32>
    %max3A_274 = arith.maxsi %max3A_267, %gather3A_273 : vector<16xi32>
    %xor3A_275 = arith.constant 1 : i32
    %xor3A_276 = vector.broadcast %xor3A_275 : i32 to vector<16xi32>
    %xor3A_277 = arith.xori %iota3A, %xor3A_276 : vector<16xi32>
    %broadcast_in_dim3A_278 = vector.shape_cast %xor3A_277 : vector<16xi32> to vector<16x1xi32>
    %gather3A_279 = vector.shape_cast %broadcast_in_dim3A_278 : vector<16x1xi32> to vector<16xi32>
    %gather3A_280 = tpu.dynamic_gather %max3A_274[%gather3A_279] in [0] : vector<16xi32>, vector<16xi32> -> vector<16xi32>
    %max3A_281 = arith.maxsi %max3A_274, %gather3A_280 : vector<16xi32>
    %neg3A_282 = arith.constant 0 : i32
    %neg3A_283 = vector.broadcast %neg3A_282 : i32 to vector<16xi32>
    %neg3A_284 = arith.subi %neg3A_283, %max3A_281 : vector<16xi32>
    %eq3A_285 = arith.cmpi eq, %iota3A, %neg3A_284 : vector<16xi32>
    %add3A_286 = arith.addf %max3A_182, %max3A_248 : vector<16xf32>
    %add3A_287 = arith.addf %add3A_286, %broadcast_in_dim3A_7 : vector<16xf32>
    %div3A_288 = arith.divf %max3A_182, %add3A_287 : vector<16xf32>
    %select_n3A_289 = arith.select %eq3A_219, %div3A_288, %broadcast_in_dim3A_9 : vector<16xi1>, vector<16xf32>
    %div3A_290 = arith.divf %max3A_248, %add3A_287 : vector<16xf32>
    %select_n3A_291 = arith.select %eq3A_285, %div3A_290, %broadcast_in_dim3A_9 : vector<16xi1>, vector<16xf32>
    %add3A_292 = arith.addf %select_n3A_289, %select_n3A_291 : vector<16xf32>
    %swap3A_293 = arith.constant 1 : i32
    %swap3A_294 = arith.index_cast %swap3A_293 : i32 to index
    %swap3A_295 = arith.constant 0 : index
    %swap3A_296 = tpu.vector_load %arg5[%swap3A_294, %swap3A_295] {strides = array<i32>} : memref<8x16xf32, #tpu.memory_space<vmem>>, vector<1x16xf32>,
    %swap3A_297 = vector.shape_cast %swap3A_296 : vector<1x16xf32> to vector<16xf32>
    %swap3A_298 = vector.shape_cast %add3A_292 : vector<16xf32> to vector<1x16xf32>
    tpu.vector_store %arg5[%swap3A_294, %swap3A_295], %swap3A_298 {strides = array<i32>} : memref<8x16xf32, #tpu.memory_space<vmem>>, vector<1x16xf32>,
    %get3A_299 = arith.constant 2 : i32
    %get3A_300 = arith.index_cast %get3A_299 : i32 to index
    %get3A_301 = arith.constant 0 : index
    %get3A_302 = tpu.vector_load %arg4[%get3A_300, %get3A_301] {strides = array<i32>} : memref<8x16xf32, #tpu.memory_space<vmem>>, vector<1x16xf32>,
    %get3A_303 = vector.shape_cast %get3A_302 : vector<1x16xf32> to vector<16xf32>
    %xor3A_304 = arith.constant 8 : i32
    %xor3A_305 = vector.broadcast %xor3A_304 : i32 to vector<16xi32>
    %xor3A_306 = arith.xori %iota3A, %xor3A_305 : vector<16xi32>
    %broadcast_in_dim3A_307 = vector.shape_cast %xor3A_306 : vector<16xi32> to vector<16x1xi32>
    %gather3A_308 = vector.shape_cast %broadcast_in_dim3A_307 : vector<16x1xi32> to vector<16xi32>
    %gather3A_309 = tpu.dynamic_gather %get3A_303[%gather3A_308] in [0] : vector<16xf32>, vector<16xi32> -> vector<16xf32>
    %max3A_310 = arith.maximumf %get3A_303, %gather3A_309 : vector<16xf32>
    %xor3A_311 = arith.constant 4 : i32
    %xor3A_312 = vector.broadcast %xor3A_311 : i32 to vector<16xi32>
    %xor3A_313 = arith.xori %iota3A, %xor3A_312 : vector<16xi32>
    %broadcast_in_dim3A_314 = vector.shape_cast %xor3A_313 : vector<16xi32> to vector<16x1xi32>
    %gather3A_315 = vector.shape_cast %broadcast_in_dim3A_314 : vector<16x1xi32> to vector<16xi32>
    %gather3A_316 = tpu.dynamic_gather %max3A_310[%gather3A_315] in [0] : vector<16xf32>, vector<16xi32> -> vector<16xf32>
    %max3A_317 = arith.maximumf %max3A_310, %gather3A_316 : vector<16xf32>
    %xor3A_318 = arith.constant 2 : i32
    %xor3A_319 = vector.broadcast %xor3A_318 : i32 to vector<16xi32>
    %xor3A_320 = arith.xori %iota3A, %xor3A_319 : vector<16xi32>
    %broadcast_in_dim3A_321 = vector.shape_cast %xor3A_320 : vector<16xi32> to vector<16x1xi32>
    %gather3A_322 = vector.shape_cast %broadcast_in_dim3A_321 : vector<16x1xi32> to vector<16xi32>
    %gather3A_323 = tpu.dynamic_gather %max3A_317[%gather3A_322] in [0] : vector<16xf32>, vector<16xi32> -> vector<16xf32>
    %max3A_324 = arith.maximumf %max3A_317, %gather3A_323 : vector<16xf32>
    %xor3A_325 = arith.constant 1 : i32
    %xor3A_326 = vector.broadcast %xor3A_325 : i32 to vector<16xi32>
    %xor3A_327 = arith.xori %iota3A, %xor3A_326 : vector<16xi32>
    %broadcast_in_dim3A_328 = vector.shape_cast %xor3A_327 : vector<16xi32> to vector<16x1xi32>
    %gather3A_329 = vector.shape_cast %broadcast_in_dim3A_328 : vector<16x1xi32> to vector<16xi32>
    %gather3A_330 = tpu.dynamic_gather %max3A_324[%gather3A_329] in [0] : vector<16xf32>, vector<16xi32> -> vector<16xf32>
    %max3A_331 = arith.maximumf %max3A_324, %gather3A_330 : vector<16xf32>
    %eq3A_332 = arith.cmpf oeq, %get3A_303, %max3A_331 : vector<16xf32>
    %neg3A_333 = arith.constant 0 : i32
    %neg3A_334 = vector.broadcast %neg3A_333 : i32 to vector<16xi32>
    %neg3A_335 = arith.subi %neg3A_334, %iota3A : vector<16xi32>
    %select_n3A_336 = arith.select %eq3A_332, %neg3A_335, %broadcast_in_dim3A_3 : vector<16xi1>, vector<16xi32>
    %xor3A_337 = arith.constant 8 : i32
    %xor3A_338 = vector.broadcast %xor3A_337 : i32 to vector<16xi32>
    %xor3A_339 = arith.xori %iota3A, %xor3A_338 : vector<16xi32>
    %broadcast_in_dim3A_340 = vector.shape_cast %xor3A_339 : vector<16xi32> to vector<16x1xi32>
    %gather3A_341 = vector.shape_cast %broadcast_in_dim3A_340 : vector<16x1xi32> to vector<16xi32>
    %gather3A_342 = tpu.dynamic_gather %select_n3A_336[%gather3A_341] in [0] : vector<16xi32>, vector<16xi32> -> vector<16xi32>
    %max3A_343 = arith.maxsi %select_n3A_336, %gather3A_342 : vector<16xi32>
    %xor3A_344 = arith.constant 4 : i32
    %xor3A_345 = vector.broadcast %xor3A_344 : i32 to vector<16xi32>
    %xor3A_346 = arith.xori %iota3A, %xor3A_345 : vector<16xi32>
    %broadcast_in_dim3A_347 = vector.shape_cast %xor3A_346 : vector<16xi32> to vector<16x1xi32>
    %gather3A_348 = vector.shape_cast %broadcast_in_dim3A_347 : vector<16x1xi32> to vector<16xi32>
    %gather3A_349 = tpu.dynamic_gather %max3A_343[%gather3A_348] in [0] : vector<16xi32>, vector<16xi32> -> vector<16xi32>
    %max3A_350 = arith.maxsi %max3A_343, %gather3A_349 : vector<16xi32>
    %xor3A_351 = arith.constant 2 : i32
    %xor3A_352 = vector.broadcast %xor3A_351 : i32 to vector<16xi32>
    %xor3A_353 = arith.xori %iota3A, %xor3A_352 : vector<16xi32>
    %broadcast_in_dim3A_354 = vector.shape_cast %xor3A_353 : vector<16xi32> to vector<16x1xi32>
    %gather3A_355 = vector.shape_cast %broadcast_in_dim3A_354 : vector<16x1xi32> to vector<16xi32>
    %gather3A_356 = tpu.dynamic_gather %max3A_350[%gather3A_355] in [0] : vector<16xi32>, vector<16xi32> -> vector<16xi32>
    %max3A_357 = arith.maxsi %max3A_350, %gather3A_356 : vector<16xi32>
    %xor3A_358 = arith.constant 1 : i32
    %xor3A_359 = vector.broadcast %xor3A_358 : i32 to vector<16xi32>
    %xor3A_360 = arith.xori %iota3A, %xor3A_359 : vector<16xi32>
    %broadcast_in_dim3A_361 = vector.shape_cast %xor3A_360 : vector<16xi32> to vector<16x1xi32>
    %gather3A_362 = vector.shape_cast %broadcast_in_dim3A_361 : vector<16x1xi32> to vector<16xi32>
    %gather3A_363 = tpu.dynamic_gather %max3A_357[%gather3A_362] in [0] : vector<16xi32>, vector<16xi32> -> vector<16xi32>
    %max3A_364 = arith.maxsi %max3A_357, %gather3A_363 : vector<16xi32>
    %neg3A_365 = arith.constant 0 : i32
    %neg3A_366 = vector.broadcast %neg3A_365 : i32 to vector<16xi32>
    %neg3A_367 = arith.subi %neg3A_366, %max3A_364 : vector<16xi32>
    %eq3A_368 = arith.cmpi eq, %iota3A, %neg3A_367 : vector<16xi32>
    %select_n3A_369 = arith.select %eq3A_368, %broadcast_in_dim3A_5, %get3A_303 : vector<16xi1>, vector<16xf32>
    %xor3A_370 = arith.constant 8 : i32
    %xor3A_371 = vector.broadcast %xor3A_370 : i32 to vector<16xi32>
    %xor3A_372 = arith.xori %iota3A, %xor3A_371 : vector<16xi32>
    %broadcast_in_dim3A_373 = vector.shape_cast %xor3A_372 : vector<16xi32> to vector<16x1xi32>
    %gather3A_374 = vector.shape_cast %broadcast_in_dim3A_373 : vector<16x1xi32> to vector<16xi32>
    %gather3A_375 = tpu.dynamic_gather %select_n3A_369[%gather3A_374] in [0] : vector<16xf32>, vector<16xi32> -> vector<16xf32>
    %max3A_376 = arith.maximumf %select_n3A_369, %gather3A_375 : vector<16xf32>
    %xor3A_377 = arith.constant 4 : i32
    %xor3A_378 = vector.broadcast %xor3A_377 : i32 to vector<16xi32>
    %xor3A_379 = arith.xori %iota3A, %xor3A_378 : vector<16xi32>
    %broadcast_in_dim3A_380 = vector.shape_cast %xor3A_379 : vector<16xi32> to vector<16x1xi32>
    %gather3A_381 = vector.shape_cast %broadcast_in_dim3A_380 : vector<16x1xi32> to vector<16xi32>
    %gather3A_382 = tpu.dynamic_gather %max3A_376[%gather3A_381] in [0] : vector<16xf32>, vector<16xi32> -> vector<16xf32>
    %max3A_383 = arith.maximumf %max3A_376, %gather3A_382 : vector<16xf32>
    %xor3A_384 = arith.constant 2 : i32
    %xor3A_385 = vector.broadcast %xor3A_384 : i32 to vector<16xi32>
    %xor3A_386 = arith.xori %iota3A, %xor3A_385 : vector<16xi32>
    %broadcast_in_dim3A_387 = vector.shape_cast %xor3A_386 : vector<16xi32> to vector<16x1xi32>
    %gather3A_388 = vector.shape_cast %broadcast_in_dim3A_387 : vector<16x1xi32> to vector<16xi32>
    %gather3A_389 = tpu.dynamic_gather %max3A_383[%gather3A_388] in [0] : vector<16xf32>, vector<16xi32> -> vector<16xf32>
    %max3A_390 = arith.maximumf %max3A_383, %gather3A_389 : vector<16xf32>
    %xor3A_391 = arith.constant 1 : i32
    %xor3A_392 = vector.broadcast %xor3A_391 : i32 to vector<16xi32>
    %xor3A_393 = arith.xori %iota3A, %xor3A_392 : vector<16xi32>
    %broadcast_in_dim3A_394 = vector.shape_cast %xor3A_393 : vector<16xi32> to vector<16x1xi32>
    %gather3A_395 = vector.shape_cast %broadcast_in_dim3A_394 : vector<16x1xi32> to vector<16xi32>
    %gather3A_396 = tpu.dynamic_gather %max3A_390[%gather3A_395] in [0] : vector<16xf32>, vector<16xi32> -> vector<16xf32>
    %max3A_397 = arith.maximumf %max3A_390, %gather3A_396 : vector<16xf32>
    %eq3A_398 = arith.cmpf oeq, %select_n3A_369, %max3A_397 : vector<16xf32>
    %neg3A_399 = arith.constant 0 : i32
    %neg3A_400 = vector.broadcast %neg3A_399 : i32 to vector<16xi32>
    %neg3A_401 = arith.subi %neg3A_400, %iota3A : vector<16xi32>
    %select_n3A_402 = arith.select %eq3A_398, %neg3A_401, %broadcast_in_dim3A_3 : vector<16xi1>, vector<16xi32>
    %xor3A_403 = arith.constant 8 : i32
    %xor3A_404 = vector.broadcast %xor3A_403 : i32 to vector<16xi32>
    %xor3A_405 = arith.xori %iota3A, %xor3A_404 : vector<16xi32>
    %broadcast_in_dim3A_406 = vector.shape_cast %xor3A_405 : vector<16xi32> to vector<16x1xi32>
    %gather3A_407 = vector.shape_cast %broadcast_in_dim3A_406 : vector<16x1xi32> to vector<16xi32>
    %gather3A_408 = tpu.dynamic_gather %select_n3A_402[%gather3A_407] in [0] : vector<16xi32>, vector<16xi32> -> vector<16xi32>
    %max3A_409 = arith.maxsi %select_n3A_402, %gather3A_408 : vector<16xi32>
    %xor3A_410 = arith.constant 4 : i32
    %xor3A_411 = vector.broadcast %xor3A_410 : i32 to vector<16xi32>
    %xor3A_412 = arith.xori %iota3A, %xor3A_411 : vector<16xi32>
    %broadcast_in_dim3A_413 = vector.shape_cast %xor3A_412 : vector<16xi32> to vector<16x1xi32>
    %gather3A_414 = vector.shape_cast %broadcast_in_dim3A_413 : vector<16x1xi32> to vector<16xi32>
    %gather3A_415 = tpu.dynamic_gather %max3A_409[%gather3A_414] in [0] : vector<16xi32>, vector<16xi32> -> vector<16xi32>
    %max3A_416 = arith.maxsi %max3A_409, %gather3A_415 : vector<16xi32>
    %xor3A_417 = arith.constant 2 : i32
    %xor3A_418 = vector.broadcast %xor3A_417 : i32 to vector<16xi32>
    %xor3A_419 = arith.xori %iota3A, %xor3A_418 : vector<16xi32>
    %broadcast_in_dim3A_420 = vector.shape_cast %xor3A_419 : vector<16xi32> to vector<16x1xi32>
    %gather3A_421 = vector.shape_cast %broadcast_in_dim3A_420 : vector<16x1xi32> to vector<16xi32>
    %gather3A_422 = tpu.dynamic_gather %max3A_416[%gather3A_421] in [0] : vector<16xi32>, vector<16xi32> -> vector<16xi32>
    %max3A_423 = arith.maxsi %max3A_416, %gather3A_422 : vector<16xi32>
    %xor3A_424 = arith.constant 1 : i32
    %xor3A_425 = vector.broadcast %xor3A_424 : i32 to vector<16xi32>
    %xor3A_426 = arith.xori %iota3A, %xor3A_425 : vector<16xi32>
    %broadcast_in_dim3A_427 = vector.shape_cast %xor3A_426 : vector<16xi32> to vector<16x1xi32>
    %gather3A_428 = vector.shape_cast %broadcast_in_dim3A_427 : vector<16x1xi32> to vector<16xi32>
    %gather3A_429 = tpu.dynamic_gather %max3A_423[%gather3A_428] in [0] : vector<16xi32>, vector<16xi32> -> vector<16xi32>
    %max3A_430 = arith.maxsi %max3A_423, %gather3A_429 : vector<16xi32>
    %neg3A_431 = arith.constant 0 : i32
    %neg3A_432 = vector.broadcast %neg3A_431 : i32 to vector<16xi32>
    %neg3A_433 = arith.subi %neg3A_432, %max3A_430 : vector<16xi32>
    %eq3A_434 = arith.cmpi eq, %iota3A, %neg3A_433 : vector<16xi32>
    %add3A_435 = arith.addf %max3A_331, %max3A_397 : vector<16xf32>
    %add3A_436 = arith.addf %add3A_435, %broadcast_in_dim3A_7 : vector<16xf32>
    %div3A_437 = arith.divf %max3A_331, %add3A_436 : vector<16xf32>
    %select_n3A_438 = arith.select %eq3A_368, %div3A_437, %broadcast_in_dim3A_9 : vector<16xi1>, vector<16xf32>
    %div3A_439 = arith.divf %max3A_397, %add3A_436 : vector<16xf32>
    %select_n3A_440 = arith.select %eq3A_434, %div3A_439, %broadcast_in_dim3A_9 : vector<16xi1>, vector<16xf32>
    %add3A_441 = arith.addf %select_n3A_438, %select_n3A_440 : vector<16xf32>
    %swap3A_442 = arith.constant 2 : i32
    %swap3A_443 = arith.index_cast %swap3A_442 : i32 to index
    %swap3A_444 = arith.constant 0 : index
    %swap3A_445 = tpu.vector_load %arg5[%swap3A_443, %swap3A_444] {strides = array<i32>} : memref<8x16xf32, #tpu.memory_space<vmem>>, vector<1x16xf32>,
    %swap3A_446 = vector.shape_cast %swap3A_445 : vector<1x16xf32> to vector<16xf32>
    %swap3A_447 = vector.shape_cast %add3A_441 : vector<16xf32> to vector<1x16xf32>
    tpu.vector_store %arg5[%swap3A_443, %swap3A_444], %swap3A_447 {strides = array<i32>} : memref<8x16xf32, #tpu.memory_space<vmem>>, vector<1x16xf32>,
    %get3A_448 = arith.constant 3 : i32
    %get3A_449 = arith.index_cast %get3A_448 : i32 to index
    %get3A_450 = arith.constant 0 : index
    %get3A_451 = tpu.vector_load %arg4[%get3A_449, %get3A_450] {strides = array<i32>} : memref<8x16xf32, #tpu.memory_space<vmem>>, vector<1x16xf32>,
    %get3A_452 = vector.shape_cast %get3A_451 : vector<1x16xf32> to vector<16xf32>
    %xor3A_453 = arith.constant 8 : i32
    %xor3A_454 = vector.broadcast %xor3A_453 : i32 to vector<16xi32>
    %xor3A_455 = arith.xori %iota3A, %xor3A_454 : vector<16xi32>
    %broadcast_in_dim3A_456 = vector.shape_cast %xor3A_455 : vector<16xi32> to vector<16x1xi32>
    %gather3A_457 = vector.shape_cast %broadcast_in_dim3A_456 : vector<16x1xi32> to vector<16xi32>
    %gather3A_458 = tpu.dynamic_gather %get3A_452[%gather3A_457] in [0] : vector<16xf32>, vector<16xi32> -> vector<16xf32>
    %max3A_459 = arith.maximumf %get3A_452, %gather3A_458 : vector<16xf32>
    %xor3A_460 = arith.constant 4 : i32
    %xor3A_461 = vector.broadcast %xor3A_460 : i32 to vector<16xi32>
    %xor3A_462 = arith.xori %iota3A, %xor3A_461 : vector<16xi32>
    %broadcast_in_dim3A_463 = vector.shape_cast %xor3A_462 : vector<16xi32> to vector<16x1xi32>
    %gather3A_464 = vector.shape_cast %broadcast_in_dim3A_463 : vector<16x1xi32> to vector<16xi32>
    %gather3A_465 = tpu.dynamic_gather %max3A_459[%gather3A_464] in [0] : vector<16xf32>, vector<16xi32> -> vector<16xf32>
    %max3A_466 = arith.maximumf %max3A_459, %gather3A_465 : vector<16xf32>
    %xor3A_467 = arith.constant 2 : i32
    %xor3A_468 = vector.broadcast %xor3A_467 : i32 to vector<16xi32>
    %xor3A_469 = arith.xori %iota3A, %xor3A_468 : vector<16xi32>
    %broadcast_in_dim3A_470 = vector.shape_cast %xor3A_469 : vector<16xi32> to vector<16x1xi32>
    %gather3A_471 = vector.shape_cast %broadcast_in_dim3A_470 : vector<16x1xi32> to vector<16xi32>
    %gather3A_472 = tpu.dynamic_gather %max3A_466[%gather3A_471] in [0] : vector<16xf32>, vector<16xi32> -> vector<16xf32>
    %max3A_473 = arith.maximumf %max3A_466, %gather3A_472 : vector<16xf32>
    %xor3A_474 = arith.constant 1 : i32
    %xor3A_475 = vector.broadcast %xor3A_474 : i32 to vector<16xi32>
    %xor3A_476 = arith.xori %iota3A, %xor3A_475 : vector<16xi32>
    %broadcast_in_dim3A_477 = vector.shape_cast %xor3A_476 : vector<16xi32> to vector<16x1xi32>
    %gather3A_478 = vector.shape_cast %broadcast_in_dim3A_477 : vector<16x1xi32> to vector<16xi32>
    %gather3A_479 = tpu.dynamic_gather %max3A_473[%gather3A_478] in [0] : vector<16xf32>, vector<16xi32> -> vector<16xf32>
    %max3A_480 = arith.maximumf %max3A_473, %gather3A_479 : vector<16xf32>
    %eq3A_481 = arith.cmpf oeq, %get3A_452, %max3A_480 : vector<16xf32>
    %neg3A_482 = arith.constant 0 : i32
    %neg3A_483 = vector.broadcast %neg3A_482 : i32 to vector<16xi32>
    %neg3A_484 = arith.subi %neg3A_483, %iota3A : vector<16xi32>
    %select_n3A_485 = arith.select %eq3A_481, %neg3A_484, %broadcast_in_dim3A_3 : vector<16xi1>, vector<16xi32>
    %xor3A_486 = arith.constant 8 : i32
    %xor3A_487 = vector.broadcast %xor3A_486 : i32 to vector<16xi32>
    %xor3A_488 = arith.xori %iota3A, %xor3A_487 : vector<16xi32>
    %broadcast_in_dim3A_489 = vector.shape_cast %xor3A_488 : vector<16xi32> to vector<16x1xi32>
    %gather3A_490 = vector.shape_cast %broadcast_in_dim3A_489 : vector<16x1xi32> to vector<16xi32>
    %gather3A_491 = tpu.dynamic_gather %select_n3A_485[%gather3A_490] in [0] : vector<16xi32>, vector<16xi32> -> vector<16xi32>
    %max3A_492 = arith.maxsi %select_n3A_485, %gather3A_491 : vector<16xi32>
    %xor3A_493 = arith.constant 4 : i32
    %xor3A_494 = vector.broadcast %xor3A_493 : i32 to vector<16xi32>
    %xor3A_495 = arith.xori %iota3A, %xor3A_494 : vector<16xi32>
    %broadcast_in_dim3A_496 = vector.shape_cast %xor3A_495 : vector<16xi32> to vector<16x1xi32>
    %gather3A_497 = vector.shape_cast %broadcast_in_dim3A_496 : vector<16x1xi32> to vector<16xi32>
    %gather3A_498 = tpu.dynamic_gather %max3A_492[%gather3A_497] in [0] : vector<16xi32>, vector<16xi32> -> vector<16xi32>
    %max3A_499 = arith.maxsi %max3A_492, %gather3A_498 : vector<16xi32>
    %xor3A_500 = arith.constant 2 : i32
    %xor3A_501 = vector.broadcast %xor3A_500 : i32 to vector<16xi32>
    %xor3A_502 = arith.xori %iota3A, %xor3A_501 : vector<16xi32>
    %broadcast_in_dim3A_503 = vector.shape_cast %xor3A_502 : vector<16xi32> to vector<16x1xi32>
    %gather3A_504 = vector.shape_cast %broadcast_in_dim3A_503 : vector<16x1xi32> to vector<16xi32>
    %gather3A_505 = tpu.dynamic_gather %max3A_499[%gather3A_504] in [0] : vector<16xi32>, vector<16xi32> -> vector<16xi32>
    %max3A_506 = arith.maxsi %max3A_499, %gather3A_505 : vector<16xi32>
    %xor3A_507 = arith.constant 1 : i32
    %xor3A_508 = vector.broadcast %xor3A_507 : i32 to vector<16xi32>
    %xor3A_509 = arith.xori %iota3A, %xor3A_508 : vector<16xi32>
    %broadcast_in_dim3A_510 = vector.shape_cast %xor3A_509 : vector<16xi32> to vector<16x1xi32>
    %gather3A_511 = vector.shape_cast %broadcast_in_dim3A_510 : vector<16x1xi32> to vector<16xi32>
    %gather3A_512 = tpu.dynamic_gather %max3A_506[%gather3A_511] in [0] : vector<16xi32>, vector<16xi32> -> vector<16xi32>
    %max3A_513 = arith.maxsi %max3A_506, %gather3A_512 : vector<16xi32>
    %neg3A_514 = arith.constant 0 : i32
    %neg3A_515 = vector.broadcast %neg3A_514 : i32 to vector<16xi32>
    %neg3A_516 = arith.subi %neg3A_515, %max3A_513 : vector<16xi32>
    %eq3A_517 = arith.cmpi eq, %iota3A, %neg3A_516 : vector<16xi32>
    %select_n3A_518 = arith.select %eq3A_517, %broadcast_in_dim3A_5, %get3A_452 : vector<16xi1>, vector<16xf32>
    %xor3A_519 = arith.constant 8 : i32
    %xor3A_520 = vector.broadcast %xor3A_519 : i32 to vector<16xi32>
    %xor3A_521 = arith.xori %iota3A, %xor3A_520 : vector<16xi32>
    %broadcast_in_dim3A_522 = vector.shape_cast %xor3A_521 : vector<16xi32> to vector<16x1xi32>
    %gather3A_523 = vector.shape_cast %broadcast_in_dim3A_522 : vector<16x1xi32> to vector<16xi32>
    %gather3A_524 = tpu.dynamic_gather %select_n3A_518[%gather3A_523] in [0] : vector<16xf32>, vector<16xi32> -> vector<16xf32>
    %max3A_525 = arith.maximumf %select_n3A_518, %gather3A_524 : vector<16xf32>
    %xor3A_526 = arith.constant 4 : i32
    %xor3A_527 = vector.broadcast %xor3A_526 : i32 to vector<16xi32>
    %xor3A_528 = arith.xori %iota3A, %xor3A_527 : vector<16xi32>
    %broadcast_in_dim3A_529 = vector.shape_cast %xor3A_528 : vector<16xi32> to vector<16x1xi32>
    %gather3A_530 = vector.shape_cast %broadcast_in_dim3A_529 : vector<16x1xi32> to vector<16xi32>
    %gather3A_531 = tpu.dynamic_gather %max3A_525[%gather3A_530] in [0] : vector<16xf32>, vector<16xi32> -> vector<16xf32>
    %max3A_532 = arith.maximumf %max3A_525, %gather3A_531 : vector<16xf32>
    %xor3A_533 = arith.constant 2 : i32
    %xor3A_534 = vector.broadcast %xor3A_533 : i32 to vector<16xi32>
    %xor3A_535 = arith.xori %iota3A, %xor3A_534 : vector<16xi32>
    %broadcast_in_dim3A_536 = vector.shape_cast %xor3A_535 : vector<16xi32> to vector<16x1xi32>
    %gather3A_537 = vector.shape_cast %broadcast_in_dim3A_536 : vector<16x1xi32> to vector<16xi32>
    %gather3A_538 = tpu.dynamic_gather %max3A_532[%gather3A_537] in [0] : vector<16xf32>, vector<16xi32> -> vector<16xf32>
    %max3A_539 = arith.maximumf %max3A_532, %gather3A_538 : vector<16xf32>
    %xor3A_540 = arith.constant 1 : i32
    %xor3A_541 = vector.broadcast %xor3A_540 : i32 to vector<16xi32>
    %xor3A_542 = arith.xori %iota3A, %xor3A_541 : vector<16xi32>
    %broadcast_in_dim3A_543 = vector.shape_cast %xor3A_542 : vector<16xi32> to vector<16x1xi32>
    %gather3A_544 = vector.shape_cast %broadcast_in_dim3A_543 : vector<16x1xi32> to vector<16xi32>
    %gather3A_545 = tpu.dynamic_gather %max3A_539[%gather3A_544] in [0] : vector<16xf32>, vector<16xi32> -> vector<16xf32>
    %max3A_546 = arith.maximumf %max3A_539, %gather3A_545 : vector<16xf32>
    %eq3A_547 = arith.cmpf oeq, %select_n3A_518, %max3A_546 : vector<16xf32>
    %neg3A_548 = arith.constant 0 : i32
    %neg3A_549 = vector.broadcast %neg3A_548 : i32 to vector<16xi32>
    %neg3A_550 = arith.subi %neg3A_549, %iota3A : vector<16xi32>
    %select_n3A_551 = arith.select %eq3A_547, %neg3A_550, %broadcast_in_dim3A_3 : vector<16xi1>, vector<16xi32>
    %xor3A_552 = arith.constant 8 : i32
    %xor3A_553 = vector.broadcast %xor3A_552 : i32 to vector<16xi32>
    %xor3A_554 = arith.xori %iota3A, %xor3A_553 : vector<16xi32>
    %broadcast_in_dim3A_555 = vector.shape_cast %xor3A_554 : vector<16xi32> to vector<16x1xi32>
    %gather3A_556 = vector.shape_cast %broadcast_in_dim3A_555 : vector<16x1xi32> to vector<16xi32>
    %gather3A_557 = tpu.dynamic_gather %select_n3A_551[%gather3A_556] in [0] : vector<16xi32>, vector<16xi32> -> vector<16xi32>
    %max3A_558 = arith.maxsi %select_n3A_551, %gather3A_557 : vector<16xi32>
    %xor3A_559 = arith.constant 4 : i32
    %xor3A_560 = vector.broadcast %xor3A_559 : i32 to vector<16xi32>
    %xor3A_561 = arith.xori %iota3A, %xor3A_560 : vector<16xi32>
    %broadcast_in_dim3A_562 = vector.shape_cast %xor3A_561 : vector<16xi32> to vector<16x1xi32>
    %gather3A_563 = vector.shape_cast %broadcast_in_dim3A_562 : vector<16x1xi32> to vector<16xi32>
    %gather3A_564 = tpu.dynamic_gather %max3A_558[%gather3A_563] in [0] : vector<16xi32>, vector<16xi32> -> vector<16xi32>
    %max3A_565 = arith.maxsi %max3A_558, %gather3A_564 : vector<16xi32>
    %xor3A_566 = arith.constant 2 : i32
    %xor3A_567 = vector.broadcast %xor3A_566 : i32 to vector<16xi32>
    %xor3A_568 = arith.xori %iota3A, %xor3A_567 : vector<16xi32>
    %broadcast_in_dim3A_569 = vector.shape_cast %xor3A_568 : vector<16xi32> to vector<16x1xi32>
    %gather3A_570 = vector.shape_cast %broadcast_in_dim3A_569 : vector<16x1xi32> to vector<16xi32>
    %gather3A_571 = tpu.dynamic_gather %max3A_565[%gather3A_570] in [0] : vector<16xi32>, vector<16xi32> -> vector<16xi32>
    %max3A_572 = arith.maxsi %max3A_565, %gather3A_571 : vector<16xi32>
    %xor3A_573 = arith.constant 1 : i32
    %xor3A_574 = vector.broadcast %xor3A_573 : i32 to vector<16xi32>
    %xor3A_575 = arith.xori %iota3A, %xor3A_574 : vector<16xi32>
    %broadcast_in_dim3A_576 = vector.shape_cast %xor3A_575 : vector<16xi32> to vector<16x1xi32>
    %gather3A_577 = vector.shape_cast %broadcast_in_dim3A_576 : vector<16x1xi32> to vector<16xi32>
    %gather3A_578 = tpu.dynamic_gather %max3A_572[%gather3A_577] in [0] : vector<16xi32>, vector<16xi32> -> vector<16xi32>
    %max3A_579 = arith.maxsi %max3A_572, %gather3A_578 : vector<16xi32>
    %neg3A_580 = arith.constant 0 : i32
    %neg3A_581 = vector.broadcast %neg3A_580 : i32 to vector<16xi32>
    %neg3A_582 = arith.subi %neg3A_581, %max3A_579 : vector<16xi32>
    %eq3A_583 = arith.cmpi eq, %iota3A, %neg3A_582 : vector<16xi32>
    %add3A_584 = arith.addf %max3A_480, %max3A_546 : vector<16xf32>
    %add3A_585 = arith.addf %add3A_584, %broadcast_in_dim3A_7 : vector<16xf32>
    %div3A_586 = arith.divf %max3A_480, %add3A_585 : vector<16xf32>
    %select_n3A_587 = arith.select %eq3A_517, %div3A_586, %broadcast_in_dim3A_9 : vector<16xi1>, vector<16xf32>
    %div3A_588 = arith.divf %max3A_546, %add3A_585 : vector<16xf32>
    %select_n3A_589 = arith.select %eq3A_583, %div3A_588, %broadcast_in_dim3A_9 : vector<16xi1>, vector<16xf32>
    %add3A_590 = arith.addf %select_n3A_587, %select_n3A_589 : vector<16xf32>
    %swap3A_591 = arith.constant 3 : i32
    %swap3A_592 = arith.index_cast %swap3A_591 : i32 to index
    %swap3A_593 = arith.constant 0 : index
    %swap3A_594 = tpu.vector_load %arg5[%swap3A_592, %swap3A_593] {strides = array<i32>} : memref<8x16xf32, #tpu.memory_space<vmem>>, vector<1x16xf32>,
    %swap3A_595 = vector.shape_cast %swap3A_594 : vector<1x16xf32> to vector<16xf32>
    %swap3A_596 = vector.shape_cast %add3A_590 : vector<16xf32> to vector<1x16xf32>
    tpu.vector_store %arg5[%swap3A_592, %swap3A_593], %swap3A_596 {strides = array<i32>} : memref<8x16xf32, #tpu.memory_space<vmem>>, vector<1x16xf32>,
    %get3A_597 = arith.constant 4 : i32
    %get3A_598 = arith.index_cast %get3A_597 : i32 to index
    %get3A_599 = arith.constant 0 : index
    %get3A_600 = tpu.vector_load %arg4[%get3A_598, %get3A_599] {strides = array<i32>} : memref<8x16xf32, #tpu.memory_space<vmem>>, vector<1x16xf32>,
    %get3A_601 = vector.shape_cast %get3A_600 : vector<1x16xf32> to vector<16xf32>
    %xor3A_602 = arith.constant 8 : i32
    %xor3A_603 = vector.broadcast %xor3A_602 : i32 to vector<16xi32>
    %xor3A_604 = arith.xori %iota3A, %xor3A_603 : vector<16xi32>
    %broadcast_in_dim3A_605 = vector.shape_cast %xor3A_604 : vector<16xi32> to vector<16x1xi32>
    %gather3A_606 = vector.shape_cast %broadcast_in_dim3A_605 : vector<16x1xi32> to vector<16xi32>
    %gather3A_607 = tpu.dynamic_gather %get3A_601[%gather3A_606] in [0] : vector<16xf32>, vector<16xi32> -> vector<16xf32>
    %max3A_608 = arith.maximumf %get3A_601, %gather3A_607 : vector<16xf32>
    %xor3A_609 = arith.constant 4 : i32
    %xor3A_610 = vector.broadcast %xor3A_609 : i32 to vector<16xi32>
    %xor3A_611 = arith.xori %iota3A, %xor3A_610 : vector<16xi32>
    %broadcast_in_dim3A_612 = vector.shape_cast %xor3A_611 : vector<16xi32> to vector<16x1xi32>
    %gather3A_613 = vector.shape_cast %broadcast_in_dim3A_612 : vector<16x1xi32> to vector<16xi32>
    %gather3A_614 = tpu.dynamic_gather %max3A_608[%gather3A_613] in [0] : vector<16xf32>, vector<16xi32> -> vector<16xf32>
    %max3A_615 = arith.maximumf %max3A_608, %gather3A_614 : vector<16xf32>
    %xor3A_616 = arith.constant 2 : i32
    %xor3A_617 = vector.broadcast %xor3A_616 : i32 to vector<16xi32>
    %xor3A_618 = arith.xori %iota3A, %xor3A_617 : vector<16xi32>
    %broadcast_in_dim3A_619 = vector.shape_cast %xor3A_618 : vector<16xi32> to vector<16x1xi32>
    %gather3A_620 = vector.shape_cast %broadcast_in_dim3A_619 : vector<16x1xi32> to vector<16xi32>
    %gather3A_621 = tpu.dynamic_gather %max3A_615[%gather3A_620] in [0] : vector<16xf32>, vector<16xi32> -> vector<16xf32>
    %max3A_622 = arith.maximumf %max3A_615, %gather3A_621 : vector<16xf32>
    %xor3A_623 = arith.constant 1 : i32
    %xor3A_624 = vector.broadcast %xor3A_623 : i32 to vector<16xi32>
    %xor3A_625 = arith.xori %iota3A, %xor3A_624 : vector<16xi32>
    %broadcast_in_dim3A_626 = vector.shape_cast %xor3A_625 : vector<16xi32> to vector<16x1xi32>
    %gather3A_627 = vector.shape_cast %broadcast_in_dim3A_626 : vector<16x1xi32> to vector<16xi32>
    %gather3A_628 = tpu.dynamic_gather %max3A_622[%gather3A_627] in [0] : vector<16xf32>, vector<16xi32> -> vector<16xf32>
    %max3A_629 = arith.maximumf %max3A_622, %gather3A_628 : vector<16xf32>
    %eq3A_630 = arith.cmpf oeq, %get3A_601, %max3A_629 : vector<16xf32>
    %neg3A_631 = arith.constant 0 : i32
    %neg3A_632 = vector.broadcast %neg3A_631 : i32 to vector<16xi32>
    %neg3A_633 = arith.subi %neg3A_632, %iota3A : vector<16xi32>
    %select_n3A_634 = arith.select %eq3A_630, %neg3A_633, %broadcast_in_dim3A_3 : vector<16xi1>, vector<16xi32>
    %xor3A_635 = arith.constant 8 : i32
    %xor3A_636 = vector.broadcast %xor3A_635 : i32 to vector<16xi32>
    %xor3A_637 = arith.xori %iota3A, %xor3A_636 : vector<16xi32>
    %broadcast_in_dim3A_638 = vector.shape_cast %xor3A_637 : vector<16xi32> to vector<16x1xi32>
    %gather3A_639 = vector.shape_cast %broadcast_in_dim3A_638 : vector<16x1xi32> to vector<16xi32>
    %gather3A_640 = tpu.dynamic_gather %select_n3A_634[%gather3A_639] in [0] : vector<16xi32>, vector<16xi32> -> vector<16xi32>
    %max3A_641 = arith.maxsi %select_n3A_634, %gather3A_640 : vector<16xi32>
    %xor3A_642 = arith.constant 4 : i32
    %xor3A_643 = vector.broadcast %xor3A_642 : i32 to vector<16xi32>
    %xor3A_644 = arith.xori %iota3A, %xor3A_643 : vector<16xi32>
    %broadcast_in_dim3A_645 = vector.shape_cast %xor3A_644 : vector<16xi32> to vector<16x1xi32>
    %gather3A_646 = vector.shape_cast %broadcast_in_dim3A_645 : vector<16x1xi32> to vector<16xi32>
    %gather3A_647 = tpu.dynamic_gather %max3A_641[%gather3A_646] in [0] : vector<16xi32>, vector<16xi32> -> vector<16xi32>
    %max3A_648 = arith.maxsi %max3A_641, %gather3A_647 : vector<16xi32>
    %xor3A_649 = arith.constant 2 : i32
    %xor3A_650 = vector.broadcast %xor3A_649 : i32 to vector<16xi32>
    %xor3A_651 = arith.xori %iota3A, %xor3A_650 : vector<16xi32>
    %broadcast_in_dim3A_652 = vector.shape_cast %xor3A_651 : vector<16xi32> to vector<16x1xi32>
    %gather3A_653 = vector.shape_cast %broadcast_in_dim3A_652 : vector<16x1xi32> to vector<16xi32>
    %gather3A_654 = tpu.dynamic_gather %max3A_648[%gather3A_653] in [0] : vector<16xi32>, vector<16xi32> -> vector<16xi32>
    %max3A_655 = arith.maxsi %max3A_648, %gather3A_654 : vector<16xi32>
    %xor3A_656 = arith.constant 1 : i32
    %xor3A_657 = vector.broadcast %xor3A_656 : i32 to vector<16xi32>
    %xor3A_658 = arith.xori %iota3A, %xor3A_657 : vector<16xi32>
    %broadcast_in_dim3A_659 = vector.shape_cast %xor3A_658 : vector<16xi32> to vector<16x1xi32>
    %gather3A_660 = vector.shape_cast %broadcast_in_dim3A_659 : vector<16x1xi32> to vector<16xi32>
    %gather3A_661 = tpu.dynamic_gather %max3A_655[%gather3A_660] in [0] : vector<16xi32>, vector<16xi32> -> vector<16xi32>
    %max3A_662 = arith.maxsi %max3A_655, %gather3A_661 : vector<16xi32>
    %neg3A_663 = arith.constant 0 : i32
    %neg3A_664 = vector.broadcast %neg3A_663 : i32 to vector<16xi32>
    %neg3A_665 = arith.subi %neg3A_664, %max3A_662 : vector<16xi32>
    %eq3A_666 = arith.cmpi eq, %iota3A, %neg3A_665 : vector<16xi32>
    %select_n3A_667 = arith.select %eq3A_666, %broadcast_in_dim3A_5, %get3A_601 : vector<16xi1>, vector<16xf32>
    %xor3A_668 = arith.constant 8 : i32
    %xor3A_669 = vector.broadcast %xor3A_668 : i32 to vector<16xi32>
    %xor3A_670 = arith.xori %iota3A, %xor3A_669 : vector<16xi32>
    %broadcast_in_dim3A_671 = vector.shape_cast %xor3A_670 : vector<16xi32> to vector<16x1xi32>
    %gather3A_672 = vector.shape_cast %broadcast_in_dim3A_671 : vector<16x1xi32> to vector<16xi32>
    %gather3A_673 = tpu.dynamic_gather %select_n3A_667[%gather3A_672] in [0] : vector<16xf32>, vector<16xi32> -> vector<16xf32>
    %max3A_674 = arith.maximumf %select_n3A_667, %gather3A_673 : vector<16xf32>
    %xor3A_675 = arith.constant 4 : i32
    %xor3A_676 = vector.broadcast %xor3A_675 : i32 to vector<16xi32>
    %xor3A_677 = arith.xori %iota3A, %xor3A_676 : vector<16xi32>
    %broadcast_in_dim3A_678 = vector.shape_cast %xor3A_677 : vector<16xi32> to vector<16x1xi32>
    %gather3A_679 = vector.shape_cast %broadcast_in_dim3A_678 : vector<16x1xi32> to vector<16xi32>
    %gather3A_680 = tpu.dynamic_gather %max3A_674[%gather3A_679] in [0] : vector<16xf32>, vector<16xi32> -> vector<16xf32>
    %max3A_681 = arith.maximumf %max3A_674, %gather3A_680 : vector<16xf32>
    %xor3A_682 = arith.constant 2 : i32
    %xor3A_683 = vector.broadcast %xor3A_682 : i32 to vector<16xi32>
    %xor3A_684 = arith.xori %iota3A, %xor3A_683 : vector<16xi32>
    %broadcast_in_dim3A_685 = vector.shape_cast %xor3A_684 : vector<16xi32> to vector<16x1xi32>
    %gather3A_686 = vector.shape_cast %broadcast_in_dim3A_685 : vector<16x1xi32> to vector<16xi32>
    %gather3A_687 = tpu.dynamic_gather %max3A_681[%gather3A_686] in [0] : vector<16xf32>, vector<16xi32> -> vector<16xf32>
    %max3A_688 = arith.maximumf %max3A_681, %gather3A_687 : vector<16xf32>
    %xor3A_689 = arith.constant 1 : i32
    %xor3A_690 = vector.broadcast %xor3A_689 : i32 to vector<16xi32>
    %xor3A_691 = arith.xori %iota3A, %xor3A_690 : vector<16xi32>
    %broadcast_in_dim3A_692 = vector.shape_cast %xor3A_691 : vector<16xi32> to vector<16x1xi32>
    %gather3A_693 = vector.shape_cast %broadcast_in_dim3A_692 : vector<16x1xi32> to vector<16xi32>
    %gather3A_694 = tpu.dynamic_gather %max3A_688[%gather3A_693] in [0] : vector<16xf32>, vector<16xi32> -> vector<16xf32>
    %max3A_695 = arith.maximumf %max3A_688, %gather3A_694 : vector<16xf32>
    %eq3A_696 = arith.cmpf oeq, %select_n3A_667, %max3A_695 : vector<16xf32>
    %neg3A_697 = arith.constant 0 : i32
    %neg3A_698 = vector.broadcast %neg3A_697 : i32 to vector<16xi32>
    %neg3A_699 = arith.subi %neg3A_698, %iota3A : vector<16xi32>
    %select_n3A_700 = arith.select %eq3A_696, %neg3A_699, %broadcast_in_dim3A_3 : vector<16xi1>, vector<16xi32>
    %xor3A_701 = arith.constant 8 : i32
    %xor3A_702 = vector.broadcast %xor3A_701 : i32 to vector<16xi32>
    %xor3A_703 = arith.xori %iota3A, %xor3A_702 : vector<16xi32>
    %broadcast_in_dim3A_704 = vector.shape_cast %xor3A_703 : vector<16xi32> to vector<16x1xi32>
    %gather3A_705 = vector.shape_cast %broadcast_in_dim3A_704 : vector<16x1xi32> to vector<16xi32>
    %gather3A_706 = tpu.dynamic_gather %select_n3A_700[%gather3A_705] in [0] : vector<16xi32>, vector<16xi32> -> vector<16xi32>
    %max3A_707 = arith.maxsi %select_n3A_700, %gather3A_706 : vector<16xi32>
    %xor3A_708 = arith.constant 4 : i32
    %xor3A_709 = vector.broadcast %xor3A_708 : i32 to vector<16xi32>
    %xor3A_710 = arith.xori %iota3A, %xor3A_709 : vector<16xi32>
    %broadcast_in_dim3A_711 = vector.shape_cast %xor3A_710 : vector<16xi32> to vector<16x1xi32>
    %gather3A_712 = vector.shape_cast %broadcast_in_dim3A_711 : vector<16x1xi32> to vector<16xi32>
    %gather3A_713 = tpu.dynamic_gather %max3A_707[%gather3A_712] in [0] : vector<16xi32>, vector<16xi32> -> vector<16xi32>
    %max3A_714 = arith.maxsi %max3A_707, %gather3A_713 : vector<16xi32>
    %xor3A_715 = arith.constant 2 : i32
    %xor3A_716 = vector.broadcast %xor3A_715 : i32 to vector<16xi32>
    %xor3A_717 = arith.xori %iota3A, %xor3A_716 : vector<16xi32>
    %broadcast_in_dim3A_718 = vector.shape_cast %xor3A_717 : vector<16xi32> to vector<16x1xi32>
    %gather3A_719 = vector.shape_cast %broadcast_in_dim3A_718 : vector<16x1xi32> to vector<16xi32>
    %gather3A_720 = tpu.dynamic_gather %max3A_714[%gather3A_719] in [0] : vector<16xi32>, vector<16xi32> -> vector<16xi32>
    %max3A_721 = arith.maxsi %max3A_714, %gather3A_720 : vector<16xi32>
    %xor3A_722 = arith.constant 1 : i32
    %xor3A_723 = vector.broadcast %xor3A_722 : i32 to vector<16xi32>
    %xor3A_724 = arith.xori %iota3A, %xor3A_723 : vector<16xi32>
    %broadcast_in_dim3A_725 = vector.shape_cast %xor3A_724 : vector<16xi32> to vector<16x1xi32>
    %gather3A_726 = vector.shape_cast %broadcast_in_dim3A_725 : vector<16x1xi32> to vector<16xi32>
    %gather3A_727 = tpu.dynamic_gather %max3A_721[%gather3A_726] in [0] : vector<16xi32>, vector<16xi32> -> vector<16xi32>
    %max3A_728 = arith.maxsi %max3A_721, %gather3A_727 : vector<16xi32>
    %neg3A_729 = arith.constant 0 : i32
    %neg3A_730 = vector.broadcast %neg3A_729 : i32 to vector<16xi32>
    %neg3A_731 = arith.subi %neg3A_730, %max3A_728 : vector<16xi32>
    %eq3A_732 = arith.cmpi eq, %iota3A, %neg3A_731 : vector<16xi32>
    %add3A_733 = arith.addf %max3A_629, %max3A_695 : vector<16xf32>
    %add3A_734 = arith.addf %add3A_733, %broadcast_in_dim3A_7 : vector<16xf32>
    %div3A_735 = arith.divf %max3A_629, %add3A_734 : vector<16xf32>
    %select_n3A_736 = arith.select %eq3A_666, %div3A_735, %broadcast_in_dim3A_9 : vector<16xi1>, vector<16xf32>
    %div3A_737 = arith.divf %max3A_695, %add3A_734 : vector<16xf32>
    %select_n3A_738 = arith.select %eq3A_732, %div3A_737, %broadcast_in_dim3A_9 : vector<16xi1>, vector<16xf32>
    %add3A_739 = arith.addf %select_n3A_736, %select_n3A_738 : vector<16xf32>
    %swap3A_740 = arith.constant 4 : i32
    %swap3A_741 = arith.index_cast %swap3A_740 : i32 to index
    %swap3A_742 = arith.constant 0 : index
    %swap3A_743 = tpu.vector_load %arg5[%swap3A_741, %swap3A_742] {strides = array<i32>} : memref<8x16xf32, #tpu.memory_space<vmem>>, vector<1x16xf32>,
    %swap3A_744 = vector.shape_cast %swap3A_743 : vector<1x16xf32> to vector<16xf32>
    %swap3A_745 = vector.shape_cast %add3A_739 : vector<16xf32> to vector<1x16xf32>
    tpu.vector_store %arg5[%swap3A_741, %swap3A_742], %swap3A_745 {strides = array<i32>} : memref<8x16xf32, #tpu.memory_space<vmem>>, vector<1x16xf32>,
    %get3A_746 = arith.constant 5 : i32
    %get3A_747 = arith.index_cast %get3A_746 : i32 to index
    %get3A_748 = arith.constant 0 : index
    %get3A_749 = tpu.vector_load %arg4[%get3A_747, %get3A_748] {strides = array<i32>} : memref<8x16xf32, #tpu.memory_space<vmem>>, vector<1x16xf32>,
    %get3A_750 = vector.shape_cast %get3A_749 : vector<1x16xf32> to vector<16xf32>
    %xor3A_751 = arith.constant 8 : i32
    %xor3A_752 = vector.broadcast %xor3A_751 : i32 to vector<16xi32>
    %xor3A_753 = arith.xori %iota3A, %xor3A_752 : vector<16xi32>
    %broadcast_in_dim3A_754 = vector.shape_cast %xor3A_753 : vector<16xi32> to vector<16x1xi32>
    %gather3A_755 = vector.shape_cast %broadcast_in_dim3A_754 : vector<16x1xi32> to vector<16xi32>
    %gather3A_756 = tpu.dynamic_gather %get3A_750[%gather3A_755] in [0] : vector<16xf32>, vector<16xi32> -> vector<16xf32>
    %max3A_757 = arith.maximumf %get3A_750, %gather3A_756 : vector<16xf32>
    %xor3A_758 = arith.constant 4 : i32
    %xor3A_759 = vector.broadcast %xor3A_758 : i32 to vector<16xi32>
    %xor3A_760 = arith.xori %iota3A, %xor3A_759 : vector<16xi32>
    %broadcast_in_dim3A_761 = vector.shape_cast %xor3A_760 : vector<16xi32> to vector<16x1xi32>
    %gather3A_762 = vector.shape_cast %broadcast_in_dim3A_761 : vector<16x1xi32> to vector<16xi32>
    %gather3A_763 = tpu.dynamic_gather %max3A_757[%gather3A_762] in [0] : vector<16xf32>, vector<16xi32> -> vector<16xf32>
    %max3A_764 = arith.maximumf %max3A_757, %gather3A_763 : vector<16xf32>
    %xor3A_765 = arith.constant 2 : i32
    %xor3A_766 = vector.broadcast %xor3A_765 : i32 to vector<16xi32>
    %xor3A_767 = arith.xori %iota3A, %xor3A_766 : vector<16xi32>
    %broadcast_in_dim3A_768 = vector.shape_cast %xor3A_767 : vector<16xi32> to vector<16x1xi32>
    %gather3A_769 = vector.shape_cast %broadcast_in_dim3A_768 : vector<16x1xi32> to vector<16xi32>
    %gather3A_770 = tpu.dynamic_gather %max3A_764[%gather3A_769] in [0] : vector<16xf32>, vector<16xi32> -> vector<16xf32>
    %max3A_771 = arith.maximumf %max3A_764, %gather3A_770 : vector<16xf32>
    %xor3A_772 = arith.constant 1 : i32
    %xor3A_773 = vector.broadcast %xor3A_772 : i32 to vector<16xi32>
    %xor3A_774 = arith.xori %iota3A, %xor3A_773 : vector<16xi32>
    %broadcast_in_dim3A_775 = vector.shape_cast %xor3A_774 : vector<16xi32> to vector<16x1xi32>
    %gather3A_776 = vector.shape_cast %broadcast_in_dim3A_775 : vector<16x1xi32> to vector<16xi32>
    %gather3A_777 = tpu.dynamic_gather %max3A_771[%gather3A_776] in [0] : vector<16xf32>, vector<16xi32> -> vector<16xf32>
    %max3A_778 = arith.maximumf %max3A_771, %gather3A_777 : vector<16xf32>
    %eq3A_779 = arith.cmpf oeq, %get3A_750, %max3A_778 : vector<16xf32>
    %neg3A_780 = arith.constant 0 : i32
    %neg3A_781 = vector.broadcast %neg3A_780 : i32 to vector<16xi32>
    %neg3A_782 = arith.subi %neg3A_781, %iota3A : vector<16xi32>
    %select_n3A_783 = arith.select %eq3A_779, %neg3A_782, %broadcast_in_dim3A_3 : vector<16xi1>, vector<16xi32>
    %xor3A_784 = arith.constant 8 : i32
    %xor3A_785 = vector.broadcast %xor3A_784 : i32 to vector<16xi32>
    %xor3A_786 = arith.xori %iota3A, %xor3A_785 : vector<16xi32>
    %broadcast_in_dim3A_787 = vector.shape_cast %xor3A_786 : vector<16xi32> to vector<16x1xi32>
    %gather3A_788 = vector.shape_cast %broadcast_in_dim3A_787 : vector<16x1xi32> to vector<16xi32>
    %gather3A_789 = tpu.dynamic_gather %select_n3A_783[%gather3A_788] in [0] : vector<16xi32>, vector<16xi32> -> vector<16xi32>
    %max3A_790 = arith.maxsi %select_n3A_783, %gather3A_789 : vector<16xi32>
    %xor3A_791 = arith.constant 4 : i32
    %xor3A_792 = vector.broadcast %xor3A_791 : i32 to vector<16xi32>
    %xor3A_793 = arith.xori %iota3A, %xor3A_792 : vector<16xi32>
    %broadcast_in_dim3A_794 = vector.shape_cast %xor3A_793 : vector<16xi32> to vector<16x1xi32>
    %gather3A_795 = vector.shape_cast %broadcast_in_dim3A_794 : vector<16x1xi32> to vector<16xi32>
    %gather3A_796 = tpu.dynamic_gather %max3A_790[%gather3A_795] in [0] : vector<16xi32>, vector<16xi32> -> vector<16xi32>
    %max3A_797 = arith.maxsi %max3A_790, %gather3A_796 : vector<16xi32>
    %xor3A_798 = arith.constant 2 : i32
    %xor3A_799 = vector.broadcast %xor3A_798 : i32 to vector<16xi32>
    %xor3A_800 = arith.xori %iota3A, %xor3A_799 : vector<16xi32>
    %broadcast_in_dim3A_801 = vector.shape_cast %xor3A_800 : vector<16xi32> to vector<16x1xi32>
    %gather3A_802 = vector.shape_cast %broadcast_in_dim3A_801 : vector<16x1xi32> to vector<16xi32>
    %gather3A_803 = tpu.dynamic_gather %max3A_797[%gather3A_802] in [0] : vector<16xi32>, vector<16xi32> -> vector<16xi32>
    %max3A_804 = arith.maxsi %max3A_797, %gather3A_803 : vector<16xi32>
    %xor3A_805 = arith.constant 1 : i32
    %xor3A_806 = vector.broadcast %xor3A_805 : i32 to vector<16xi32>
    %xor3A_807 = arith.xori %iota3A, %xor3A_806 : vector<16xi32>
    %broadcast_in_dim3A_808 = vector.shape_cast %xor3A_807 : vector<16xi32> to vector<16x1xi32>
    %gather3A_809 = vector.shape_cast %broadcast_in_dim3A_808 : vector<16x1xi32> to vector<16xi32>
    %gather3A_810 = tpu.dynamic_gather %max3A_804[%gather3A_809] in [0] : vector<16xi32>, vector<16xi32> -> vector<16xi32>
    %max3A_811 = arith.maxsi %max3A_804, %gather3A_810 : vector<16xi32>
    %neg3A_812 = arith.constant 0 : i32
    %neg3A_813 = vector.broadcast %neg3A_812 : i32 to vector<16xi32>
    %neg3A_814 = arith.subi %neg3A_813, %max3A_811 : vector<16xi32>
    %eq3A_815 = arith.cmpi eq, %iota3A, %neg3A_814 : vector<16xi32>
    %select_n3A_816 = arith.select %eq3A_815, %broadcast_in_dim3A_5, %get3A_750 : vector<16xi1>, vector<16xf32>
    %xor3A_817 = arith.constant 8 : i32
    %xor3A_818 = vector.broadcast %xor3A_817 : i32 to vector<16xi32>
    %xor3A_819 = arith.xori %iota3A, %xor3A_818 : vector<16xi32>
    %broadcast_in_dim3A_820 = vector.shape_cast %xor3A_819 : vector<16xi32> to vector<16x1xi32>
    %gather3A_821 = vector.shape_cast %broadcast_in_dim3A_820 : vector<16x1xi32> to vector<16xi32>
    %gather3A_822 = tpu.dynamic_gather %select_n3A_816[%gather3A_821] in [0] : vector<16xf32>, vector<16xi32> -> vector<16xf32>
    %max3A_823 = arith.maximumf %select_n3A_816, %gather3A_822 : vector<16xf32>
    %xor3A_824 = arith.constant 4 : i32
    %xor3A_825 = vector.broadcast %xor3A_824 : i32 to vector<16xi32>
    %xor3A_826 = arith.xori %iota3A, %xor3A_825 : vector<16xi32>
    %broadcast_in_dim3A_827 = vector.shape_cast %xor3A_826 : vector<16xi32> to vector<16x1xi32>
    %gather3A_828 = vector.shape_cast %broadcast_in_dim3A_827 : vector<16x1xi32> to vector<16xi32>
    %gather3A_829 = tpu.dynamic_gather %max3A_823[%gather3A_828] in [0] : vector<16xf32>, vector<16xi32> -> vector<16xf32>
    %max3A_830 = arith.maximumf %max3A_823, %gather3A_829 : vector<16xf32>
    %xor3A_831 = arith.constant 2 : i32
    %xor3A_832 = vector.broadcast %xor3A_831 : i32 to vector<16xi32>
    %xor3A_833 = arith.xori %iota3A, %xor3A_832 : vector<16xi32>
    %broadcast_in_dim3A_834 = vector.shape_cast %xor3A_833 : vector<16xi32> to vector<16x1xi32>
    %gather3A_835 = vector.shape_cast %broadcast_in_dim3A_834 : vector<16x1xi32> to vector<16xi32>
    %gather3A_836 = tpu.dynamic_gather %max3A_830[%gather3A_835] in [0] : vector<16xf32>, vector<16xi32> -> vector<16xf32>
    %max3A_837 = arith.maximumf %max3A_830, %gather3A_836 : vector<16xf32>
    %xor3A_838 = arith.constant 1 : i32
    %xor3A_839 = vector.broadcast %xor3A_838 : i32 to vector<16xi32>
    %xor3A_840 = arith.xori %iota3A, %xor3A_839 : vector<16xi32>
    %broadcast_in_dim3A_841 = vector.shape_cast %xor3A_840 : vector<16xi32> to vector<16x1xi32>
    %gather3A_842 = vector.shape_cast %broadcast_in_dim3A_841 : vector<16x1xi32> to vector<16xi32>
    %gather3A_843 = tpu.dynamic_gather %max3A_837[%gather3A_842] in [0] : vector<16xf32>, vector<16xi32> -> vector<16xf32>
    %max3A_844 = arith.maximumf %max3A_837, %gather3A_843 : vector<16xf32>
    %eq3A_845 = arith.cmpf oeq, %select_n3A_816, %max3A_844 : vector<16xf32>
    %neg3A_846 = arith.constant 0 : i32
    %neg3A_847 = vector.broadcast %neg3A_846 : i32 to vector<16xi32>
    %neg3A_848 = arith.subi %neg3A_847, %iota3A : vector<16xi32>
    %select_n3A_849 = arith.select %eq3A_845, %neg3A_848, %broadcast_in_dim3A_3 : vector<16xi1>, vector<16xi32>
    %xor3A_850 = arith.constant 8 : i32
    %xor3A_851 = vector.broadcast %xor3A_850 : i32 to vector<16xi32>
    %xor3A_852 = arith.xori %iota3A, %xor3A_851 : vector<16xi32>
    %broadcast_in_dim3A_853 = vector.shape_cast %xor3A_852 : vector<16xi32> to vector<16x1xi32>
    %gather3A_854 = vector.shape_cast %broadcast_in_dim3A_853 : vector<16x1xi32> to vector<16xi32>
    %gather3A_855 = tpu.dynamic_gather %select_n3A_849[%gather3A_854] in [0] : vector<16xi32>, vector<16xi32> -> vector<16xi32>
    %max3A_856 = arith.maxsi %select_n3A_849, %gather3A_855 : vector<16xi32>
    %xor3A_857 = arith.constant 4 : i32
    %xor3A_858 = vector.broadcast %xor3A_857 : i32 to vector<16xi32>
    %xor3A_859 = arith.xori %iota3A, %xor3A_858 : vector<16xi32>
    %broadcast_in_dim3A_860 = vector.shape_cast %xor3A_859 : vector<16xi32> to vector<16x1xi32>
    %gather3A_861 = vector.shape_cast %broadcast_in_dim3A_860 : vector<16x1xi32> to vector<16xi32>
    %gather3A_862 = tpu.dynamic_gather %max3A_856[%gather3A_861] in [0] : vector<16xi32>, vector<16xi32> -> vector<16xi32>
    %max3A_863 = arith.maxsi %max3A_856, %gather3A_862 : vector<16xi32>
    %xor3A_864 = arith.constant 2 : i32
    %xor3A_865 = vector.broadcast %xor3A_864 : i32 to vector<16xi32>
    %xor3A_866 = arith.xori %iota3A, %xor3A_865 : vector<16xi32>
    %broadcast_in_dim3A_867 = vector.shape_cast %xor3A_866 : vector<16xi32> to vector<16x1xi32>
    %gather3A_868 = vector.shape_cast %broadcast_in_dim3A_867 : vector<16x1xi32> to vector<16xi32>
    %gather3A_869 = tpu.dynamic_gather %max3A_863[%gather3A_868] in [0] : vector<16xi32>, vector<16xi32> -> vector<16xi32>
    %max3A_870 = arith.maxsi %max3A_863, %gather3A_869 : vector<16xi32>
    %xor3A_871 = arith.constant 1 : i32
    %xor3A_872 = vector.broadcast %xor3A_871 : i32 to vector<16xi32>
    %xor3A_873 = arith.xori %iota3A, %xor3A_872 : vector<16xi32>
    %broadcast_in_dim3A_874 = vector.shape_cast %xor3A_873 : vector<16xi32> to vector<16x1xi32>
    %gather3A_875 = vector.shape_cast %broadcast_in_dim3A_874 : vector<16x1xi32> to vector<16xi32>
    %gather3A_876 = tpu.dynamic_gather %max3A_870[%gather3A_875] in [0] : vector<16xi32>, vector<16xi32> -> vector<16xi32>
    %max3A_877 = arith.maxsi %max3A_870, %gather3A_876 : vector<16xi32>
    %neg3A_878 = arith.constant 0 : i32
    %neg3A_879 = vector.broadcast %neg3A_878 : i32 to vector<16xi32>
    %neg3A_880 = arith.subi %neg3A_879, %max3A_877 : vector<16xi32>
    %eq3A_881 = arith.cmpi eq, %iota3A, %neg3A_880 : vector<16xi32>
    %add3A_882 = arith.addf %max3A_778, %max3A_844 : vector<16xf32>
    %add3A_883 = arith.addf %add3A_882, %broadcast_in_dim3A_7 : vector<16xf32>
    %div3A_884 = arith.divf %max3A_778, %add3A_883 : vector<16xf32>
    %select_n3A_885 = arith.select %eq3A_815, %div3A_884, %broadcast_in_dim3A_9 : vector<16xi1>, vector<16xf32>
    %div3A_886 = arith.divf %max3A_844, %add3A_883 : vector<16xf32>
    %select_n3A_887 = arith.select %eq3A_881, %div3A_886, %broadcast_in_dim3A_9 : vector<16xi1>, vector<16xf32>
    %add3A_888 = arith.addf %select_n3A_885, %select_n3A_887 : vector<16xf32>
    %swap3A_889 = arith.constant 5 : i32
    %swap3A_890 = arith.index_cast %swap3A_889 : i32 to index
    %swap3A_891 = arith.constant 0 : index
    %swap3A_892 = tpu.vector_load %arg5[%swap3A_890, %swap3A_891] {strides = array<i32>} : memref<8x16xf32, #tpu.memory_space<vmem>>, vector<1x16xf32>,
    %swap3A_893 = vector.shape_cast %swap3A_892 : vector<1x16xf32> to vector<16xf32>
    %swap3A_894 = vector.shape_cast %add3A_888 : vector<16xf32> to vector<1x16xf32>
    tpu.vector_store %arg5[%swap3A_890, %swap3A_891], %swap3A_894 {strides = array<i32>} : memref<8x16xf32, #tpu.memory_space<vmem>>, vector<1x16xf32>,
    %get3A_895 = arith.constant 6 : i32
    %get3A_896 = arith.index_cast %get3A_895 : i32 to index
    %get3A_897 = arith.constant 0 : index
    %get3A_898 = tpu.vector_load %arg4[%get3A_896, %get3A_897] {strides = array<i32>} : memref<8x16xf32, #tpu.memory_space<vmem>>, vector<1x16xf32>,
    %get3A_899 = vector.shape_cast %get3A_898 : vector<1x16xf32> to vector<16xf32>
    %xor3A_900 = arith.constant 8 : i32
    %xor3A_901 = vector.broadcast %xor3A_900 : i32 to vector<16xi32>
    %xor3A_902 = arith.xori %iota3A, %xor3A_901 : vector<16xi32>
    %broadcast_in_dim3A_903 = vector.shape_cast %xor3A_902 : vector<16xi32> to vector<16x1xi32>
    %gather3A_904 = vector.shape_cast %broadcast_in_dim3A_903 : vector<16x1xi32> to vector<16xi32>
    %gather3A_905 = tpu.dynamic_gather %get3A_899[%gather3A_904] in [0] : vector<16xf32>, vector<16xi32> -> vector<16xf32>
    %max3A_906 = arith.maximumf %get3A_899, %gather3A_905 : vector<16xf32>
    %xor3A_907 = arith.constant 4 : i32
    %xor3A_908 = vector.broadcast %xor3A_907 : i32 to vector<16xi32>
    %xor3A_909 = arith.xori %iota3A, %xor3A_908 : vector<16xi32>
    %broadcast_in_dim3A_910 = vector.shape_cast %xor3A_909 : vector<16xi32> to vector<16x1xi32>
    %gather3A_911 = vector.shape_cast %broadcast_in_dim3A_910 : vector<16x1xi32> to vector<16xi32>
    %gather3A_912 = tpu.dynamic_gather %max3A_906[%gather3A_911] in [0] : vector<16xf32>, vector<16xi32> -> vector<16xf32>
    %max3A_913 = arith.maximumf %max3A_906, %gather3A_912 : vector<16xf32>
    %xor3A_914 = arith.constant 2 : i32
    %xor3A_915 = vector.broadcast %xor3A_914 : i32 to vector<16xi32>
    %xor3A_916 = arith.xori %iota3A, %xor3A_915 : vector<16xi32>
    %broadcast_in_dim3A_917 = vector.shape_cast %xor3A_916 : vector<16xi32> to vector<16x1xi32>
    %gather3A_918 = vector.shape_cast %broadcast_in_dim3A_917 : vector<16x1xi32> to vector<16xi32>
    %gather3A_919 = tpu.dynamic_gather %max3A_913[%gather3A_918] in [0] : vector<16xf32>, vector<16xi32> -> vector<16xf32>
    %max3A_920 = arith.maximumf %max3A_913, %gather3A_919 : vector<16xf32>
    %xor3A_921 = arith.constant 1 : i32
    %xor3A_922 = vector.broadcast %xor3A_921 : i32 to vector<16xi32>
    %xor3A_923 = arith.xori %iota3A, %xor3A_922 : vector<16xi32>
    %broadcast_in_dim3A_924 = vector.shape_cast %xor3A_923 : vector<16xi32> to vector<16x1xi32>
    %gather3A_925 = vector.shape_cast %broadcast_in_dim3A_924 : vector<16x1xi32> to vector<16xi32>
    %gather3A_926 = tpu.dynamic_gather %max3A_920[%gather3A_925] in [0] : vector<16xf32>, vector<16xi32> -> vector<16xf32>
    %max3A_927 = arith.maximumf %max3A_920, %gather3A_926 : vector<16xf32>
    %eq3A_928 = arith.cmpf oeq, %get3A_899, %max3A_927 : vector<16xf32>
    %neg3A_929 = arith.constant 0 : i32
    %neg3A_930 = vector.broadcast %neg3A_929 : i32 to vector<16xi32>
    %neg3A_931 = arith.subi %neg3A_930, %iota3A : vector<16xi32>
    %select_n3A_932 = arith.select %eq3A_928, %neg3A_931, %broadcast_in_dim3A_3 : vector<16xi1>, vector<16xi32>
    %xor3A_933 = arith.constant 8 : i32
    %xor3A_934 = vector.broadcast %xor3A_933 : i32 to vector<16xi32>
    %xor3A_935 = arith.xori %iota3A, %xor3A_934 : vector<16xi32>
    %broadcast_in_dim3A_936 = vector.shape_cast %xor3A_935 : vector<16xi32> to vector<16x1xi32>
    %gather3A_937 = vector.shape_cast %broadcast_in_dim3A_936 : vector<16x1xi32> to vector<16xi32>
    %gather3A_938 = tpu.dynamic_gather %select_n3A_932[%gather3A_937] in [0] : vector<16xi32>, vector<16xi32> -> vector<16xi32>
    %max3A_939 = arith.maxsi %select_n3A_932, %gather3A_938 : vector<16xi32>
    %xor3A_940 = arith.constant 4 : i32
    %xor3A_941 = vector.broadcast %xor3A_940 : i32 to vector<16xi32>
    %xor3A_942 = arith.xori %iota3A, %xor3A_941 : vector<16xi32>
    %broadcast_in_dim3A_943 = vector.shape_cast %xor3A_942 : vector<16xi32> to vector<16x1xi32>
    %gather3A_944 = vector.shape_cast %broadcast_in_dim3A_943 : vector<16x1xi32> to vector<16xi32>
    %gather3A_945 = tpu.dynamic_gather %max3A_939[%gather3A_944] in [0] : vector<16xi32>, vector<16xi32> -> vector<16xi32>
    %max3A_946 = arith.maxsi %max3A_939, %gather3A_945 : vector<16xi32>
    %xor3A_947 = arith.constant 2 : i32
    %xor3A_948 = vector.broadcast %xor3A_947 : i32 to vector<16xi32>
    %xor3A_949 = arith.xori %iota3A, %xor3A_948 : vector<16xi32>
    %broadcast_in_dim3A_950 = vector.shape_cast %xor3A_949 : vector<16xi32> to vector<16x1xi32>
    %gather3A_951 = vector.shape_cast %broadcast_in_dim3A_950 : vector<16x1xi32> to vector<16xi32>
    %gather3A_952 = tpu.dynamic_gather %max3A_946[%gather3A_951] in [0] : vector<16xi32>, vector<16xi32> -> vector<16xi32>
    %max3A_953 = arith.maxsi %max3A_946, %gather3A_952 : vector<16xi32>
    %xor3A_954 = arith.constant 1 : i32
    %xor3A_955 = vector.broadcast %xor3A_954 : i32 to vector<16xi32>
    %xor3A_956 = arith.xori %iota3A, %xor3A_955 : vector<16xi32>
    %broadcast_in_dim3A_957 = vector.shape_cast %xor3A_956 : vector<16xi32> to vector<16x1xi32>
    %gather3A_958 = vector.shape_cast %broadcast_in_dim3A_957 : vector<16x1xi32> to vector<16xi32>
    %gather3A_959 = tpu.dynamic_gather %max3A_953[%gather3A_958] in [0] : vector<16xi32>, vector<16xi32> -> vector<16xi32>
    %max3A_960 = arith.maxsi %max3A_953, %gather3A_959 : vector<16xi32>
    %neg3A_961 = arith.constant 0 : i32
    %neg3A_962 = vector.broadcast %neg3A_961 : i32 to vector<16xi32>
    %neg3A_963 = arith.subi %neg3A_962, %max3A_960 : vector<16xi32>
    %eq3A_964 = arith.cmpi eq, %iota3A, %neg3A_963 : vector<16xi32>
    %select_n3A_965 = arith.select %eq3A_964, %broadcast_in_dim3A_5, %get3A_899 : vector<16xi1>, vector<16xf32>
    %xor3A_966 = arith.constant 8 : i32
    %xor3A_967 = vector.broadcast %xor3A_966 : i32 to vector<16xi32>
    %xor3A_968 = arith.xori %iota3A, %xor3A_967 : vector<16xi32>
    %broadcast_in_dim3A_969 = vector.shape_cast %xor3A_968 : vector<16xi32> to vector<16x1xi32>
    %gather3A_970 = vector.shape_cast %broadcast_in_dim3A_969 : vector<16x1xi32> to vector<16xi32>
    %gather3A_971 = tpu.dynamic_gather %select_n3A_965[%gather3A_970] in [0] : vector<16xf32>, vector<16xi32> -> vector<16xf32>
    %max3A_972 = arith.maximumf %select_n3A_965, %gather3A_971 : vector<16xf32>
    %xor3A_973 = arith.constant 4 : i32
    %xor3A_974 = vector.broadcast %xor3A_973 : i32 to vector<16xi32>
    %xor3A_975 = arith.xori %iota3A, %xor3A_974 : vector<16xi32>
    %broadcast_in_dim3A_976 = vector.shape_cast %xor3A_975 : vector<16xi32> to vector<16x1xi32>
    %gather3A_977 = vector.shape_cast %broadcast_in_dim3A_976 : vector<16x1xi32> to vector<16xi32>
    %gather3A_978 = tpu.dynamic_gather %max3A_972[%gather3A_977] in [0] : vector<16xf32>, vector<16xi32> -> vector<16xf32>
    %max3A_979 = arith.maximumf %max3A_972, %gather3A_978 : vector<16xf32>
    %xor3A_980 = arith.constant 2 : i32
    %xor3A_981 = vector.broadcast %xor3A_980 : i32 to vector<16xi32>
    %xor3A_982 = arith.xori %iota3A, %xor3A_981 : vector<16xi32>
    %broadcast_in_dim3A_983 = vector.shape_cast %xor3A_982 : vector<16xi32> to vector<16x1xi32>
    %gather3A_984 = vector.shape_cast %broadcast_in_dim3A_983 : vector<16x1xi32> to vector<16xi32>
    %gather3A_985 = tpu.dynamic_gather %max3A_979[%gather3A_984] in [0] : vector<16xf32>, vector<16xi32> -> vector<16xf32>
    %max3A_986 = arith.maximumf %max3A_979, %gather3A_985 : vector<16xf32>
    %xor3A_987 = arith.constant 1 : i32
    %xor3A_988 = vector.broadcast %xor3A_987 : i32 to vector<16xi32>
    %xor3A_989 = arith.xori %iota3A, %xor3A_988 : vector<16xi32>
    %broadcast_in_dim3A_990 = vector.shape_cast %xor3A_989 : vector<16xi32> to vector<16x1xi32>
    %gather3A_991 = vector.shape_cast %broadcast_in_dim3A_990 : vector<16x1xi32> to vector<16xi32>
    %gather3A_992 = tpu.dynamic_gather %max3A_986[%gather3A_991] in [0] : vector<16xf32>, vector<16xi32> -> vector<16xf32>
    %max3A_993 = arith.maximumf %max3A_986, %gather3A_992 : vector<16xf32>
    %eq3A_994 = arith.cmpf oeq, %select_n3A_965, %max3A_993 : vector<16xf32>
    %neg3A_995 = arith.constant 0 : i32
    %neg3A_996 = vector.broadcast %neg3A_995 : i32 to vector<16xi32>
    %neg3A_997 = arith.subi %neg3A_996, %iota3A : vector<16xi32>
    %select_n3A_998 = arith.select %eq3A_994, %neg3A_997, %broadcast_in_dim3A_3 : vector<16xi1>, vector<16xi32>
    %xor3A_999 = arith.constant 8 : i32
    %xor3A_1000 = vector.broadcast %xor3A_999 : i32 to vector<16xi32>
    %xor3A_1001 = arith.xori %iota3A, %xor3A_1000 : vector<16xi32>
    %broadcast_in_dim3A_1002 = vector.shape_cast %xor3A_1001 : vector<16xi32> to vector<16x1xi32>
    %gather3A_1003 = vector.shape_cast %broadcast_in_dim3A_1002 : vector<16x1xi32> to vector<16xi32>
    %gather3A_1004 = tpu.dynamic_gather %select_n3A_998[%gather3A_1003] in [0] : vector<16xi32>, vector<16xi32> -> vector<16xi32>
    %max3A_1005 = arith.maxsi %select_n3A_998, %gather3A_1004 : vector<16xi32>
    %xor3A_1006 = arith.constant 4 : i32
    %xor3A_1007 = vector.broadcast %xor3A_1006 : i32 to vector<16xi32>
    %xor3A_1008 = arith.xori %iota3A, %xor3A_1007 : vector<16xi32>
    %broadcast_in_dim3A_1009 = vector.shape_cast %xor3A_1008 : vector<16xi32> to vector<16x1xi32>
    %gather3A_1010 = vector.shape_cast %broadcast_in_dim3A_1009 : vector<16x1xi32> to vector<16xi32>
    %gather3A_1011 = tpu.dynamic_gather %max3A_1005[%gather3A_1010] in [0] : vector<16xi32>, vector<16xi32> -> vector<16xi32>
    %max3A_1012 = arith.maxsi %max3A_1005, %gather3A_1011 : vector<16xi32>
    %xor3A_1013 = arith.constant 2 : i32
    %xor3A_1014 = vector.broadcast %xor3A_1013 : i32 to vector<16xi32>
    %xor3A_1015 = arith.xori %iota3A, %xor3A_1014 : vector<16xi32>
    %broadcast_in_dim3A_1016 = vector.shape_cast %xor3A_1015 : vector<16xi32> to vector<16x1xi32>
    %gather3A_1017 = vector.shape_cast %broadcast_in_dim3A_1016 : vector<16x1xi32> to vector<16xi32>
    %gather3A_1018 = tpu.dynamic_gather %max3A_1012[%gather3A_1017] in [0] : vector<16xi32>, vector<16xi32> -> vector<16xi32>
    %max3A_1019 = arith.maxsi %max3A_1012, %gather3A_1018 : vector<16xi32>
    %xor3A_1020 = arith.constant 1 : i32
    %xor3A_1021 = vector.broadcast %xor3A_1020 : i32 to vector<16xi32>
    %xor3A_1022 = arith.xori %iota3A, %xor3A_1021 : vector<16xi32>
    %broadcast_in_dim3A_1023 = vector.shape_cast %xor3A_1022 : vector<16xi32> to vector<16x1xi32>
    %gather3A_1024 = vector.shape_cast %broadcast_in_dim3A_1023 : vector<16x1xi32> to vector<16xi32>
    %gather3A_1025 = tpu.dynamic_gather %max3A_1019[%gather3A_1024] in [0] : vector<16xi32>, vector<16xi32> -> vector<16xi32>
    %max3A_1026 = arith.maxsi %max3A_1019, %gather3A_1025 : vector<16xi32>
    %neg3A_1027 = arith.constant 0 : i32
    %neg3A_1028 = vector.broadcast %neg3A_1027 : i32 to vector<16xi32>
    %neg3A_1029 = arith.subi %neg3A_1028, %max3A_1026 : vector<16xi32>
    %eq3A_1030 = arith.cmpi eq, %iota3A, %neg3A_1029 : vector<16xi32>
    %add3A_1031 = arith.addf %max3A_927, %max3A_993 : vector<16xf32>
    %add3A_1032 = arith.addf %add3A_1031, %broadcast_in_dim3A_7 : vector<16xf32>
    %div3A_1033 = arith.divf %max3A_927, %add3A_1032 : vector<16xf32>
    %select_n3A_1034 = arith.select %eq3A_964, %div3A_1033, %broadcast_in_dim3A_9 : vector<16xi1>, vector<16xf32>
    %div3A_1035 = arith.divf %max3A_993, %add3A_1032 : vector<16xf32>
    %select_n3A_1036 = arith.select %eq3A_1030, %div3A_1035, %broadcast_in_dim3A_9 : vector<16xi1>, vector<16xf32>
    %add3A_1037 = arith.addf %select_n3A_1034, %select_n3A_1036 : vector<16xf32>
    %swap3A_1038 = arith.constant 6 : i32
    %swap3A_1039 = arith.index_cast %swap3A_1038 : i32 to index
    %swap3A_1040 = arith.constant 0 : index
    %swap3A_1041 = tpu.vector_load %arg5[%swap3A_1039, %swap3A_1040] {strides = array<i32>} : memref<8x16xf32, #tpu.memory_space<vmem>>, vector<1x16xf32>,
    %swap3A_1042 = vector.shape_cast %swap3A_1041 : vector<1x16xf32> to vector<16xf32>
    %swap3A_1043 = vector.shape_cast %add3A_1037 : vector<16xf32> to vector<1x16xf32>
    tpu.vector_store %arg5[%swap3A_1039, %swap3A_1040], %swap3A_1043 {strides = array<i32>} : memref<8x16xf32, #tpu.memory_space<vmem>>, vector<1x16xf32>,
    %get3A_1044 = arith.constant 7 : i32
    %get3A_1045 = arith.index_cast %get3A_1044 : i32 to index
    %get3A_1046 = arith.constant 0 : index
    %get3A_1047 = tpu.vector_load %arg4[%get3A_1045, %get3A_1046] {strides = array<i32>} : memref<8x16xf32, #tpu.memory_space<vmem>>, vector<1x16xf32>,
    %get3A_1048 = vector.shape_cast %get3A_1047 : vector<1x16xf32> to vector<16xf32>
    %xor3A_1049 = arith.constant 8 : i32
    %xor3A_1050 = vector.broadcast %xor3A_1049 : i32 to vector<16xi32>
    %xor3A_1051 = arith.xori %iota3A, %xor3A_1050 : vector<16xi32>
    %broadcast_in_dim3A_1052 = vector.shape_cast %xor3A_1051 : vector<16xi32> to vector<16x1xi32>
    %gather3A_1053 = vector.shape_cast %broadcast_in_dim3A_1052 : vector<16x1xi32> to vector<16xi32>
    %gather3A_1054 = tpu.dynamic_gather %get3A_1048[%gather3A_1053] in [0] : vector<16xf32>, vector<16xi32> -> vector<16xf32>
    %max3A_1055 = arith.maximumf %get3A_1048, %gather3A_1054 : vector<16xf32>
    %xor3A_1056 = arith.constant 4 : i32
    %xor3A_1057 = vector.broadcast %xor3A_1056 : i32 to vector<16xi32>
    %xor3A_1058 = arith.xori %iota3A, %xor3A_1057 : vector<16xi32>
    %broadcast_in_dim3A_1059 = vector.shape_cast %xor3A_1058 : vector<16xi32> to vector<16x1xi32>
    %gather3A_1060 = vector.shape_cast %broadcast_in_dim3A_1059 : vector<16x1xi32> to vector<16xi32>
    %gather3A_1061 = tpu.dynamic_gather %max3A_1055[%gather3A_1060] in [0] : vector<16xf32>, vector<16xi32> -> vector<16xf32>
    %max3A_1062 = arith.maximumf %max3A_1055, %gather3A_1061 : vector<16xf32>
    %xor3A_1063 = arith.constant 2 : i32
    %xor3A_1064 = vector.broadcast %xor3A_1063 : i32 to vector<16xi32>
    %xor3A_1065 = arith.xori %iota3A, %xor3A_1064 : vector<16xi32>
    %broadcast_in_dim3A_1066 = vector.shape_cast %xor3A_1065 : vector<16xi32> to vector<16x1xi32>
    %gather3A_1067 = vector.shape_cast %broadcast_in_dim3A_1066 : vector<16x1xi32> to vector<16xi32>
    %gather3A_1068 = tpu.dynamic_gather %max3A_1062[%gather3A_1067] in [0] : vector<16xf32>, vector<16xi32> -> vector<16xf32>
    %max3A_1069 = arith.maximumf %max3A_1062, %gather3A_1068 : vector<16xf32>
    %xor3A_1070 = arith.constant 1 : i32
    %xor3A_1071 = vector.broadcast %xor3A_1070 : i32 to vector<16xi32>
    %xor3A_1072 = arith.xori %iota3A, %xor3A_1071 : vector<16xi32>
    %broadcast_in_dim3A_1073 = vector.shape_cast %xor3A_1072 : vector<16xi32> to vector<16x1xi32>
    %gather3A_1074 = vector.shape_cast %broadcast_in_dim3A_1073 : vector<16x1xi32> to vector<16xi32>
    %gather3A_1075 = tpu.dynamic_gather %max3A_1069[%gather3A_1074] in [0] : vector<16xf32>, vector<16xi32> -> vector<16xf32>
    %max3A_1076 = arith.maximumf %max3A_1069, %gather3A_1075 : vector<16xf32>
    %eq3A_1077 = arith.cmpf oeq, %get3A_1048, %max3A_1076 : vector<16xf32>
    %neg3A_1078 = arith.constant 0 : i32
    %neg3A_1079 = vector.broadcast %neg3A_1078 : i32 to vector<16xi32>
    %neg3A_1080 = arith.subi %neg3A_1079, %iota3A : vector<16xi32>
    %select_n3A_1081 = arith.select %eq3A_1077, %neg3A_1080, %broadcast_in_dim3A_3 : vector<16xi1>, vector<16xi32>
    %xor3A_1082 = arith.constant 8 : i32
    %xor3A_1083 = vector.broadcast %xor3A_1082 : i32 to vector<16xi32>
    %xor3A_1084 = arith.xori %iota3A, %xor3A_1083 : vector<16xi32>
    %broadcast_in_dim3A_1085 = vector.shape_cast %xor3A_1084 : vector<16xi32> to vector<16x1xi32>
    %gather3A_1086 = vector.shape_cast %broadcast_in_dim3A_1085 : vector<16x1xi32> to vector<16xi32>
    %gather3A_1087 = tpu.dynamic_gather %select_n3A_1081[%gather3A_1086] in [0] : vector<16xi32>, vector<16xi32> -> vector<16xi32>
    %max3A_1088 = arith.maxsi %select_n3A_1081, %gather3A_1087 : vector<16xi32>
    %xor3A_1089 = arith.constant 4 : i32
    %xor3A_1090 = vector.broadcast %xor3A_1089 : i32 to vector<16xi32>
    %xor3A_1091 = arith.xori %iota3A, %xor3A_1090 : vector<16xi32>
    %broadcast_in_dim3A_1092 = vector.shape_cast %xor3A_1091 : vector<16xi32> to vector<16x1xi32>
    %gather3A_1093 = vector.shape_cast %broadcast_in_dim3A_1092 : vector<16x1xi32> to vector<16xi32>
    %gather3A_1094 = tpu.dynamic_gather %max3A_1088[%gather3A_1093] in [0] : vector<16xi32>, vector<16xi32> -> vector<16xi32>
    %max3A_1095 = arith.maxsi %max3A_1088, %gather3A_1094 : vector<16xi32>
    %xor3A_1096 = arith.constant 2 : i32
    %xor3A_1097 = vector.broadcast %xor3A_1096 : i32 to vector<16xi32>
    %xor3A_1098 = arith.xori %iota3A, %xor3A_1097 : vector<16xi32>
    %broadcast_in_dim3A_1099 = vector.shape_cast %xor3A_1098 : vector<16xi32> to vector<16x1xi32>
    %gather3A_1100 = vector.shape_cast %broadcast_in_dim3A_1099 : vector<16x1xi32> to vector<16xi32>
    %gather3A_1101 = tpu.dynamic_gather %max3A_1095[%gather3A_1100] in [0] : vector<16xi32>, vector<16xi32> -> vector<16xi32>
    %max3A_1102 = arith.maxsi %max3A_1095, %gather3A_1101 : vector<16xi32>
    %xor3A_1103 = arith.constant 1 : i32
    %xor3A_1104 = vector.broadcast %xor3A_1103 : i32 to vector<16xi32>
    %xor3A_1105 = arith.xori %iota3A, %xor3A_1104 : vector<16xi32>
    %broadcast_in_dim3A_1106 = vector.shape_cast %xor3A_1105 : vector<16xi32> to vector<16x1xi32>
    %gather3A_1107 = vector.shape_cast %broadcast_in_dim3A_1106 : vector<16x1xi32> to vector<16xi32>
    %gather3A_1108 = tpu.dynamic_gather %max3A_1102[%gather3A_1107] in [0] : vector<16xi32>, vector<16xi32> -> vector<16xi32>
    %max3A_1109 = arith.maxsi %max3A_1102, %gather3A_1108 : vector<16xi32>
    %neg3A_1110 = arith.constant 0 : i32
    %neg3A_1111 = vector.broadcast %neg3A_1110 : i32 to vector<16xi32>
    %neg3A_1112 = arith.subi %neg3A_1111, %max3A_1109 : vector<16xi32>
    %eq3A_1113 = arith.cmpi eq, %iota3A, %neg3A_1112 : vector<16xi32>
    %select_n3A_1114 = arith.select %eq3A_1113, %broadcast_in_dim3A_5, %get3A_1048 : vector<16xi1>, vector<16xf32>
    %xor3A_1115 = arith.constant 8 : i32
    %xor3A_1116 = vector.broadcast %xor3A_1115 : i32 to vector<16xi32>
    %xor3A_1117 = arith.xori %iota3A, %xor3A_1116 : vector<16xi32>
    %broadcast_in_dim3A_1118 = vector.shape_cast %xor3A_1117 : vector<16xi32> to vector<16x1xi32>
    %gather3A_1119 = vector.shape_cast %broadcast_in_dim3A_1118 : vector<16x1xi32> to vector<16xi32>
    %gather3A_1120 = tpu.dynamic_gather %select_n3A_1114[%gather3A_1119] in [0] : vector<16xf32>, vector<16xi32> -> vector<16xf32>
    %max3A_1121 = arith.maximumf %select_n3A_1114, %gather3A_1120 : vector<16xf32>
    %xor3A_1122 = arith.constant 4 : i32
    %xor3A_1123 = vector.broadcast %xor3A_1122 : i32 to vector<16xi32>
    %xor3A_1124 = arith.xori %iota3A, %xor3A_1123 : vector<16xi32>
    %broadcast_in_dim3A_1125 = vector.shape_cast %xor3A_1124 : vector<16xi32> to vector<16x1xi32>
    %gather3A_1126 = vector.shape_cast %broadcast_in_dim3A_1125 : vector<16x1xi32> to vector<16xi32>
    %gather3A_1127 = tpu.dynamic_gather %max3A_1121[%gather3A_1126] in [0] : vector<16xf32>, vector<16xi32> -> vector<16xf32>
    %max3A_1128 = arith.maximumf %max3A_1121, %gather3A_1127 : vector<16xf32>
    %xor3A_1129 = arith.constant 2 : i32
    %xor3A_1130 = vector.broadcast %xor3A_1129 : i32 to vector<16xi32>
    %xor3A_1131 = arith.xori %iota3A, %xor3A_1130 : vector<16xi32>
    %broadcast_in_dim3A_1132 = vector.shape_cast %xor3A_1131 : vector<16xi32> to vector<16x1xi32>
    %gather3A_1133 = vector.shape_cast %broadcast_in_dim3A_1132 : vector<16x1xi32> to vector<16xi32>
    %gather3A_1134 = tpu.dynamic_gather %max3A_1128[%gather3A_1133] in [0] : vector<16xf32>, vector<16xi32> -> vector<16xf32>
    %max3A_1135 = arith.maximumf %max3A_1128, %gather3A_1134 : vector<16xf32>
    %xor3A_1136 = arith.constant 1 : i32
    %xor3A_1137 = vector.broadcast %xor3A_1136 : i32 to vector<16xi32>
    %xor3A_1138 = arith.xori %iota3A, %xor3A_1137 : vector<16xi32>
    %broadcast_in_dim3A_1139 = vector.shape_cast %xor3A_1138 : vector<16xi32> to vector<16x1xi32>
    %gather3A_1140 = vector.shape_cast %broadcast_in_dim3A_1139 : vector<16x1xi32> to vector<16xi32>
    %gather3A_1141 = tpu.dynamic_gather %max3A_1135[%gather3A_1140] in [0] : vector<16xf32>, vector<16xi32> -> vector<16xf32>
    %max3A_1142 = arith.maximumf %max3A_1135, %gather3A_1141 : vector<16xf32>
    %eq3A_1143 = arith.cmpf oeq, %select_n3A_1114, %max3A_1142 : vector<16xf32>
    %neg3A_1144 = arith.constant 0 : i32
    %neg3A_1145 = vector.broadcast %neg3A_1144 : i32 to vector<16xi32>
    %neg3A_1146 = arith.subi %neg3A_1145, %iota3A : vector<16xi32>
    %select_n3A_1147 = arith.select %eq3A_1143, %neg3A_1146, %broadcast_in_dim3A_3 : vector<16xi1>, vector<16xi32>
    %xor3A_1148 = arith.constant 8 : i32
    %xor3A_1149 = vector.broadcast %xor3A_1148 : i32 to vector<16xi32>
    %xor3A_1150 = arith.xori %iota3A, %xor3A_1149 : vector<16xi32>
    %broadcast_in_dim3A_1151 = vector.shape_cast %xor3A_1150 : vector<16xi32> to vector<16x1xi32>
    %gather3A_1152 = vector.shape_cast %broadcast_in_dim3A_1151 : vector<16x1xi32> to vector<16xi32>
    %gather3A_1153 = tpu.dynamic_gather %select_n3A_1147[%gather3A_1152] in [0] : vector<16xi32>, vector<16xi32> -> vector<16xi32>
    %max3A_1154 = arith.maxsi %select_n3A_1147, %gather3A_1153 : vector<16xi32>
    %xor3A_1155 = arith.constant 4 : i32
    %xor3A_1156 = vector.broadcast %xor3A_1155 : i32 to vector<16xi32>
    %xor3A_1157 = arith.xori %iota3A, %xor3A_1156 : vector<16xi32>
    %broadcast_in_dim3A_1158 = vector.shape_cast %xor3A_1157 : vector<16xi32> to vector<16x1xi32>
    %gather3A_1159 = vector.shape_cast %broadcast_in_dim3A_1158 : vector<16x1xi32> to vector<16xi32>
    %gather3A_1160 = tpu.dynamic_gather %max3A_1154[%gather3A_1159] in [0] : vector<16xi32>, vector<16xi32> -> vector<16xi32>
    %max3A_1161 = arith.maxsi %max3A_1154, %gather3A_1160 : vector<16xi32>
    %xor3A_1162 = arith.constant 2 : i32
    %xor3A_1163 = vector.broadcast %xor3A_1162 : i32 to vector<16xi32>
    %xor3A_1164 = arith.xori %iota3A, %xor3A_1163 : vector<16xi32>
    %broadcast_in_dim3A_1165 = vector.shape_cast %xor3A_1164 : vector<16xi32> to vector<16x1xi32>
    %gather3A_1166 = vector.shape_cast %broadcast_in_dim3A_1165 : vector<16x1xi32> to vector<16xi32>
    %gather3A_1167 = tpu.dynamic_gather %max3A_1161[%gather3A_1166] in [0] : vector<16xi32>, vector<16xi32> -> vector<16xi32>
    %max3A_1168 = arith.maxsi %max3A_1161, %gather3A_1167 : vector<16xi32>
    %xor3A_1169 = arith.constant 1 : i32
    %xor3A_1170 = vector.broadcast %xor3A_1169 : i32 to vector<16xi32>
    %xor3A_1171 = arith.xori %iota3A, %xor3A_1170 : vector<16xi32>
    %broadcast_in_dim3A_1172 = vector.shape_cast %xor3A_1171 : vector<16xi32> to vector<16x1xi32>
    %gather3A_1173 = vector.shape_cast %broadcast_in_dim3A_1172 : vector<16x1xi32> to vector<16xi32>
    %gather3A_1174 = tpu.dynamic_gather %max3A_1168[%gather3A_1173] in [0] : vector<16xi32>, vector<16xi32> -> vector<16xi32>
    %max3A_1175 = arith.maxsi %max3A_1168, %gather3A_1174 : vector<16xi32>
    %neg3A_1176 = arith.constant 0 : i32
    %neg3A_1177 = vector.broadcast %neg3A_1176 : i32 to vector<16xi32>
    %neg3A_1178 = arith.subi %neg3A_1177, %max3A_1175 : vector<16xi32>
    %eq3A_1179 = arith.cmpi eq, %iota3A, %neg3A_1178 : vector<16xi32>
    %add3A_1180 = arith.addf %max3A_1076, %max3A_1142 : vector<16xf32>
    %add3A_1181 = arith.addf %add3A_1180, %broadcast_in_dim3A_7 : vector<16xf32>
    %div3A_1182 = arith.divf %max3A_1076, %add3A_1181 : vector<16xf32>
    %select_n3A_1183 = arith.select %eq3A_1113, %div3A_1182, %broadcast_in_dim3A_9 : vector<16xi1>, vector<16xf32>
    %div3A_1184 = arith.divf %max3A_1142, %add3A_1181 : vector<16xf32>
    %select_n3A_1185 = arith.select %eq3A_1179, %div3A_1184, %broadcast_in_dim3A_9 : vector<16xi1>, vector<16xf32>
    %add3A_1186 = arith.addf %select_n3A_1183, %select_n3A_1185 : vector<16xf32>
    %swap3A_1187 = arith.constant 7 : i32
    %swap3A_1188 = arith.index_cast %swap3A_1187 : i32 to index
    %swap3A_1189 = arith.constant 0 : index
    %swap3A_1190 = tpu.vector_load %arg5[%swap3A_1188, %swap3A_1189] {strides = array<i32>} : memref<8x16xf32, #tpu.memory_space<vmem>>, vector<1x16xf32>,
    %swap3A_1191 = vector.shape_cast %swap3A_1190 : vector<1x16xf32> to vector<16xf32>
    %swap3A_1192 = vector.shape_cast %add3A_1186 : vector<16xf32> to vector<1x16xf32>
    tpu.vector_store %arg5[%swap3A_1188, %swap3A_1189], %swap3A_1192 {strides = array<i32>} : memref<8x16xf32, #tpu.memory_space<vmem>>, vector<1x16xf32>,
    "tpu.region"() ({
      %run_scoped3A = tpu.sem_alloc : memref<!tpu.dma_semaphore, #tpu.memory_space<semaphore_mem>>
      %dma_start3A = arith.constant 0 : i32
      %dma_start3A_1193 = tpu.memref_slice %arg3[%mul3A_2, %dma_start3A] : memref<256x16xf32, #tpu.memory_space<hbm>> -> memref<8x16xf32, #tpu.memory_space<hbm>>
      %dma_start3A_1194 = arith.constant 0 : i32
      %dma_start3A_1195 = tpu.memref_slice %arg3[%mul3A_2, %dma_start3A_1194] : memref<256x16xf32, #tpu.memory_space<hbm>> -> memref<8x16xf32, #tpu.memory_space<hbm>>
      tpu.enqueue_dma source(%arg5 : memref<8x16xf32, #tpu.memory_space<vmem>>) target(%dma_start3A_1195 : memref<8x16xf32, #tpu.memory_space<hbm>>) target_semaphore(%run_scoped3A : memref<!tpu.dma_semaphore, #tpu.memory_space<semaphore_mem>>)
      %dma_wait3A = arith.constant 0 : i32
      %dma_wait3A_1196 = tpu.memref_slice %arg3[%mul3A_2, %dma_wait3A] : memref<256x16xf32, #tpu.memory_space<hbm>> -> memref<8x16xf32, #tpu.memory_space<hbm>>
      %dma_wait3A_1197 = arith.constant 0 : i32
      %dma_wait3A_1198 = tpu.memref_slice %arg3[%mul3A_2, %dma_wait3A_1197] : memref<256x16xf32, #tpu.memory_space<hbm>> -> memref<8x16xf32, #tpu.memory_space<hbm>>
      tpu.wait_dma2 semaphore(%run_scoped3A : memref<!tpu.dma_semaphore, #tpu.memory_space<semaphore_mem>>) src(%arg5 : memref<8x16xf32, #tpu.memory_space<vmem>>) dst(%dma_wait3A_1198 : memref<8x16xf32, #tpu.memory_space<hbm>>)
      tpu.yield
    }) : () -> ()
    return
  }
}

module attributes {stable_mosaic.version = 14 : i64} {
  func.func @_enc_body(%arg0: i32, %arg1: memref<3x16384xbf16, #tpu.memory_space<vmem>>, %arg2: memref<19x256xf32, #tpu.memory_space<vmem>>, %arg3: memref<64x3xbf16, #tpu.memory_space<vmem>>, %arg4: memref<64x1xf32, #tpu.memory_space<vmem>>, %arg5: memref<128x64xbf16, #tpu.memory_space<vmem>>, %arg6: memref<128x1xf32, #tpu.memory_space<vmem>>, %arg7: memref<256x128xbf16, #tpu.memory_space<vmem>>, %arg8: memref<256x1xf32, #tpu.memory_space<vmem>>, %arg9: memref<256x256xbf16, #tpu.memory_space<vmem>>, %arg10: memref<256x1xf32, #tpu.memory_space<vmem>>, %arg11: memref<64x19xf32, #tpu.memory_space<vmem>>, %arg12: memref<64x1xf32, #tpu.memory_space<vmem>>, %arg13: memref<64x64xf32, #tpu.memory_space<vmem>>, %arg14: memref<64x1xf32, #tpu.memory_space<vmem>>, %arg15: memref<16x320xf32, #tpu.memory_space<vmem>>, %arg16: memref<16x1xf32, #tpu.memory_space<vmem>>, %arg17: memref<256x256xbf16, #tpu.memory_space<vmem>>, %arg18: memref<320x256xf32, #tpu.memory_space<vmem>>, %arg19: memref<256x16xf32, #tpu.memory_space<vmem>>, %arg20: memref<1x1xf32, #tpu.memory_space<vmem>>) attributes {dimension_semantics = [#tpu.dimension_semantics<arbitrary>], iteration_bounds = array<i64: 8>, scalar_prefetch = 0 : i64, scratch_operands = 0 : i64, tpu.core_type = #tpu.core_type<tc>, window_params = [{transform_indices = @transform_0, window_bounds = array<i64: 3, 16384>}, {pipeline_mode = #tpu.pipeline_mode<synchronous>, transform_indices = @transform_1, window_bounds = array<i64: 19, 256>}, {pipeline_mode = #tpu.pipeline_mode<synchronous>, transform_indices = @transform_2, window_bounds = array<i64: 64, 3>}, {pipeline_mode = #tpu.pipeline_mode<synchronous>, transform_indices = @transform_3, window_bounds = array<i64: 64, 1>}, {pipeline_mode = #tpu.pipeline_mode<synchronous>, transform_indices = @transform_4, window_bounds = array<i64: 128, 64>}, {pipeline_mode = #tpu.pipeline_mode<synchronous>, transform_indices = @transform_5, window_bounds = array<i64: 128, 1>}, {pipeline_mode = #tpu.pipeline_mode<synchronous>, transform_indices = @transform_6, window_bounds = array<i64: 256, 128>}, {pipeline_mode = #tpu.pipeline_mode<synchronous>, transform_indices = @transform_7, window_bounds = array<i64: 256, 1>}, {pipeline_mode = #tpu.pipeline_mode<synchronous>, transform_indices = @transform_8, window_bounds = array<i64: 256, 256>}, {pipeline_mode = #tpu.pipeline_mode<synchronous>, transform_indices = @transform_9, window_bounds = array<i64: 256, 1>}, {pipeline_mode = #tpu.pipeline_mode<synchronous>, transform_indices = @transform_10, window_bounds = array<i64: 64, 19>}, {pipeline_mode = #tpu.pipeline_mode<synchronous>, transform_indices = @transform_11, window_bounds = array<i64: 64, 1>}, {pipeline_mode = #tpu.pipeline_mode<synchronous>, transform_indices = @transform_12, window_bounds = array<i64: 64, 64>}, {pipeline_mode = #tpu.pipeline_mode<synchronous>, transform_indices = @transform_13, window_bounds = array<i64: 64, 1>}, {pipeline_mode = #tpu.pipeline_mode<synchronous>, transform_indices = @transform_14, window_bounds = array<i64: 16, 320>}, {pipeline_mode = #tpu.pipeline_mode<synchronous>, transform_indices = @transform_15, window_bounds = array<i64: 16, 1>}, {pipeline_mode = #tpu.pipeline_mode<synchronous>, transform_indices = @transform_16, window_bounds = array<i64: 256, 256>}, {pipeline_mode = #tpu.pipeline_mode<synchronous>, transform_indices = @transform_17, window_bounds = array<i64: 320, 256>}, {pipeline_mode = #tpu.pipeline_mode<synchronous>, transform_indices = @transform_18, window_bounds = array<i64: 256, 16>}, {pipeline_mode = #tpu.pipeline_mode<synchronous>, transform_indices = @transform_19, window_bounds = array<i64: 1, 1>}]} {
    %get3A = arith.constant 0 : index
    %get3A_0 = arith.constant 0 : index
    %get3A_1 = vector.load %arg1[%get3A, %get3A_0] : memref<3x16384xbf16, #tpu.memory_space<vmem>>, vector<3x16384xbf16>
    %get3A_2 = arith.constant 0 : index
    %get3A_3 = arith.constant 0 : index
    %get3A_4 = vector.load %arg3[%get3A_2, %get3A_3] : memref<64x3xbf16, #tpu.memory_space<vmem>>, vector<64x3xbf16>
    %dot_general3A = arith.constant dense<0.000000e+00> : vector<64x16384xf32>
    %dot_general3A_5 = tpu.matmul %get3A_4, %get3A_1, %dot_general3A {dimension_numbers = #tpu.dot_dimension_numbers<[1], [0], [0], [1], [0, 0, 1, 1], [], []>, transpose_lhs_hint = false} : vector<64x3xbf16>, vector<3x16384xbf16>, vector<64x16384xf32> -> vector<64x16384xf32>
    %get3A_6 = arith.constant 0 : index
    %get3A_7 = arith.constant 0 : index
    %get3A_8 = vector.load %arg4[%get3A_6, %get3A_7] : memref<64x1xf32, #tpu.memory_space<vmem>>, vector<64x1xf32>
    %add3A = vector.broadcast %get3A_8 : vector<64x1xf32> to vector<64x16384xf32>
    %add3A_9 = arith.addf %dot_general3A_5, %add3A : vector<64x16384xf32>
    %max3A = arith.constant 0.000000e+00 : f32
    %max3A_10 = vector.broadcast %max3A : f32 to vector<64x16384xf32>
    %max3A_11 = arith.maximumf %add3A_9, %max3A_10 : vector<64x16384xf32>
    %convert_element_type3A = arith.truncf %max3A_11 : vector<64x16384xf32> to vector<64x16384xbf16>
    %get3A_12 = arith.constant 0 : index
    %get3A_13 = arith.constant 0 : index
    %get3A_14 = vector.load %arg5[%get3A_12, %get3A_13] : memref<128x64xbf16, #tpu.memory_space<vmem>>, vector<128x64xbf16>
    %dot_general3A_15 = arith.constant dense<0.000000e+00> : vector<128x16384xf32>
    %dot_general3A_16 = tpu.matmul %get3A_14, %convert_element_type3A, %dot_general3A_15 {dimension_numbers = #tpu.dot_dimension_numbers<[1], [0], [0], [1], [0, 0, 1, 1], [], []>, transpose_lhs_hint = false} : vector<128x64xbf16>, vector<64x16384xbf16>, vector<128x16384xf32> -> vector<128x16384xf32>
    %get3A_17 = arith.constant 0 : index
    %get3A_18 = arith.constant 0 : index
    %get3A_19 = vector.load %arg6[%get3A_17, %get3A_18] : memref<128x1xf32, #tpu.memory_space<vmem>>, vector<128x1xf32>
    %add3A_20 = vector.broadcast %get3A_19 : vector<128x1xf32> to vector<128x16384xf32>
    %add3A_21 = arith.addf %dot_general3A_16, %add3A_20 : vector<128x16384xf32>
    %max3A_22 = arith.constant 0.000000e+00 : f32
    %max3A_23 = vector.broadcast %max3A_22 : f32 to vector<128x16384xf32>
    %max3A_24 = arith.maximumf %add3A_21, %max3A_23 : vector<128x16384xf32>
    %convert_element_type3A_25 = arith.truncf %max3A_24 : vector<128x16384xf32> to vector<128x16384xbf16>
    %get3A_26 = arith.constant 0 : index
    %get3A_27 = arith.constant 0 : index
    %get3A_28 = vector.load %arg7[%get3A_26, %get3A_27] : memref<256x128xbf16, #tpu.memory_space<vmem>>, vector<256x128xbf16>
    %dot_general3A_29 = arith.constant dense<0.000000e+00> : vector<256x16384xf32>
    %dot_general3A_30 = tpu.matmul %get3A_28, %convert_element_type3A_25, %dot_general3A_29 {dimension_numbers = #tpu.dot_dimension_numbers<[1], [0], [0], [1], [0, 0, 1, 1], [], []>, transpose_lhs_hint = false} : vector<256x128xbf16>, vector<128x16384xbf16>, vector<256x16384xf32> -> vector<256x16384xf32>
    %get3A_31 = arith.constant 0 : index
    %get3A_32 = arith.constant 0 : index
    %get3A_33 = vector.load %arg8[%get3A_31, %get3A_32] : memref<256x1xf32, #tpu.memory_space<vmem>>, vector<256x1xf32>
    %add3A_34 = vector.broadcast %get3A_33 : vector<256x1xf32> to vector<256x16384xf32>
    %add3A_35 = arith.addf %dot_general3A_30, %add3A_34 : vector<256x16384xf32>
    %max3A_36 = arith.constant 0.000000e+00 : f32
    %max3A_37 = vector.broadcast %max3A_36 : f32 to vector<256x16384xf32>
    %max3A_38 = arith.maximumf %add3A_35, %max3A_37 : vector<256x16384xf32>
    %convert_element_type3A_39 = arith.truncf %max3A_38 : vector<256x16384xf32> to vector<256x16384xbf16>
    %slice3A = vector.extract_strided_slice %convert_element_type3A_39 {offsets = [0, 0], sizes = [256, 8192], strides = [1, 1]} : vector<256x16384xbf16> to vector<256x8192xbf16>
    %slice3A_40 = vector.extract_strided_slice %convert_element_type3A_39 {offsets = [0, 8192], sizes = [256, 8192], strides = [1, 1]} : vector<256x16384xbf16> to vector<256x8192xbf16>
    %max3A_41 = arith.maximumf %slice3A, %slice3A_40 : vector<256x8192xbf16>
    %slice3A_42 = vector.extract_strided_slice %max3A_41 {offsets = [0, 0], sizes = [256, 4096], strides = [1, 1]} : vector<256x8192xbf16> to vector<256x4096xbf16>
    %slice3A_43 = vector.extract_strided_slice %max3A_41 {offsets = [0, 4096], sizes = [256, 4096], strides = [1, 1]} : vector<256x8192xbf16> to vector<256x4096xbf16>
    %max3A_44 = arith.maximumf %slice3A_42, %slice3A_43 : vector<256x4096xbf16>
    %slice3A_45 = vector.extract_strided_slice %max3A_44 {offsets = [0, 0], sizes = [256, 2048], strides = [1, 1]} : vector<256x4096xbf16> to vector<256x2048xbf16>
    %slice3A_46 = vector.extract_strided_slice %max3A_44 {offsets = [0, 2048], sizes = [256, 2048], strides = [1, 1]} : vector<256x4096xbf16> to vector<256x2048xbf16>
    %max3A_47 = arith.maximumf %slice3A_45, %slice3A_46 : vector<256x2048xbf16>
    %slice3A_48 = vector.extract_strided_slice %max3A_47 {offsets = [0, 0], sizes = [256, 1024], strides = [1, 1]} : vector<256x2048xbf16> to vector<256x1024xbf16>
    %slice3A_49 = vector.extract_strided_slice %max3A_47 {offsets = [0, 1024], sizes = [256, 1024], strides = [1, 1]} : vector<256x2048xbf16> to vector<256x1024xbf16>
    %max3A_50 = arith.maximumf %slice3A_48, %slice3A_49 : vector<256x1024xbf16>
    %slice3A_51 = vector.extract_strided_slice %max3A_50 {offsets = [0, 0], sizes = [256, 512], strides = [1, 1]} : vector<256x1024xbf16> to vector<256x512xbf16>
    %slice3A_52 = vector.extract_strided_slice %max3A_50 {offsets = [0, 512], sizes = [256, 512], strides = [1, 1]} : vector<256x1024xbf16> to vector<256x512xbf16>
    %max3A_53 = arith.maximumf %slice3A_51, %slice3A_52 : vector<256x512xbf16>
    %slice3A_54 = vector.extract_strided_slice %max3A_53 {offsets = [0, 0], sizes = [256, 256], strides = [1, 1]} : vector<256x512xbf16> to vector<256x256xbf16>
    %slice3A_55 = vector.extract_strided_slice %max3A_53 {offsets = [0, 256], sizes = [256, 256], strides = [1, 1]} : vector<256x512xbf16> to vector<256x256xbf16>
    %max3A_56 = arith.maximumf %slice3A_54, %slice3A_55 : vector<256x256xbf16>
    %eq3A = arith.constant 0 : i32
    %eq3A_57 = arith.cmpi eq, %arg0, %eq3A : i32
    %convert_element_type3A_58 = arith.extui %eq3A_57 : i1 to i32
    %cond3A = arith.constant 0 : i32
    %cond3A_59 = arith.cmpi ne, %convert_element_type3A_58, %cond3A : i32
    scf.if %cond3A_59 {
      %swap3A = arith.constant 0 : index
      %swap3A_69 = arith.constant 0 : index
      %swap3A_70 = vector.load %arg17[%swap3A, %swap3A_69] : memref<256x256xbf16, #tpu.memory_space<vmem>>, vector<256x256xbf16>
      tpu.vector_store %arg17[%swap3A, %swap3A_69], %max3A_56 {strides = array<i32>} : memref<256x256xbf16, #tpu.memory_space<vmem>>, vector<256x256xbf16>,
    } else {
    }
    %gt3A = arith.constant 0 : i32
    %gt3A_60 = arith.cmpi sgt, %arg0, %gt3A : i32
    %convert_element_type3A_61 = arith.extui %gt3A_60 : i1 to i32
    %cond3A_62 = arith.constant 0 : i32
    %cond3A_63 = arith.cmpi ne, %convert_element_type3A_61, %cond3A_62 : i32
    scf.if %cond3A_63 {
      %get3A_69 = arith.constant 0 : index
      %get3A_70 = arith.constant 0 : index
      %get3A_71 = vector.load %arg17[%get3A_69, %get3A_70] : memref<256x256xbf16, #tpu.memory_space<vmem>>, vector<256x256xbf16>
      %max3A_72 = arith.maximumf %get3A_71, %max3A_56 : vector<256x256xbf16>
      %swap3A = arith.constant 0 : index
      %swap3A_73 = arith.constant 0 : index
      %swap3A_74 = vector.load %arg17[%swap3A, %swap3A_73] : memref<256x256xbf16, #tpu.memory_space<vmem>>, vector<256x256xbf16>
      tpu.vector_store %arg17[%swap3A, %swap3A_73], %max3A_72 {strides = array<i32>} : memref<256x256xbf16, #tpu.memory_space<vmem>>, vector<256x256xbf16>,
    } else {
    }
    %eq3A_64 = arith.constant 7 : i32
    %eq3A_65 = arith.cmpi eq, %arg0, %eq3A_64 : i32
    %convert_element_type3A_66 = arith.extui %eq3A_65 : i1 to i32
    %cond3A_67 = arith.constant 0 : i32
    %cond3A_68 = arith.cmpi ne, %convert_element_type3A_66, %cond3A_67 : i32
    scf.if %cond3A_68 {
      %get3A_69 = arith.constant 0 : index
      %get3A_70 = arith.constant 0 : index
      %get3A_71 = vector.load %arg17[%get3A_69, %get3A_70] : memref<256x256xbf16, #tpu.memory_space<vmem>>, vector<256x256xbf16>
      %get3A_72 = arith.constant 0 : index
      %get3A_73 = arith.constant 0 : index
      %get3A_74 = vector.load %arg9[%get3A_72, %get3A_73] : memref<256x256xbf16, #tpu.memory_space<vmem>>, vector<256x256xbf16>
      %dot_general3A_75 = arith.constant dense<0.000000e+00> : vector<256x256xf32>
      %dot_general3A_76 = tpu.matmul %get3A_74, %get3A_71, %dot_general3A_75 {dimension_numbers = #tpu.dot_dimension_numbers<[1], [0], [0], [1], [0, 0, 1, 1], [], []>, transpose_lhs_hint = false} : vector<256x256xbf16>, vector<256x256xbf16>, vector<256x256xf32> -> vector<256x256xf32>
      %get3A_77 = arith.constant 0 : index
      %get3A_78 = arith.constant 0 : index
      %get3A_79 = vector.load %arg10[%get3A_77, %get3A_78] : memref<256x1xf32, #tpu.memory_space<vmem>>, vector<256x1xf32>
      %add3A_80 = vector.broadcast %get3A_79 : vector<256x1xf32> to vector<256x256xf32>
      %add3A_81 = arith.addf %dot_general3A_76, %add3A_80 : vector<256x256xf32>
      %get3A_82 = arith.constant 0 : index
      %get3A_83 = arith.constant 0 : index
      %get3A_84 = vector.load %arg2[%get3A_82, %get3A_83] : memref<19x256xf32, #tpu.memory_space<vmem>>, vector<19x256xf32>
      %get3A_85 = arith.constant 0 : index
      %get3A_86 = arith.constant 0 : index
      %get3A_87 = vector.load %arg11[%get3A_85, %get3A_86] : memref<64x19xf32, #tpu.memory_space<vmem>>, vector<64x19xf32>
      %dot_general3A_88 = arith.constant dense<0.000000e+00> : vector<64x256xf32>
      %dot_general3A_89 = tpu.matmul %get3A_87, %get3A_84, %dot_general3A_88 {dimension_numbers = #tpu.dot_dimension_numbers<[1], [0], [0], [1], [0, 0, 1, 1], [], []>, transpose_lhs_hint = false} : vector<64x19xf32>, vector<19x256xf32>, vector<64x256xf32> -> vector<64x256xf32>
      %get3A_90 = arith.constant 0 : index
      %get3A_91 = arith.constant 0 : index
      %get3A_92 = vector.load %arg12[%get3A_90, %get3A_91] : memref<64x1xf32, #tpu.memory_space<vmem>>, vector<64x1xf32>
      %add3A_93 = vector.broadcast %get3A_92 : vector<64x1xf32> to vector<64x256xf32>
      %add3A_94 = arith.addf %dot_general3A_89, %add3A_93 : vector<64x256xf32>
      %max3A_95 = arith.constant 0.000000e+00 : f32
      %max3A_96 = vector.broadcast %max3A_95 : f32 to vector<64x256xf32>
      %max3A_97 = arith.maximumf %add3A_94, %max3A_96 : vector<64x256xf32>
      %get3A_98 = arith.constant 0 : index
      %get3A_99 = arith.constant 0 : index
      %get3A_100 = vector.load %arg13[%get3A_98, %get3A_99] : memref<64x64xf32, #tpu.memory_space<vmem>>, vector<64x64xf32>
      %dot_general3A_101 = arith.constant dense<0.000000e+00> : vector<64x256xf32>
      %dot_general3A_102 = tpu.matmul %get3A_100, %max3A_97, %dot_general3A_101 {dimension_numbers = #tpu.dot_dimension_numbers<[1], [0], [0], [1], [0, 0, 1, 1], [], []>, transpose_lhs_hint = false} : vector<64x64xf32>, vector<64x256xf32>, vector<64x256xf32> -> vector<64x256xf32>
      %get3A_103 = arith.constant 0 : index
      %get3A_104 = arith.constant 0 : index
      %get3A_105 = vector.load %arg14[%get3A_103, %get3A_104] : memref<64x1xf32, #tpu.memory_space<vmem>>, vector<64x1xf32>
      %add3A_106 = vector.broadcast %get3A_105 : vector<64x1xf32> to vector<64x256xf32>
      %add3A_107 = arith.addf %dot_general3A_102, %add3A_106 : vector<64x256xf32>
      %concatenate3A = tpu.concatenate %add3A_81, %add3A_107 in 0 : vector<256x256xf32>, vector<64x256xf32> -> vector<320x256xf32>
      %swap3A = arith.constant 0 : index
      %swap3A_108 = arith.constant 0 : index
      %swap3A_109 = vector.load %arg18[%swap3A, %swap3A_108] : memref<320x256xf32, #tpu.memory_space<vmem>>, vector<320x256xf32>
      tpu.vector_store %arg18[%swap3A, %swap3A_108], %concatenate3A {strides = array<i32>} : memref<320x256xf32, #tpu.memory_space<vmem>>, vector<320x256xf32>,
      %get3A_110 = arith.constant 0 : index
      %get3A_111 = arith.constant 0 : index
      %get3A_112 = vector.load %arg15[%get3A_110, %get3A_111] : memref<16x320xf32, #tpu.memory_space<vmem>>, vector<16x320xf32>
      %dot_general3A_113 = arith.constant dense<0.000000e+00> : vector<16x256xf32>
      %dot_general3A_114 = tpu.matmul %get3A_112, %concatenate3A, %dot_general3A_113 {dimension_numbers = #tpu.dot_dimension_numbers<[1], [0], [0], [1], [0, 0, 1, 1], [], []>, transpose_lhs_hint = false} : vector<16x320xf32>, vector<320x256xf32>, vector<16x256xf32> -> vector<16x256xf32>
      %get3A_115 = arith.constant 0 : index
      %get3A_116 = arith.constant 0 : index
      %get3A_117 = vector.load %arg16[%get3A_115, %get3A_116] : memref<16x1xf32, #tpu.memory_space<vmem>>, vector<16x1xf32>
      %add3A_118 = vector.broadcast %get3A_117 : vector<16x1xf32> to vector<16x256xf32>
      %add3A_119 = arith.addf %dot_general3A_114, %add3A_118 : vector<16x256xf32>
      %reduce_max3A = arith.constant dense<0xFF800000> : vector<256xf32>
      %reduce_max3A_120 = vector.multi_reduction <maximumf>, %add3A_119, %reduce_max3A [0] : vector<16x256xf32> to vector<256xf32>
      %broadcast_in_dim3A = vector.shape_cast %reduce_max3A_120 : vector<256xf32> to vector<1x256xf32>
      %sub3A = vector.broadcast %broadcast_in_dim3A : vector<1x256xf32> to vector<16x256xf32>
      %sub3A_121 = arith.subf %add3A_119, %sub3A : vector<16x256xf32>
      %exp3A = math.exp %sub3A_121 : vector<16x256xf32>
      %reduce_sum3A = arith.constant dense<0.000000e+00> : vector<256xf32>
      %reduce_sum3A_122 = vector.multi_reduction <add>, %exp3A, %reduce_sum3A [0] : vector<16x256xf32> to vector<256xf32>
      %broadcast_in_dim3A_123 = vector.shape_cast %reduce_sum3A_122 : vector<256xf32> to vector<1x256xf32>
      %div3A = vector.broadcast %broadcast_in_dim3A_123 : vector<1x256xf32> to vector<16x256xf32>
      %div3A_124 = arith.divf %exp3A, %div3A : vector<16x256xf32>
      %transpose3A = tpu.transpose %div3A_124, [1, 0] : vector<16x256xf32> -> vector<256x16xf32>
      %swap3A_125 = arith.constant 0 : index
      %swap3A_126 = arith.constant 0 : index
      %swap3A_127 = vector.load %arg19[%swap3A_125, %swap3A_126] : memref<256x16xf32, #tpu.memory_space<vmem>>, vector<256x16xf32>
      tpu.vector_store %arg19[%swap3A_125, %swap3A_126], %transpose3A {strides = array<i32>} : memref<256x16xf32, #tpu.memory_space<vmem>>, vector<256x16xf32>,
      %add3A_128 = arith.constant 9.99999971E-10 : f32
      %add3A_129 = vector.broadcast %add3A_128 : f32 to vector<16x256xf32>
      %add3A_130 = arith.addf %div3A_124, %add3A_129 : vector<16x256xf32>
      %log3A = math.log %add3A_130 : vector<16x256xf32>
      %mul3A = arith.mulf %div3A_124, %log3A : vector<16x256xf32>
      %reduce_sum3A_131 = vector.shape_cast %mul3A : vector<16x256xf32> to vector<1x16x256xf32>
      %reduce_sum3A_132 = arith.constant dense<0.000000e+00> : vector<1xf32>
      %reduce_sum3A_133 = vector.multi_reduction <add>, %reduce_sum3A_131, %reduce_sum3A_132 [1, 2] : vector<1x16x256xf32> to vector<1xf32>
      %reduce_sum3A_134 = vector.shape_cast %reduce_sum3A_133 : vector<1xf32> to vector<1x1x1xf32>
      %reduce_sum3A_135 = vector.extract %reduce_sum3A_134[0, 0, 0] : f32 from vector<1x1x1xf32>
      %neg3A = arith.constant 0.000000e+00 : f32
      %neg3A_136 = arith.subf %neg3A, %reduce_sum3A_135 : f32
      %div3A_137 = arith.constant 2.560000e+02 : f32
      %div3A_138 = arith.divf %neg3A_136, %div3A_137 : f32
      %mul3A_139 = arith.constant -0.00999999977 : f32
      %mul3A_140 = arith.mulf %mul3A_139, %div3A_138 : f32
      %reshape3A = vector.broadcast %mul3A_140 : f32 to vector<1x1xf32>
      %swap3A_141 = arith.constant 0 : index
      %swap3A_142 = arith.constant 0 : index
      %swap3A_143 = vector.load %arg20[%swap3A_141, %swap3A_142] : memref<1x1xf32, #tpu.memory_space<vmem>>, vector<1x1xf32>
      tpu.vector_store %arg20[%swap3A_141, %swap3A_142], %reshape3A {strides = array<i32>} : memref<1x1xf32, #tpu.memory_space<vmem>>, vector<1x1xf32>,
    } else {
    }
    return
  }
  func.func @transform_0(%arg0: i32) -> (i32, i32) {
    %c0_i32 = arith.constant 0 : i32
    %c0_i32_0 = arith.constant 0 : i32
    return %c0_i32, %arg0 : i32, i32
  }
  func.func @transform_1(%arg0: i32) -> (i32, i32) {
    %c0_i32 = arith.constant 0 : i32
    %c0_i32_0 = arith.constant 0 : i32
    %c0_i32_1 = arith.constant 0 : i32
    return %c0_i32, %c0_i32_0 : i32, i32
  }
  func.func @transform_2(%arg0: i32) -> (i32, i32) {
    %c0_i32 = arith.constant 0 : i32
    %c0_i32_0 = arith.constant 0 : i32
    %c0_i32_1 = arith.constant 0 : i32
    return %c0_i32, %c0_i32_0 : i32, i32
  }
  func.func @transform_3(%arg0: i32) -> (i32, i32) {
    %c0_i32 = arith.constant 0 : i32
    %c0_i32_0 = arith.constant 0 : i32
    %c0_i32_1 = arith.constant 0 : i32
    return %c0_i32, %c0_i32_0 : i32, i32
  }
  func.func @transform_4(%arg0: i32) -> (i32, i32) {
    %c0_i32 = arith.constant 0 : i32
    %c0_i32_0 = arith.constant 0 : i32
    %c0_i32_1 = arith.constant 0 : i32
    return %c0_i32, %c0_i32_0 : i32, i32
  }
  func.func @transform_5(%arg0: i32) -> (i32, i32) {
    %c0_i32 = arith.constant 0 : i32
    %c0_i32_0 = arith.constant 0 : i32
    %c0_i32_1 = arith.constant 0 : i32
    return %c0_i32, %c0_i32_0 : i32, i32
  }
  func.func @transform_6(%arg0: i32) -> (i32, i32) {
    %c0_i32 = arith.constant 0 : i32
    %c0_i32_0 = arith.constant 0 : i32
    %c0_i32_1 = arith.constant 0 : i32
    return %c0_i32, %c0_i32_0 : i32, i32
  }
  func.func @transform_7(%arg0: i32) -> (i32, i32) {
    %c0_i32 = arith.constant 0 : i32
    %c0_i32_0 = arith.constant 0 : i32
    %c0_i32_1 = arith.constant 0 : i32
    return %c0_i32, %c0_i32_0 : i32, i32
  }
  func.func @transform_8(%arg0: i32) -> (i32, i32) {
    %c0_i32 = arith.constant 0 : i32
    %c0_i32_0 = arith.constant 0 : i32
    %c0_i32_1 = arith.constant 0 : i32
    return %c0_i32, %c0_i32_0 : i32, i32
  }
  func.func @transform_9(%arg0: i32) -> (i32, i32) {
    %c0_i32 = arith.constant 0 : i32
    %c0_i32_0 = arith.constant 0 : i32
    %c0_i32_1 = arith.constant 0 : i32
    return %c0_i32, %c0_i32_0 : i32, i32
  }
  func.func @transform_10(%arg0: i32) -> (i32, i32) {
    %c0_i32 = arith.constant 0 : i32
    %c0_i32_0 = arith.constant 0 : i32
    %c0_i32_1 = arith.constant 0 : i32
    return %c0_i32, %c0_i32_0 : i32, i32
  }
  func.func @transform_11(%arg0: i32) -> (i32, i32) {
    %c0_i32 = arith.constant 0 : i32
    %c0_i32_0 = arith.constant 0 : i32
    %c0_i32_1 = arith.constant 0 : i32
    return %c0_i32, %c0_i32_0 : i32, i32
  }
  func.func @transform_12(%arg0: i32) -> (i32, i32) {
    %c0_i32 = arith.constant 0 : i32
    %c0_i32_0 = arith.constant 0 : i32
    %c0_i32_1 = arith.constant 0 : i32
    return %c0_i32, %c0_i32_0 : i32, i32
  }
  func.func @transform_13(%arg0: i32) -> (i32, i32) {
    %c0_i32 = arith.constant 0 : i32
    %c0_i32_0 = arith.constant 0 : i32
    %c0_i32_1 = arith.constant 0 : i32
    return %c0_i32, %c0_i32_0 : i32, i32
  }
  func.func @transform_14(%arg0: i32) -> (i32, i32) {
    %c0_i32 = arith.constant 0 : i32
    %c0_i32_0 = arith.constant 0 : i32
    %c0_i32_1 = arith.constant 0 : i32
    return %c0_i32, %c0_i32_0 : i32, i32
  }
  func.func @transform_15(%arg0: i32) -> (i32, i32) {
    %c0_i32 = arith.constant 0 : i32
    %c0_i32_0 = arith.constant 0 : i32
    %c0_i32_1 = arith.constant 0 : i32
    return %c0_i32, %c0_i32_0 : i32, i32
  }
  func.func @transform_16(%arg0: i32) -> (i32, i32) {
    %c0_i32 = arith.constant 0 : i32
    %c0_i32_0 = arith.constant 0 : i32
    %c0_i32_1 = arith.constant 0 : i32
    return %c0_i32, %c0_i32_0 : i32, i32
  }
  func.func @transform_17(%arg0: i32) -> (i32, i32) {
    %c0_i32 = arith.constant 0 : i32
    %c0_i32_0 = arith.constant 0 : i32
    %c0_i32_1 = arith.constant 0 : i32
    return %c0_i32, %c0_i32_0 : i32, i32
  }
  func.func @transform_18(%arg0: i32) -> (i32, i32) {
    %c0_i32 = arith.constant 0 : i32
    %c0_i32_0 = arith.constant 0 : i32
    %c0_i32_1 = arith.constant 0 : i32
    return %c0_i32, %c0_i32_0 : i32, i32
  }
  func.func @transform_19(%arg0: i32) -> (i32, i32) {
    %c0_i32 = arith.constant 0 : i32
    %c0_i32_0 = arith.constant 0 : i32
    %c0_i32_1 = arith.constant 0 : i32
    return %c0_i32, %c0_i32_0 : i32, i32
  }
}

module attributes {stable_mosaic.version = 14 : i64} {
  func.func @_exp_body(%arg0: memref<320x256xf32, #tpu.memory_space<vmem>>, %arg1: memref<256x16xf32, #tpu.memory_space<vmem>>, %arg2: memref<256x16xf32, #tpu.memory_space<vmem>>, %arg3: memref<16x320x256xbf16, #tpu.memory_space<vmem>>, %arg4: memref<256x16xf32, #tpu.memory_space<vmem>>, %arg5: memref<16x256x320xbf16, #tpu.memory_space<vmem>>, %arg6: memref<320x16xf32, #tpu.memory_space<vmem>>, %arg7: memref<320x256xf32, #tpu.memory_space<vmem>>, %arg8: memref<1x1xf32, #tpu.memory_space<vmem>>) attributes {dimension_semantics = [], scalar_prefetch = 0 : i64, scratch_operands = 0 : i64, tpu.core_type = #tpu.core_type<tc>} {
    %get3A = arith.constant 0 : index
    %get3A_0 = arith.constant 0 : index
    %get3A_1 = vector.load %arg0[%get3A, %get3A_0] : memref<320x256xf32, #tpu.memory_space<vmem>>, vector<320x256xf32>
    %get3A_2 = arith.constant 0 : index
    %get3A_3 = arith.constant 0 : index
    %get3A_4 = vector.load %arg1[%get3A_2, %get3A_3] : memref<256x16xf32, #tpu.memory_space<vmem>>, vector<256x16xf32>
    %transpose3A = tpu.transpose %get3A_4, [1, 0] : vector<256x16xf32> -> vector<16x256xf32>
    %gt3A = arith.constant 0.000000e+00 : f32
    %gt3A_5 = vector.broadcast %gt3A : f32 to vector<256x16xf32>
    %gt3A_6 = arith.cmpf ogt, %get3A_4, %gt3A_5 : vector<256x16xf32>
    %convert_element_type3A = arith.extui %gt3A_6 : vector<256x16xi1> to vector<256x16xi32>
    %convert_element_type3A_7 = arith.sitofp %convert_element_type3A : vector<256x16xi32> to vector<256x16xf32>
    %reduce_sum3A = arith.constant dense<0.000000e+00> : vector<16xf32>
    %reduce_sum3A_8 = vector.multi_reduction <add>, %convert_element_type3A_7, %reduce_sum3A [0] : vector<256x16xf32> to vector<16xf32>
    %broadcast_in_dim3A = vector.shape_cast %reduce_sum3A_8 : vector<16xf32> to vector<1x16xf32>
    %div3A = arith.constant 5.120000e+02 : f32
    %div3A_9 = vector.broadcast %div3A : f32 to vector<1x16xf32>
    %div3A_10 = arith.divf %broadcast_in_dim3A, %div3A_9 : vector<1x16xf32>
    %get3A_11 = arith.constant 0 : index
    %get3A_12 = arith.constant 0 : index
    %get3A_13 = vector.load %arg2[%get3A_11, %get3A_12] : memref<256x16xf32, #tpu.memory_space<vmem>>, vector<256x16xf32>
    %reduce_sum3A_14 = arith.constant dense<0.000000e+00> : vector<16xf32>
    %reduce_sum3A_15 = vector.multi_reduction <add>, %get3A_13, %reduce_sum3A_14 [0] : vector<256x16xf32> to vector<16xf32>
    %broadcast_in_dim3A_16 = vector.shape_cast %reduce_sum3A_15 : vector<16xf32> to vector<1x16xf32>
    %div3A_17 = arith.constant 2.560000e+02 : f32
    %div3A_18 = vector.broadcast %div3A_17 : f32 to vector<1x16xf32>
    %div3A_19 = arith.divf %broadcast_in_dim3A_16, %div3A_18 : vector<1x16xf32>
    %mul3A = arith.mulf %div3A_10, %div3A_19 : vector<1x16xf32>
    %reduce_sum3A_20 = vector.shape_cast %mul3A : vector<1x16xf32> to vector<1x1x16xf32>
    %reduce_sum3A_21 = arith.constant dense<0.000000e+00> : vector<1xf32>
    %reduce_sum3A_22 = vector.multi_reduction <add>, %reduce_sum3A_20, %reduce_sum3A_21 [1, 2] : vector<1x1x16xf32> to vector<1xf32>
    %reduce_sum3A_23 = vector.shape_cast %reduce_sum3A_22 : vector<1xf32> to vector<1x1x1xf32>
    %reduce_sum3A_24 = vector.extract %reduce_sum3A_23[0, 0, 0] : f32 from vector<1x1x1xf32>
    %mul3A_25 = arith.constant 1.600000e+00 : f32
    %mul3A_26 = arith.mulf %mul3A_25, %reduce_sum3A_24 : f32
    %reshape3A = vector.broadcast %mul3A_26 : f32 to vector<1x1xf32>
    %swap3A = arith.constant 0 : index
    %swap3A_27 = arith.constant 0 : index
    %swap3A_28 = vector.load %arg8[%swap3A, %swap3A_27] : memref<1x1xf32, #tpu.memory_space<vmem>>, vector<1x1xf32>
    tpu.vector_store %arg8[%swap3A, %swap3A_27], %reshape3A {strides = array<i32>} : memref<1x1xf32, #tpu.memory_space<vmem>>, vector<1x1xf32>,
    %convert_element_type3A_29 = arith.truncf %get3A_1 : vector<320x256xf32> to vector<320x256xbf16>
    %get3A_30 = arith.constant 0 : index
    %get3A_31 = arith.constant 0 : index
    %get3A_32 = arith.constant 0 : index
    %get3A_33 = vector.load %arg3[%get3A_30, %get3A_31, %get3A_32] : memref<16x320x256xbf16, #tpu.memory_space<vmem>>, vector<1x320x256xbf16>
    %get3A_34 = vector.shape_cast %get3A_33 : vector<1x320x256xbf16> to vector<320x256xbf16>
    %dot_general3A = arith.constant dense<0.000000e+00> : vector<256x256xf32>
    %dot_general3A_35 = tpu.matmul %get3A_34, %convert_element_type3A_29, %dot_general3A {dimension_numbers = #tpu.dot_dimension_numbers<[0], [0], [1], [1], [0, 1, 1, 1], [], []>, transpose_lhs_hint = false} : vector<320x256xbf16>, vector<320x256xbf16>, vector<256x256xf32> -> vector<256x256xf32>
    %get3A_36 = arith.constant 0 : index
    %get3A_37 = arith.constant 0 : index
    %get3A_38 = vector.load %arg4[%get3A_36, %get3A_37] : memref<256x16xf32, #tpu.memory_space<vmem>>, vector<256x1xf32>
    %add3A = vector.broadcast %get3A_38 : vector<256x1xf32> to vector<256x256xf32>
    %add3A_39 = arith.addf %dot_general3A_35, %add3A : vector<256x256xf32>
    %max3A = arith.constant 0.000000e+00 : f32
    %max3A_40 = vector.broadcast %max3A : f32 to vector<256x256xf32>
    %max3A_41 = arith.maximumf %add3A_39, %max3A_40 : vector<256x256xf32>
    %convert_element_type3A_42 = arith.truncf %max3A_41 : vector<256x256xf32> to vector<256x256xbf16>
    %get3A_43 = arith.constant 0 : index
    %get3A_44 = arith.constant 0 : index
    %get3A_45 = arith.constant 0 : index
    %get3A_46 = vector.load %arg5[%get3A_43, %get3A_44, %get3A_45] : memref<16x256x320xbf16, #tpu.memory_space<vmem>>, vector<1x256x320xbf16>
    %get3A_47 = vector.shape_cast %get3A_46 : vector<1x256x320xbf16> to vector<256x320xbf16>
    %dot_general3A_48 = arith.constant dense<0.000000e+00> : vector<320x256xf32>
    %dot_general3A_49 = tpu.matmul %get3A_47, %convert_element_type3A_42, %dot_general3A_48 {dimension_numbers = #tpu.dot_dimension_numbers<[0], [0], [1], [1], [0, 1, 1, 1], [], []>, transpose_lhs_hint = false} : vector<256x320xbf16>, vector<256x256xbf16>, vector<320x256xf32> -> vector<320x256xf32>
    %get3A_50 = arith.constant 0 : index
    %get3A_51 = arith.constant 0 : index
    %get3A_52 = vector.load %arg6[%get3A_50, %get3A_51] : memref<320x16xf32, #tpu.memory_space<vmem>>, vector<320x1xf32>
    %add3A_53 = vector.broadcast %get3A_52 : vector<320x1xf32> to vector<320x256xf32>
    %add3A_54 = arith.addf %dot_general3A_49, %add3A_53 : vector<320x256xf32>
    %slice3A = vector.extract_strided_slice %transpose3A {offsets = [0, 0], sizes = [1, 256], strides = [1, 1]} : vector<16x256xf32> to vector<1x256xf32>
    %mul3A_55 = vector.broadcast %slice3A : vector<1x256xf32> to vector<320x256xf32>
    %mul3A_56 = arith.mulf %mul3A_55, %add3A_54 : vector<320x256xf32>
    %add3A_57 = arith.addf %get3A_1, %mul3A_56 : vector<320x256xf32>
    %get3A_58 = arith.constant 1 : index
    %get3A_59 = arith.constant 0 : index
    %get3A_60 = arith.constant 0 : index
    %get3A_61 = vector.load %arg3[%get3A_58, %get3A_59, %get3A_60] : memref<16x320x256xbf16, #tpu.memory_space<vmem>>, vector<1x320x256xbf16>
    %get3A_62 = vector.shape_cast %get3A_61 : vector<1x320x256xbf16> to vector<320x256xbf16>
    %dot_general3A_63 = arith.constant dense<0.000000e+00> : vector<256x256xf32>
    %dot_general3A_64 = tpu.matmul %get3A_62, %convert_element_type3A_29, %dot_general3A_63 {dimension_numbers = #tpu.dot_dimension_numbers<[0], [0], [1], [1], [0, 1, 1, 1], [], []>, transpose_lhs_hint = false} : vector<320x256xbf16>, vector<320x256xbf16>, vector<256x256xf32> -> vector<256x256xf32>
    %get3A_65 = arith.constant 0 : index
    %get3A_66 = arith.constant 1 : index
    %get3A_67 = vector.load %arg4[%get3A_65, %get3A_66] : memref<256x16xf32, #tpu.memory_space<vmem>>, vector<256x1xf32>
    %add3A_68 = vector.broadcast %get3A_67 : vector<256x1xf32> to vector<256x256xf32>
    %add3A_69 = arith.addf %dot_general3A_64, %add3A_68 : vector<256x256xf32>
    %max3A_70 = arith.constant 0.000000e+00 : f32
    %max3A_71 = vector.broadcast %max3A_70 : f32 to vector<256x256xf32>
    %max3A_72 = arith.maximumf %add3A_69, %max3A_71 : vector<256x256xf32>
    %convert_element_type3A_73 = arith.truncf %max3A_72 : vector<256x256xf32> to vector<256x256xbf16>
    %get3A_74 = arith.constant 1 : index
    %get3A_75 = arith.constant 0 : index
    %get3A_76 = arith.constant 0 : index
    %get3A_77 = vector.load %arg5[%get3A_74, %get3A_75, %get3A_76] : memref<16x256x320xbf16, #tpu.memory_space<vmem>>, vector<1x256x320xbf16>
    %get3A_78 = vector.shape_cast %get3A_77 : vector<1x256x320xbf16> to vector<256x320xbf16>
    %dot_general3A_79 = arith.constant dense<0.000000e+00> : vector<320x256xf32>
    %dot_general3A_80 = tpu.matmul %get3A_78, %convert_element_type3A_73, %dot_general3A_79 {dimension_numbers = #tpu.dot_dimension_numbers<[0], [0], [1], [1], [0, 1, 1, 1], [], []>, transpose_lhs_hint = false} : vector<256x320xbf16>, vector<256x256xbf16>, vector<320x256xf32> -> vector<320x256xf32>
    %get3A_81 = arith.constant 0 : index
    %get3A_82 = arith.constant 1 : index
    %get3A_83 = vector.load %arg6[%get3A_81, %get3A_82] : memref<320x16xf32, #tpu.memory_space<vmem>>, vector<320x1xf32>
    %add3A_84 = vector.broadcast %get3A_83 : vector<320x1xf32> to vector<320x256xf32>
    %add3A_85 = arith.addf %dot_general3A_80, %add3A_84 : vector<320x256xf32>
    %slice3A_86 = vector.extract_strided_slice %transpose3A {offsets = [1, 0], sizes = [1, 256], strides = [1, 1]} : vector<16x256xf32> to vector<1x256xf32>
    %mul3A_87 = vector.broadcast %slice3A_86 : vector<1x256xf32> to vector<320x256xf32>
    %mul3A_88 = arith.mulf %mul3A_87, %add3A_85 : vector<320x256xf32>
    %add3A_89 = arith.addf %add3A_57, %mul3A_88 : vector<320x256xf32>
    %get3A_90 = arith.constant 2 : index
    %get3A_91 = arith.constant 0 : index
    %get3A_92 = arith.constant 0 : index
    %get3A_93 = vector.load %arg3[%get3A_90, %get3A_91, %get3A_92] : memref<16x320x256xbf16, #tpu.memory_space<vmem>>, vector<1x320x256xbf16>
    %get3A_94 = vector.shape_cast %get3A_93 : vector<1x320x256xbf16> to vector<320x256xbf16>
    %dot_general3A_95 = arith.constant dense<0.000000e+00> : vector<256x256xf32>
    %dot_general3A_96 = tpu.matmul %get3A_94, %convert_element_type3A_29, %dot_general3A_95 {dimension_numbers = #tpu.dot_dimension_numbers<[0], [0], [1], [1], [0, 1, 1, 1], [], []>, transpose_lhs_hint = false} : vector<320x256xbf16>, vector<320x256xbf16>, vector<256x256xf32> -> vector<256x256xf32>
    %get3A_97 = arith.constant 0 : index
    %get3A_98 = arith.constant 2 : index
    %get3A_99 = vector.load %arg4[%get3A_97, %get3A_98] : memref<256x16xf32, #tpu.memory_space<vmem>>, vector<256x1xf32>
    %add3A_100 = vector.broadcast %get3A_99 : vector<256x1xf32> to vector<256x256xf32>
    %add3A_101 = arith.addf %dot_general3A_96, %add3A_100 : vector<256x256xf32>
    %max3A_102 = arith.constant 0.000000e+00 : f32
    %max3A_103 = vector.broadcast %max3A_102 : f32 to vector<256x256xf32>
    %max3A_104 = arith.maximumf %add3A_101, %max3A_103 : vector<256x256xf32>
    %convert_element_type3A_105 = arith.truncf %max3A_104 : vector<256x256xf32> to vector<256x256xbf16>
    %get3A_106 = arith.constant 2 : index
    %get3A_107 = arith.constant 0 : index
    %get3A_108 = arith.constant 0 : index
    %get3A_109 = vector.load %arg5[%get3A_106, %get3A_107, %get3A_108] : memref<16x256x320xbf16, #tpu.memory_space<vmem>>, vector<1x256x320xbf16>
    %get3A_110 = vector.shape_cast %get3A_109 : vector<1x256x320xbf16> to vector<256x320xbf16>
    %dot_general3A_111 = arith.constant dense<0.000000e+00> : vector<320x256xf32>
    %dot_general3A_112 = tpu.matmul %get3A_110, %convert_element_type3A_105, %dot_general3A_111 {dimension_numbers = #tpu.dot_dimension_numbers<[0], [0], [1], [1], [0, 1, 1, 1], [], []>, transpose_lhs_hint = false} : vector<256x320xbf16>, vector<256x256xbf16>, vector<320x256xf32> -> vector<320x256xf32>
    %get3A_113 = arith.constant 0 : index
    %get3A_114 = arith.constant 2 : index
    %get3A_115 = vector.load %arg6[%get3A_113, %get3A_114] : memref<320x16xf32, #tpu.memory_space<vmem>>, vector<320x1xf32>
    %add3A_116 = vector.broadcast %get3A_115 : vector<320x1xf32> to vector<320x256xf32>
    %add3A_117 = arith.addf %dot_general3A_112, %add3A_116 : vector<320x256xf32>
    %slice3A_118 = vector.extract_strided_slice %transpose3A {offsets = [2, 0], sizes = [1, 256], strides = [1, 1]} : vector<16x256xf32> to vector<1x256xf32>
    %mul3A_119 = vector.broadcast %slice3A_118 : vector<1x256xf32> to vector<320x256xf32>
    %mul3A_120 = arith.mulf %mul3A_119, %add3A_117 : vector<320x256xf32>
    %add3A_121 = arith.addf %add3A_89, %mul3A_120 : vector<320x256xf32>
    %get3A_122 = arith.constant 3 : index
    %get3A_123 = arith.constant 0 : index
    %get3A_124 = arith.constant 0 : index
    %get3A_125 = vector.load %arg3[%get3A_122, %get3A_123, %get3A_124] : memref<16x320x256xbf16, #tpu.memory_space<vmem>>, vector<1x320x256xbf16>
    %get3A_126 = vector.shape_cast %get3A_125 : vector<1x320x256xbf16> to vector<320x256xbf16>
    %dot_general3A_127 = arith.constant dense<0.000000e+00> : vector<256x256xf32>
    %dot_general3A_128 = tpu.matmul %get3A_126, %convert_element_type3A_29, %dot_general3A_127 {dimension_numbers = #tpu.dot_dimension_numbers<[0], [0], [1], [1], [0, 1, 1, 1], [], []>, transpose_lhs_hint = false} : vector<320x256xbf16>, vector<320x256xbf16>, vector<256x256xf32> -> vector<256x256xf32>
    %get3A_129 = arith.constant 0 : index
    %get3A_130 = arith.constant 3 : index
    %get3A_131 = vector.load %arg4[%get3A_129, %get3A_130] : memref<256x16xf32, #tpu.memory_space<vmem>>, vector<256x1xf32>
    %add3A_132 = vector.broadcast %get3A_131 : vector<256x1xf32> to vector<256x256xf32>
    %add3A_133 = arith.addf %dot_general3A_128, %add3A_132 : vector<256x256xf32>
    %max3A_134 = arith.constant 0.000000e+00 : f32
    %max3A_135 = vector.broadcast %max3A_134 : f32 to vector<256x256xf32>
    %max3A_136 = arith.maximumf %add3A_133, %max3A_135 : vector<256x256xf32>
    %convert_element_type3A_137 = arith.truncf %max3A_136 : vector<256x256xf32> to vector<256x256xbf16>
    %get3A_138 = arith.constant 3 : index
    %get3A_139 = arith.constant 0 : index
    %get3A_140 = arith.constant 0 : index
    %get3A_141 = vector.load %arg5[%get3A_138, %get3A_139, %get3A_140] : memref<16x256x320xbf16, #tpu.memory_space<vmem>>, vector<1x256x320xbf16>
    %get3A_142 = vector.shape_cast %get3A_141 : vector<1x256x320xbf16> to vector<256x320xbf16>
    %dot_general3A_143 = arith.constant dense<0.000000e+00> : vector<320x256xf32>
    %dot_general3A_144 = tpu.matmul %get3A_142, %convert_element_type3A_137, %dot_general3A_143 {dimension_numbers = #tpu.dot_dimension_numbers<[0], [0], [1], [1], [0, 1, 1, 1], [], []>, transpose_lhs_hint = false} : vector<256x320xbf16>, vector<256x256xbf16>, vector<320x256xf32> -> vector<320x256xf32>
    %get3A_145 = arith.constant 0 : index
    %get3A_146 = arith.constant 3 : index
    %get3A_147 = vector.load %arg6[%get3A_145, %get3A_146] : memref<320x16xf32, #tpu.memory_space<vmem>>, vector<320x1xf32>
    %add3A_148 = vector.broadcast %get3A_147 : vector<320x1xf32> to vector<320x256xf32>
    %add3A_149 = arith.addf %dot_general3A_144, %add3A_148 : vector<320x256xf32>
    %slice3A_150 = vector.extract_strided_slice %transpose3A {offsets = [3, 0], sizes = [1, 256], strides = [1, 1]} : vector<16x256xf32> to vector<1x256xf32>
    %mul3A_151 = vector.broadcast %slice3A_150 : vector<1x256xf32> to vector<320x256xf32>
    %mul3A_152 = arith.mulf %mul3A_151, %add3A_149 : vector<320x256xf32>
    %add3A_153 = arith.addf %add3A_121, %mul3A_152 : vector<320x256xf32>
    %get3A_154 = arith.constant 4 : index
    %get3A_155 = arith.constant 0 : index
    %get3A_156 = arith.constant 0 : index
    %get3A_157 = vector.load %arg3[%get3A_154, %get3A_155, %get3A_156] : memref<16x320x256xbf16, #tpu.memory_space<vmem>>, vector<1x320x256xbf16>
    %get3A_158 = vector.shape_cast %get3A_157 : vector<1x320x256xbf16> to vector<320x256xbf16>
    %dot_general3A_159 = arith.constant dense<0.000000e+00> : vector<256x256xf32>
    %dot_general3A_160 = tpu.matmul %get3A_158, %convert_element_type3A_29, %dot_general3A_159 {dimension_numbers = #tpu.dot_dimension_numbers<[0], [0], [1], [1], [0, 1, 1, 1], [], []>, transpose_lhs_hint = false} : vector<320x256xbf16>, vector<320x256xbf16>, vector<256x256xf32> -> vector<256x256xf32>
    %get3A_161 = arith.constant 0 : index
    %get3A_162 = arith.constant 4 : index
    %get3A_163 = vector.load %arg4[%get3A_161, %get3A_162] : memref<256x16xf32, #tpu.memory_space<vmem>>, vector<256x1xf32>
    %add3A_164 = vector.broadcast %get3A_163 : vector<256x1xf32> to vector<256x256xf32>
    %add3A_165 = arith.addf %dot_general3A_160, %add3A_164 : vector<256x256xf32>
    %max3A_166 = arith.constant 0.000000e+00 : f32
    %max3A_167 = vector.broadcast %max3A_166 : f32 to vector<256x256xf32>
    %max3A_168 = arith.maximumf %add3A_165, %max3A_167 : vector<256x256xf32>
    %convert_element_type3A_169 = arith.truncf %max3A_168 : vector<256x256xf32> to vector<256x256xbf16>
    %get3A_170 = arith.constant 4 : index
    %get3A_171 = arith.constant 0 : index
    %get3A_172 = arith.constant 0 : index
    %get3A_173 = vector.load %arg5[%get3A_170, %get3A_171, %get3A_172] : memref<16x256x320xbf16, #tpu.memory_space<vmem>>, vector<1x256x320xbf16>
    %get3A_174 = vector.shape_cast %get3A_173 : vector<1x256x320xbf16> to vector<256x320xbf16>
    %dot_general3A_175 = arith.constant dense<0.000000e+00> : vector<320x256xf32>
    %dot_general3A_176 = tpu.matmul %get3A_174, %convert_element_type3A_169, %dot_general3A_175 {dimension_numbers = #tpu.dot_dimension_numbers<[0], [0], [1], [1], [0, 1, 1, 1], [], []>, transpose_lhs_hint = false} : vector<256x320xbf16>, vector<256x256xbf16>, vector<320x256xf32> -> vector<320x256xf32>
    %get3A_177 = arith.constant 0 : index
    %get3A_178 = arith.constant 4 : index
    %get3A_179 = vector.load %arg6[%get3A_177, %get3A_178] : memref<320x16xf32, #tpu.memory_space<vmem>>, vector<320x1xf32>
    %add3A_180 = vector.broadcast %get3A_179 : vector<320x1xf32> to vector<320x256xf32>
    %add3A_181 = arith.addf %dot_general3A_176, %add3A_180 : vector<320x256xf32>
    %slice3A_182 = vector.extract_strided_slice %transpose3A {offsets = [4, 0], sizes = [1, 256], strides = [1, 1]} : vector<16x256xf32> to vector<1x256xf32>
    %mul3A_183 = vector.broadcast %slice3A_182 : vector<1x256xf32> to vector<320x256xf32>
    %mul3A_184 = arith.mulf %mul3A_183, %add3A_181 : vector<320x256xf32>
    %add3A_185 = arith.addf %add3A_153, %mul3A_184 : vector<320x256xf32>
    %get3A_186 = arith.constant 5 : index
    %get3A_187 = arith.constant 0 : index
    %get3A_188 = arith.constant 0 : index
    %get3A_189 = vector.load %arg3[%get3A_186, %get3A_187, %get3A_188] : memref<16x320x256xbf16, #tpu.memory_space<vmem>>, vector<1x320x256xbf16>
    %get3A_190 = vector.shape_cast %get3A_189 : vector<1x320x256xbf16> to vector<320x256xbf16>
    %dot_general3A_191 = arith.constant dense<0.000000e+00> : vector<256x256xf32>
    %dot_general3A_192 = tpu.matmul %get3A_190, %convert_element_type3A_29, %dot_general3A_191 {dimension_numbers = #tpu.dot_dimension_numbers<[0], [0], [1], [1], [0, 1, 1, 1], [], []>, transpose_lhs_hint = false} : vector<320x256xbf16>, vector<320x256xbf16>, vector<256x256xf32> -> vector<256x256xf32>
    %get3A_193 = arith.constant 0 : index
    %get3A_194 = arith.constant 5 : index
    %get3A_195 = vector.load %arg4[%get3A_193, %get3A_194] : memref<256x16xf32, #tpu.memory_space<vmem>>, vector<256x1xf32>
    %add3A_196 = vector.broadcast %get3A_195 : vector<256x1xf32> to vector<256x256xf32>
    %add3A_197 = arith.addf %dot_general3A_192, %add3A_196 : vector<256x256xf32>
    %max3A_198 = arith.constant 0.000000e+00 : f32
    %max3A_199 = vector.broadcast %max3A_198 : f32 to vector<256x256xf32>
    %max3A_200 = arith.maximumf %add3A_197, %max3A_199 : vector<256x256xf32>
    %convert_element_type3A_201 = arith.truncf %max3A_200 : vector<256x256xf32> to vector<256x256xbf16>
    %get3A_202 = arith.constant 5 : index
    %get3A_203 = arith.constant 0 : index
    %get3A_204 = arith.constant 0 : index
    %get3A_205 = vector.load %arg5[%get3A_202, %get3A_203, %get3A_204] : memref<16x256x320xbf16, #tpu.memory_space<vmem>>, vector<1x256x320xbf16>
    %get3A_206 = vector.shape_cast %get3A_205 : vector<1x256x320xbf16> to vector<256x320xbf16>
    %dot_general3A_207 = arith.constant dense<0.000000e+00> : vector<320x256xf32>
    %dot_general3A_208 = tpu.matmul %get3A_206, %convert_element_type3A_201, %dot_general3A_207 {dimension_numbers = #tpu.dot_dimension_numbers<[0], [0], [1], [1], [0, 1, 1, 1], [], []>, transpose_lhs_hint = false} : vector<256x320xbf16>, vector<256x256xbf16>, vector<320x256xf32> -> vector<320x256xf32>
    %get3A_209 = arith.constant 0 : index
    %get3A_210 = arith.constant 5 : index
    %get3A_211 = vector.load %arg6[%get3A_209, %get3A_210] : memref<320x16xf32, #tpu.memory_space<vmem>>, vector<320x1xf32>
    %add3A_212 = vector.broadcast %get3A_211 : vector<320x1xf32> to vector<320x256xf32>
    %add3A_213 = arith.addf %dot_general3A_208, %add3A_212 : vector<320x256xf32>
    %slice3A_214 = vector.extract_strided_slice %transpose3A {offsets = [5, 0], sizes = [1, 256], strides = [1, 1]} : vector<16x256xf32> to vector<1x256xf32>
    %mul3A_215 = vector.broadcast %slice3A_214 : vector<1x256xf32> to vector<320x256xf32>
    %mul3A_216 = arith.mulf %mul3A_215, %add3A_213 : vector<320x256xf32>
    %add3A_217 = arith.addf %add3A_185, %mul3A_216 : vector<320x256xf32>
    %get3A_218 = arith.constant 6 : index
    %get3A_219 = arith.constant 0 : index
    %get3A_220 = arith.constant 0 : index
    %get3A_221 = vector.load %arg3[%get3A_218, %get3A_219, %get3A_220] : memref<16x320x256xbf16, #tpu.memory_space<vmem>>, vector<1x320x256xbf16>
    %get3A_222 = vector.shape_cast %get3A_221 : vector<1x320x256xbf16> to vector<320x256xbf16>
    %dot_general3A_223 = arith.constant dense<0.000000e+00> : vector<256x256xf32>
    %dot_general3A_224 = tpu.matmul %get3A_222, %convert_element_type3A_29, %dot_general3A_223 {dimension_numbers = #tpu.dot_dimension_numbers<[0], [0], [1], [1], [0, 1, 1, 1], [], []>, transpose_lhs_hint = false} : vector<320x256xbf16>, vector<320x256xbf16>, vector<256x256xf32> -> vector<256x256xf32>
    %get3A_225 = arith.constant 0 : index
    %get3A_226 = arith.constant 6 : index
    %get3A_227 = vector.load %arg4[%get3A_225, %get3A_226] : memref<256x16xf32, #tpu.memory_space<vmem>>, vector<256x1xf32>
    %add3A_228 = vector.broadcast %get3A_227 : vector<256x1xf32> to vector<256x256xf32>
    %add3A_229 = arith.addf %dot_general3A_224, %add3A_228 : vector<256x256xf32>
    %max3A_230 = arith.constant 0.000000e+00 : f32
    %max3A_231 = vector.broadcast %max3A_230 : f32 to vector<256x256xf32>
    %max3A_232 = arith.maximumf %add3A_229, %max3A_231 : vector<256x256xf32>
    %convert_element_type3A_233 = arith.truncf %max3A_232 : vector<256x256xf32> to vector<256x256xbf16>
    %get3A_234 = arith.constant 6 : index
    %get3A_235 = arith.constant 0 : index
    %get3A_236 = arith.constant 0 : index
    %get3A_237 = vector.load %arg5[%get3A_234, %get3A_235, %get3A_236] : memref<16x256x320xbf16, #tpu.memory_space<vmem>>, vector<1x256x320xbf16>
    %get3A_238 = vector.shape_cast %get3A_237 : vector<1x256x320xbf16> to vector<256x320xbf16>
    %dot_general3A_239 = arith.constant dense<0.000000e+00> : vector<320x256xf32>
    %dot_general3A_240 = tpu.matmul %get3A_238, %convert_element_type3A_233, %dot_general3A_239 {dimension_numbers = #tpu.dot_dimension_numbers<[0], [0], [1], [1], [0, 1, 1, 1], [], []>, transpose_lhs_hint = false} : vector<256x320xbf16>, vector<256x256xbf16>, vector<320x256xf32> -> vector<320x256xf32>
    %get3A_241 = arith.constant 0 : index
    %get3A_242 = arith.constant 6 : index
    %get3A_243 = vector.load %arg6[%get3A_241, %get3A_242] : memref<320x16xf32, #tpu.memory_space<vmem>>, vector<320x1xf32>
    %add3A_244 = vector.broadcast %get3A_243 : vector<320x1xf32> to vector<320x256xf32>
    %add3A_245 = arith.addf %dot_general3A_240, %add3A_244 : vector<320x256xf32>
    %slice3A_246 = vector.extract_strided_slice %transpose3A {offsets = [6, 0], sizes = [1, 256], strides = [1, 1]} : vector<16x256xf32> to vector<1x256xf32>
    %mul3A_247 = vector.broadcast %slice3A_246 : vector<1x256xf32> to vector<320x256xf32>
    %mul3A_248 = arith.mulf %mul3A_247, %add3A_245 : vector<320x256xf32>
    %add3A_249 = arith.addf %add3A_217, %mul3A_248 : vector<320x256xf32>
    %get3A_250 = arith.constant 7 : index
    %get3A_251 = arith.constant 0 : index
    %get3A_252 = arith.constant 0 : index
    %get3A_253 = vector.load %arg3[%get3A_250, %get3A_251, %get3A_252] : memref<16x320x256xbf16, #tpu.memory_space<vmem>>, vector<1x320x256xbf16>
    %get3A_254 = vector.shape_cast %get3A_253 : vector<1x320x256xbf16> to vector<320x256xbf16>
    %dot_general3A_255 = arith.constant dense<0.000000e+00> : vector<256x256xf32>
    %dot_general3A_256 = tpu.matmul %get3A_254, %convert_element_type3A_29, %dot_general3A_255 {dimension_numbers = #tpu.dot_dimension_numbers<[0], [0], [1], [1], [0, 1, 1, 1], [], []>, transpose_lhs_hint = false} : vector<320x256xbf16>, vector<320x256xbf16>, vector<256x256xf32> -> vector<256x256xf32>
    %get3A_257 = arith.constant 0 : index
    %get3A_258 = arith.constant 7 : index
    %get3A_259 = vector.load %arg4[%get3A_257, %get3A_258] : memref<256x16xf32, #tpu.memory_space<vmem>>, vector<256x1xf32>
    %add3A_260 = vector.broadcast %get3A_259 : vector<256x1xf32> to vector<256x256xf32>
    %add3A_261 = arith.addf %dot_general3A_256, %add3A_260 : vector<256x256xf32>
    %max3A_262 = arith.constant 0.000000e+00 : f32
    %max3A_263 = vector.broadcast %max3A_262 : f32 to vector<256x256xf32>
    %max3A_264 = arith.maximumf %add3A_261, %max3A_263 : vector<256x256xf32>
    %convert_element_type3A_265 = arith.truncf %max3A_264 : vector<256x256xf32> to vector<256x256xbf16>
    %get3A_266 = arith.constant 7 : index
    %get3A_267 = arith.constant 0 : index
    %get3A_268 = arith.constant 0 : index
    %get3A_269 = vector.load %arg5[%get3A_266, %get3A_267, %get3A_268] : memref<16x256x320xbf16, #tpu.memory_space<vmem>>, vector<1x256x320xbf16>
    %get3A_270 = vector.shape_cast %get3A_269 : vector<1x256x320xbf16> to vector<256x320xbf16>
    %dot_general3A_271 = arith.constant dense<0.000000e+00> : vector<320x256xf32>
    %dot_general3A_272 = tpu.matmul %get3A_270, %convert_element_type3A_265, %dot_general3A_271 {dimension_numbers = #tpu.dot_dimension_numbers<[0], [0], [1], [1], [0, 1, 1, 1], [], []>, transpose_lhs_hint = false} : vector<256x320xbf16>, vector<256x256xbf16>, vector<320x256xf32> -> vector<320x256xf32>
    %get3A_273 = arith.constant 0 : index
    %get3A_274 = arith.constant 7 : index
    %get3A_275 = vector.load %arg6[%get3A_273, %get3A_274] : memref<320x16xf32, #tpu.memory_space<vmem>>, vector<320x1xf32>
    %add3A_276 = vector.broadcast %get3A_275 : vector<320x1xf32> to vector<320x256xf32>
    %add3A_277 = arith.addf %dot_general3A_272, %add3A_276 : vector<320x256xf32>
    %slice3A_278 = vector.extract_strided_slice %transpose3A {offsets = [7, 0], sizes = [1, 256], strides = [1, 1]} : vector<16x256xf32> to vector<1x256xf32>
    %mul3A_279 = vector.broadcast %slice3A_278 : vector<1x256xf32> to vector<320x256xf32>
    %mul3A_280 = arith.mulf %mul3A_279, %add3A_277 : vector<320x256xf32>
    %add3A_281 = arith.addf %add3A_249, %mul3A_280 : vector<320x256xf32>
    %get3A_282 = arith.constant 8 : index
    %get3A_283 = arith.constant 0 : index
    %get3A_284 = arith.constant 0 : index
    %get3A_285 = vector.load %arg3[%get3A_282, %get3A_283, %get3A_284] : memref<16x320x256xbf16, #tpu.memory_space<vmem>>, vector<1x320x256xbf16>
    %get3A_286 = vector.shape_cast %get3A_285 : vector<1x320x256xbf16> to vector<320x256xbf16>
    %dot_general3A_287 = arith.constant dense<0.000000e+00> : vector<256x256xf32>
    %dot_general3A_288 = tpu.matmul %get3A_286, %convert_element_type3A_29, %dot_general3A_287 {dimension_numbers = #tpu.dot_dimension_numbers<[0], [0], [1], [1], [0, 1, 1, 1], [], []>, transpose_lhs_hint = false} : vector<320x256xbf16>, vector<320x256xbf16>, vector<256x256xf32> -> vector<256x256xf32>
    %get3A_289 = arith.constant 0 : index
    %get3A_290 = arith.constant 8 : index
    %get3A_291 = vector.load %arg4[%get3A_289, %get3A_290] : memref<256x16xf32, #tpu.memory_space<vmem>>, vector<256x1xf32>
    %add3A_292 = vector.broadcast %get3A_291 : vector<256x1xf32> to vector<256x256xf32>
    %add3A_293 = arith.addf %dot_general3A_288, %add3A_292 : vector<256x256xf32>
    %max3A_294 = arith.constant 0.000000e+00 : f32
    %max3A_295 = vector.broadcast %max3A_294 : f32 to vector<256x256xf32>
    %max3A_296 = arith.maximumf %add3A_293, %max3A_295 : vector<256x256xf32>
    %convert_element_type3A_297 = arith.truncf %max3A_296 : vector<256x256xf32> to vector<256x256xbf16>
    %get3A_298 = arith.constant 8 : index
    %get3A_299 = arith.constant 0 : index
    %get3A_300 = arith.constant 0 : index
    %get3A_301 = vector.load %arg5[%get3A_298, %get3A_299, %get3A_300] : memref<16x256x320xbf16, #tpu.memory_space<vmem>>, vector<1x256x320xbf16>
    %get3A_302 = vector.shape_cast %get3A_301 : vector<1x256x320xbf16> to vector<256x320xbf16>
    %dot_general3A_303 = arith.constant dense<0.000000e+00> : vector<320x256xf32>
    %dot_general3A_304 = tpu.matmul %get3A_302, %convert_element_type3A_297, %dot_general3A_303 {dimension_numbers = #tpu.dot_dimension_numbers<[0], [0], [1], [1], [0, 1, 1, 1], [], []>, transpose_lhs_hint = false} : vector<256x320xbf16>, vector<256x256xbf16>, vector<320x256xf32> -> vector<320x256xf32>
    %get3A_305 = arith.constant 0 : index
    %get3A_306 = arith.constant 8 : index
    %get3A_307 = vector.load %arg6[%get3A_305, %get3A_306] : memref<320x16xf32, #tpu.memory_space<vmem>>, vector<320x1xf32>
    %add3A_308 = vector.broadcast %get3A_307 : vector<320x1xf32> to vector<320x256xf32>
    %add3A_309 = arith.addf %dot_general3A_304, %add3A_308 : vector<320x256xf32>
    %slice3A_310 = vector.extract_strided_slice %transpose3A {offsets = [8, 0], sizes = [1, 256], strides = [1, 1]} : vector<16x256xf32> to vector<1x256xf32>
    %mul3A_311 = vector.broadcast %slice3A_310 : vector<1x256xf32> to vector<320x256xf32>
    %mul3A_312 = arith.mulf %mul3A_311, %add3A_309 : vector<320x256xf32>
    %add3A_313 = arith.addf %add3A_281, %mul3A_312 : vector<320x256xf32>
    %get3A_314 = arith.constant 9 : index
    %get3A_315 = arith.constant 0 : index
    %get3A_316 = arith.constant 0 : index
    %get3A_317 = vector.load %arg3[%get3A_314, %get3A_315, %get3A_316] : memref<16x320x256xbf16, #tpu.memory_space<vmem>>, vector<1x320x256xbf16>
    %get3A_318 = vector.shape_cast %get3A_317 : vector<1x320x256xbf16> to vector<320x256xbf16>
    %dot_general3A_319 = arith.constant dense<0.000000e+00> : vector<256x256xf32>
    %dot_general3A_320 = tpu.matmul %get3A_318, %convert_element_type3A_29, %dot_general3A_319 {dimension_numbers = #tpu.dot_dimension_numbers<[0], [0], [1], [1], [0, 1, 1, 1], [], []>, transpose_lhs_hint = false} : vector<320x256xbf16>, vector<320x256xbf16>, vector<256x256xf32> -> vector<256x256xf32>
    %get3A_321 = arith.constant 0 : index
    %get3A_322 = arith.constant 9 : index
    %get3A_323 = vector.load %arg4[%get3A_321, %get3A_322] : memref<256x16xf32, #tpu.memory_space<vmem>>, vector<256x1xf32>
    %add3A_324 = vector.broadcast %get3A_323 : vector<256x1xf32> to vector<256x256xf32>
    %add3A_325 = arith.addf %dot_general3A_320, %add3A_324 : vector<256x256xf32>
    %max3A_326 = arith.constant 0.000000e+00 : f32
    %max3A_327 = vector.broadcast %max3A_326 : f32 to vector<256x256xf32>
    %max3A_328 = arith.maximumf %add3A_325, %max3A_327 : vector<256x256xf32>
    %convert_element_type3A_329 = arith.truncf %max3A_328 : vector<256x256xf32> to vector<256x256xbf16>
    %get3A_330 = arith.constant 9 : index
    %get3A_331 = arith.constant 0 : index
    %get3A_332 = arith.constant 0 : index
    %get3A_333 = vector.load %arg5[%get3A_330, %get3A_331, %get3A_332] : memref<16x256x320xbf16, #tpu.memory_space<vmem>>, vector<1x256x320xbf16>
    %get3A_334 = vector.shape_cast %get3A_333 : vector<1x256x320xbf16> to vector<256x320xbf16>
    %dot_general3A_335 = arith.constant dense<0.000000e+00> : vector<320x256xf32>
    %dot_general3A_336 = tpu.matmul %get3A_334, %convert_element_type3A_329, %dot_general3A_335 {dimension_numbers = #tpu.dot_dimension_numbers<[0], [0], [1], [1], [0, 1, 1, 1], [], []>, transpose_lhs_hint = false} : vector<256x320xbf16>, vector<256x256xbf16>, vector<320x256xf32> -> vector<320x256xf32>
    %get3A_337 = arith.constant 0 : index
    %get3A_338 = arith.constant 9 : index
    %get3A_339 = vector.load %arg6[%get3A_337, %get3A_338] : memref<320x16xf32, #tpu.memory_space<vmem>>, vector<320x1xf32>
    %add3A_340 = vector.broadcast %get3A_339 : vector<320x1xf32> to vector<320x256xf32>
    %add3A_341 = arith.addf %dot_general3A_336, %add3A_340 : vector<320x256xf32>
    %slice3A_342 = vector.extract_strided_slice %transpose3A {offsets = [9, 0], sizes = [1, 256], strides = [1, 1]} : vector<16x256xf32> to vector<1x256xf32>
    %mul3A_343 = vector.broadcast %slice3A_342 : vector<1x256xf32> to vector<320x256xf32>
    %mul3A_344 = arith.mulf %mul3A_343, %add3A_341 : vector<320x256xf32>
    %add3A_345 = arith.addf %add3A_313, %mul3A_344 : vector<320x256xf32>
    %get3A_346 = arith.constant 10 : index
    %get3A_347 = arith.constant 0 : index
    %get3A_348 = arith.constant 0 : index
    %get3A_349 = vector.load %arg3[%get3A_346, %get3A_347, %get3A_348] : memref<16x320x256xbf16, #tpu.memory_space<vmem>>, vector<1x320x256xbf16>
    %get3A_350 = vector.shape_cast %get3A_349 : vector<1x320x256xbf16> to vector<320x256xbf16>
    %dot_general3A_351 = arith.constant dense<0.000000e+00> : vector<256x256xf32>
    %dot_general3A_352 = tpu.matmul %get3A_350, %convert_element_type3A_29, %dot_general3A_351 {dimension_numbers = #tpu.dot_dimension_numbers<[0], [0], [1], [1], [0, 1, 1, 1], [], []>, transpose_lhs_hint = false} : vector<320x256xbf16>, vector<320x256xbf16>, vector<256x256xf32> -> vector<256x256xf32>
    %get3A_353 = arith.constant 0 : index
    %get3A_354 = arith.constant 10 : index
    %get3A_355 = vector.load %arg4[%get3A_353, %get3A_354] : memref<256x16xf32, #tpu.memory_space<vmem>>, vector<256x1xf32>
    %add3A_356 = vector.broadcast %get3A_355 : vector<256x1xf32> to vector<256x256xf32>
    %add3A_357 = arith.addf %dot_general3A_352, %add3A_356 : vector<256x256xf32>
    %max3A_358 = arith.constant 0.000000e+00 : f32
    %max3A_359 = vector.broadcast %max3A_358 : f32 to vector<256x256xf32>
    %max3A_360 = arith.maximumf %add3A_357, %max3A_359 : vector<256x256xf32>
    %convert_element_type3A_361 = arith.truncf %max3A_360 : vector<256x256xf32> to vector<256x256xbf16>
    %get3A_362 = arith.constant 10 : index
    %get3A_363 = arith.constant 0 : index
    %get3A_364 = arith.constant 0 : index
    %get3A_365 = vector.load %arg5[%get3A_362, %get3A_363, %get3A_364] : memref<16x256x320xbf16, #tpu.memory_space<vmem>>, vector<1x256x320xbf16>
    %get3A_366 = vector.shape_cast %get3A_365 : vector<1x256x320xbf16> to vector<256x320xbf16>
    %dot_general3A_367 = arith.constant dense<0.000000e+00> : vector<320x256xf32>
    %dot_general3A_368 = tpu.matmul %get3A_366, %convert_element_type3A_361, %dot_general3A_367 {dimension_numbers = #tpu.dot_dimension_numbers<[0], [0], [1], [1], [0, 1, 1, 1], [], []>, transpose_lhs_hint = false} : vector<256x320xbf16>, vector<256x256xbf16>, vector<320x256xf32> -> vector<320x256xf32>
    %get3A_369 = arith.constant 0 : index
    %get3A_370 = arith.constant 10 : index
    %get3A_371 = vector.load %arg6[%get3A_369, %get3A_370] : memref<320x16xf32, #tpu.memory_space<vmem>>, vector<320x1xf32>
    %add3A_372 = vector.broadcast %get3A_371 : vector<320x1xf32> to vector<320x256xf32>
    %add3A_373 = arith.addf %dot_general3A_368, %add3A_372 : vector<320x256xf32>
    %slice3A_374 = vector.extract_strided_slice %transpose3A {offsets = [10, 0], sizes = [1, 256], strides = [1, 1]} : vector<16x256xf32> to vector<1x256xf32>
    %mul3A_375 = vector.broadcast %slice3A_374 : vector<1x256xf32> to vector<320x256xf32>
    %mul3A_376 = arith.mulf %mul3A_375, %add3A_373 : vector<320x256xf32>
    %add3A_377 = arith.addf %add3A_345, %mul3A_376 : vector<320x256xf32>
    %get3A_378 = arith.constant 11 : index
    %get3A_379 = arith.constant 0 : index
    %get3A_380 = arith.constant 0 : index
    %get3A_381 = vector.load %arg3[%get3A_378, %get3A_379, %get3A_380] : memref<16x320x256xbf16, #tpu.memory_space<vmem>>, vector<1x320x256xbf16>
    %get3A_382 = vector.shape_cast %get3A_381 : vector<1x320x256xbf16> to vector<320x256xbf16>
    %dot_general3A_383 = arith.constant dense<0.000000e+00> : vector<256x256xf32>
    %dot_general3A_384 = tpu.matmul %get3A_382, %convert_element_type3A_29, %dot_general3A_383 {dimension_numbers = #tpu.dot_dimension_numbers<[0], [0], [1], [1], [0, 1, 1, 1], [], []>, transpose_lhs_hint = false} : vector<320x256xbf16>, vector<320x256xbf16>, vector<256x256xf32> -> vector<256x256xf32>
    %get3A_385 = arith.constant 0 : index
    %get3A_386 = arith.constant 11 : index
    %get3A_387 = vector.load %arg4[%get3A_385, %get3A_386] : memref<256x16xf32, #tpu.memory_space<vmem>>, vector<256x1xf32>
    %add3A_388 = vector.broadcast %get3A_387 : vector<256x1xf32> to vector<256x256xf32>
    %add3A_389 = arith.addf %dot_general3A_384, %add3A_388 : vector<256x256xf32>
    %max3A_390 = arith.constant 0.000000e+00 : f32
    %max3A_391 = vector.broadcast %max3A_390 : f32 to vector<256x256xf32>
    %max3A_392 = arith.maximumf %add3A_389, %max3A_391 : vector<256x256xf32>
    %convert_element_type3A_393 = arith.truncf %max3A_392 : vector<256x256xf32> to vector<256x256xbf16>
    %get3A_394 = arith.constant 11 : index
    %get3A_395 = arith.constant 0 : index
    %get3A_396 = arith.constant 0 : index
    %get3A_397 = vector.load %arg5[%get3A_394, %get3A_395, %get3A_396] : memref<16x256x320xbf16, #tpu.memory_space<vmem>>, vector<1x256x320xbf16>
    %get3A_398 = vector.shape_cast %get3A_397 : vector<1x256x320xbf16> to vector<256x320xbf16>
    %dot_general3A_399 = arith.constant dense<0.000000e+00> : vector<320x256xf32>
    %dot_general3A_400 = tpu.matmul %get3A_398, %convert_element_type3A_393, %dot_general3A_399 {dimension_numbers = #tpu.dot_dimension_numbers<[0], [0], [1], [1], [0, 1, 1, 1], [], []>, transpose_lhs_hint = false} : vector<256x320xbf16>, vector<256x256xbf16>, vector<320x256xf32> -> vector<320x256xf32>
    %get3A_401 = arith.constant 0 : index
    %get3A_402 = arith.constant 11 : index
    %get3A_403 = vector.load %arg6[%get3A_401, %get3A_402] : memref<320x16xf32, #tpu.memory_space<vmem>>, vector<320x1xf32>
    %add3A_404 = vector.broadcast %get3A_403 : vector<320x1xf32> to vector<320x256xf32>
    %add3A_405 = arith.addf %dot_general3A_400, %add3A_404 : vector<320x256xf32>
    %slice3A_406 = vector.extract_strided_slice %transpose3A {offsets = [11, 0], sizes = [1, 256], strides = [1, 1]} : vector<16x256xf32> to vector<1x256xf32>
    %mul3A_407 = vector.broadcast %slice3A_406 : vector<1x256xf32> to vector<320x256xf32>
    %mul3A_408 = arith.mulf %mul3A_407, %add3A_405 : vector<320x256xf32>
    %add3A_409 = arith.addf %add3A_377, %mul3A_408 : vector<320x256xf32>
    %get3A_410 = arith.constant 12 : index
    %get3A_411 = arith.constant 0 : index
    %get3A_412 = arith.constant 0 : index
    %get3A_413 = vector.load %arg3[%get3A_410, %get3A_411, %get3A_412] : memref<16x320x256xbf16, #tpu.memory_space<vmem>>, vector<1x320x256xbf16>
    %get3A_414 = vector.shape_cast %get3A_413 : vector<1x320x256xbf16> to vector<320x256xbf16>
    %dot_general3A_415 = arith.constant dense<0.000000e+00> : vector<256x256xf32>
    %dot_general3A_416 = tpu.matmul %get3A_414, %convert_element_type3A_29, %dot_general3A_415 {dimension_numbers = #tpu.dot_dimension_numbers<[0], [0], [1], [1], [0, 1, 1, 1], [], []>, transpose_lhs_hint = false} : vector<320x256xbf16>, vector<320x256xbf16>, vector<256x256xf32> -> vector<256x256xf32>
    %get3A_417 = arith.constant 0 : index
    %get3A_418 = arith.constant 12 : index
    %get3A_419 = vector.load %arg4[%get3A_417, %get3A_418] : memref<256x16xf32, #tpu.memory_space<vmem>>, vector<256x1xf32>
    %add3A_420 = vector.broadcast %get3A_419 : vector<256x1xf32> to vector<256x256xf32>
    %add3A_421 = arith.addf %dot_general3A_416, %add3A_420 : vector<256x256xf32>
    %max3A_422 = arith.constant 0.000000e+00 : f32
    %max3A_423 = vector.broadcast %max3A_422 : f32 to vector<256x256xf32>
    %max3A_424 = arith.maximumf %add3A_421, %max3A_423 : vector<256x256xf32>
    %convert_element_type3A_425 = arith.truncf %max3A_424 : vector<256x256xf32> to vector<256x256xbf16>
    %get3A_426 = arith.constant 12 : index
    %get3A_427 = arith.constant 0 : index
    %get3A_428 = arith.constant 0 : index
    %get3A_429 = vector.load %arg5[%get3A_426, %get3A_427, %get3A_428] : memref<16x256x320xbf16, #tpu.memory_space<vmem>>, vector<1x256x320xbf16>
    %get3A_430 = vector.shape_cast %get3A_429 : vector<1x256x320xbf16> to vector<256x320xbf16>
    %dot_general3A_431 = arith.constant dense<0.000000e+00> : vector<320x256xf32>
    %dot_general3A_432 = tpu.matmul %get3A_430, %convert_element_type3A_425, %dot_general3A_431 {dimension_numbers = #tpu.dot_dimension_numbers<[0], [0], [1], [1], [0, 1, 1, 1], [], []>, transpose_lhs_hint = false} : vector<256x320xbf16>, vector<256x256xbf16>, vector<320x256xf32> -> vector<320x256xf32>
    %get3A_433 = arith.constant 0 : index
    %get3A_434 = arith.constant 12 : index
    %get3A_435 = vector.load %arg6[%get3A_433, %get3A_434] : memref<320x16xf32, #tpu.memory_space<vmem>>, vector<320x1xf32>
    %add3A_436 = vector.broadcast %get3A_435 : vector<320x1xf32> to vector<320x256xf32>
    %add3A_437 = arith.addf %dot_general3A_432, %add3A_436 : vector<320x256xf32>
    %slice3A_438 = vector.extract_strided_slice %transpose3A {offsets = [12, 0], sizes = [1, 256], strides = [1, 1]} : vector<16x256xf32> to vector<1x256xf32>
    %mul3A_439 = vector.broadcast %slice3A_438 : vector<1x256xf32> to vector<320x256xf32>
    %mul3A_440 = arith.mulf %mul3A_439, %add3A_437 : vector<320x256xf32>
    %add3A_441 = arith.addf %add3A_409, %mul3A_440 : vector<320x256xf32>
    %get3A_442 = arith.constant 13 : index
    %get3A_443 = arith.constant 0 : index
    %get3A_444 = arith.constant 0 : index
    %get3A_445 = vector.load %arg3[%get3A_442, %get3A_443, %get3A_444] : memref<16x320x256xbf16, #tpu.memory_space<vmem>>, vector<1x320x256xbf16>
    %get3A_446 = vector.shape_cast %get3A_445 : vector<1x320x256xbf16> to vector<320x256xbf16>
    %dot_general3A_447 = arith.constant dense<0.000000e+00> : vector<256x256xf32>
    %dot_general3A_448 = tpu.matmul %get3A_446, %convert_element_type3A_29, %dot_general3A_447 {dimension_numbers = #tpu.dot_dimension_numbers<[0], [0], [1], [1], [0, 1, 1, 1], [], []>, transpose_lhs_hint = false} : vector<320x256xbf16>, vector<320x256xbf16>, vector<256x256xf32> -> vector<256x256xf32>
    %get3A_449 = arith.constant 0 : index
    %get3A_450 = arith.constant 13 : index
    %get3A_451 = vector.load %arg4[%get3A_449, %get3A_450] : memref<256x16xf32, #tpu.memory_space<vmem>>, vector<256x1xf32>
    %add3A_452 = vector.broadcast %get3A_451 : vector<256x1xf32> to vector<256x256xf32>
    %add3A_453 = arith.addf %dot_general3A_448, %add3A_452 : vector<256x256xf32>
    %max3A_454 = arith.constant 0.000000e+00 : f32
    %max3A_455 = vector.broadcast %max3A_454 : f32 to vector<256x256xf32>
    %max3A_456 = arith.maximumf %add3A_453, %max3A_455 : vector<256x256xf32>
    %convert_element_type3A_457 = arith.truncf %max3A_456 : vector<256x256xf32> to vector<256x256xbf16>
    %get3A_458 = arith.constant 13 : index
    %get3A_459 = arith.constant 0 : index
    %get3A_460 = arith.constant 0 : index
    %get3A_461 = vector.load %arg5[%get3A_458, %get3A_459, %get3A_460] : memref<16x256x320xbf16, #tpu.memory_space<vmem>>, vector<1x256x320xbf16>
    %get3A_462 = vector.shape_cast %get3A_461 : vector<1x256x320xbf16> to vector<256x320xbf16>
    %dot_general3A_463 = arith.constant dense<0.000000e+00> : vector<320x256xf32>
    %dot_general3A_464 = tpu.matmul %get3A_462, %convert_element_type3A_457, %dot_general3A_463 {dimension_numbers = #tpu.dot_dimension_numbers<[0], [0], [1], [1], [0, 1, 1, 1], [], []>, transpose_lhs_hint = false} : vector<256x320xbf16>, vector<256x256xbf16>, vector<320x256xf32> -> vector<320x256xf32>
    %get3A_465 = arith.constant 0 : index
    %get3A_466 = arith.constant 13 : index
    %get3A_467 = vector.load %arg6[%get3A_465, %get3A_466] : memref<320x16xf32, #tpu.memory_space<vmem>>, vector<320x1xf32>
    %add3A_468 = vector.broadcast %get3A_467 : vector<320x1xf32> to vector<320x256xf32>
    %add3A_469 = arith.addf %dot_general3A_464, %add3A_468 : vector<320x256xf32>
    %slice3A_470 = vector.extract_strided_slice %transpose3A {offsets = [13, 0], sizes = [1, 256], strides = [1, 1]} : vector<16x256xf32> to vector<1x256xf32>
    %mul3A_471 = vector.broadcast %slice3A_470 : vector<1x256xf32> to vector<320x256xf32>
    %mul3A_472 = arith.mulf %mul3A_471, %add3A_469 : vector<320x256xf32>
    %add3A_473 = arith.addf %add3A_441, %mul3A_472 : vector<320x256xf32>
    %get3A_474 = arith.constant 14 : index
    %get3A_475 = arith.constant 0 : index
    %get3A_476 = arith.constant 0 : index
    %get3A_477 = vector.load %arg3[%get3A_474, %get3A_475, %get3A_476] : memref<16x320x256xbf16, #tpu.memory_space<vmem>>, vector<1x320x256xbf16>
    %get3A_478 = vector.shape_cast %get3A_477 : vector<1x320x256xbf16> to vector<320x256xbf16>
    %dot_general3A_479 = arith.constant dense<0.000000e+00> : vector<256x256xf32>
    %dot_general3A_480 = tpu.matmul %get3A_478, %convert_element_type3A_29, %dot_general3A_479 {dimension_numbers = #tpu.dot_dimension_numbers<[0], [0], [1], [1], [0, 1, 1, 1], [], []>, transpose_lhs_hint = false} : vector<320x256xbf16>, vector<320x256xbf16>, vector<256x256xf32> -> vector<256x256xf32>
    %get3A_481 = arith.constant 0 : index
    %get3A_482 = arith.constant 14 : index
    %get3A_483 = vector.load %arg4[%get3A_481, %get3A_482] : memref<256x16xf32, #tpu.memory_space<vmem>>, vector<256x1xf32>
    %add3A_484 = vector.broadcast %get3A_483 : vector<256x1xf32> to vector<256x256xf32>
    %add3A_485 = arith.addf %dot_general3A_480, %add3A_484 : vector<256x256xf32>
    %max3A_486 = arith.constant 0.000000e+00 : f32
    %max3A_487 = vector.broadcast %max3A_486 : f32 to vector<256x256xf32>
    %max3A_488 = arith.maximumf %add3A_485, %max3A_487 : vector<256x256xf32>
    %convert_element_type3A_489 = arith.truncf %max3A_488 : vector<256x256xf32> to vector<256x256xbf16>
    %get3A_490 = arith.constant 14 : index
    %get3A_491 = arith.constant 0 : index
    %get3A_492 = arith.constant 0 : index
    %get3A_493 = vector.load %arg5[%get3A_490, %get3A_491, %get3A_492] : memref<16x256x320xbf16, #tpu.memory_space<vmem>>, vector<1x256x320xbf16>
    %get3A_494 = vector.shape_cast %get3A_493 : vector<1x256x320xbf16> to vector<256x320xbf16>
    %dot_general3A_495 = arith.constant dense<0.000000e+00> : vector<320x256xf32>
    %dot_general3A_496 = tpu.matmul %get3A_494, %convert_element_type3A_489, %dot_general3A_495 {dimension_numbers = #tpu.dot_dimension_numbers<[0], [0], [1], [1], [0, 1, 1, 1], [], []>, transpose_lhs_hint = false} : vector<256x320xbf16>, vector<256x256xbf16>, vector<320x256xf32> -> vector<320x256xf32>
    %get3A_497 = arith.constant 0 : index
    %get3A_498 = arith.constant 14 : index
    %get3A_499 = vector.load %arg6[%get3A_497, %get3A_498] : memref<320x16xf32, #tpu.memory_space<vmem>>, vector<320x1xf32>
    %add3A_500 = vector.broadcast %get3A_499 : vector<320x1xf32> to vector<320x256xf32>
    %add3A_501 = arith.addf %dot_general3A_496, %add3A_500 : vector<320x256xf32>
    %slice3A_502 = vector.extract_strided_slice %transpose3A {offsets = [14, 0], sizes = [1, 256], strides = [1, 1]} : vector<16x256xf32> to vector<1x256xf32>
    %mul3A_503 = vector.broadcast %slice3A_502 : vector<1x256xf32> to vector<320x256xf32>
    %mul3A_504 = arith.mulf %mul3A_503, %add3A_501 : vector<320x256xf32>
    %add3A_505 = arith.addf %add3A_473, %mul3A_504 : vector<320x256xf32>
    %get3A_506 = arith.constant 15 : index
    %get3A_507 = arith.constant 0 : index
    %get3A_508 = arith.constant 0 : index
    %get3A_509 = vector.load %arg3[%get3A_506, %get3A_507, %get3A_508] : memref<16x320x256xbf16, #tpu.memory_space<vmem>>, vector<1x320x256xbf16>
    %get3A_510 = vector.shape_cast %get3A_509 : vector<1x320x256xbf16> to vector<320x256xbf16>
    %dot_general3A_511 = arith.constant dense<0.000000e+00> : vector<256x256xf32>
    %dot_general3A_512 = tpu.matmul %get3A_510, %convert_element_type3A_29, %dot_general3A_511 {dimension_numbers = #tpu.dot_dimension_numbers<[0], [0], [1], [1], [0, 1, 1, 1], [], []>, transpose_lhs_hint = false} : vector<320x256xbf16>, vector<320x256xbf16>, vector<256x256xf32> -> vector<256x256xf32>
    %get3A_513 = arith.constant 0 : index
    %get3A_514 = arith.constant 15 : index
    %get3A_515 = vector.load %arg4[%get3A_513, %get3A_514] : memref<256x16xf32, #tpu.memory_space<vmem>>, vector<256x1xf32>
    %add3A_516 = vector.broadcast %get3A_515 : vector<256x1xf32> to vector<256x256xf32>
    %add3A_517 = arith.addf %dot_general3A_512, %add3A_516 : vector<256x256xf32>
    %max3A_518 = arith.constant 0.000000e+00 : f32
    %max3A_519 = vector.broadcast %max3A_518 : f32 to vector<256x256xf32>
    %max3A_520 = arith.maximumf %add3A_517, %max3A_519 : vector<256x256xf32>
    %convert_element_type3A_521 = arith.truncf %max3A_520 : vector<256x256xf32> to vector<256x256xbf16>
    %get3A_522 = arith.constant 15 : index
    %get3A_523 = arith.constant 0 : index
    %get3A_524 = arith.constant 0 : index
    %get3A_525 = vector.load %arg5[%get3A_522, %get3A_523, %get3A_524] : memref<16x256x320xbf16, #tpu.memory_space<vmem>>, vector<1x256x320xbf16>
    %get3A_526 = vector.shape_cast %get3A_525 : vector<1x256x320xbf16> to vector<256x320xbf16>
    %dot_general3A_527 = arith.constant dense<0.000000e+00> : vector<320x256xf32>
    %dot_general3A_528 = tpu.matmul %get3A_526, %convert_element_type3A_521, %dot_general3A_527 {dimension_numbers = #tpu.dot_dimension_numbers<[0], [0], [1], [1], [0, 1, 1, 1], [], []>, transpose_lhs_hint = false} : vector<256x320xbf16>, vector<256x256xbf16>, vector<320x256xf32> -> vector<320x256xf32>
    %get3A_529 = arith.constant 0 : index
    %get3A_530 = arith.constant 15 : index
    %get3A_531 = vector.load %arg6[%get3A_529, %get3A_530] : memref<320x16xf32, #tpu.memory_space<vmem>>, vector<320x1xf32>
    %add3A_532 = vector.broadcast %get3A_531 : vector<320x1xf32> to vector<320x256xf32>
    %add3A_533 = arith.addf %dot_general3A_528, %add3A_532 : vector<320x256xf32>
    %slice3A_534 = vector.extract_strided_slice %transpose3A {offsets = [15, 0], sizes = [1, 256], strides = [1, 1]} : vector<16x256xf32> to vector<1x256xf32>
    %mul3A_535 = vector.broadcast %slice3A_534 : vector<1x256xf32> to vector<320x256xf32>
    %mul3A_536 = arith.mulf %mul3A_535, %add3A_533 : vector<320x256xf32>
    %add3A_537 = arith.addf %add3A_505, %mul3A_536 : vector<320x256xf32>
    %swap3A_538 = arith.constant 0 : index
    %swap3A_539 = arith.constant 0 : index
    %swap3A_540 = vector.load %arg7[%swap3A_538, %swap3A_539] : memref<320x256xf32, #tpu.memory_space<vmem>>, vector<320x256xf32>
    tpu.vector_store %arg7[%swap3A_538, %swap3A_539], %add3A_537 {strides = array<i32>} : memref<320x256xf32, #tpu.memory_space<vmem>>, vector<320x256xf32>,
    return
  }
}

</mosaic_0001>

<sc_bundles>
// kernel: kernel.5.cloned.1.call-start
scs
__scs_entry_jumppad:
0x0: {  	(pc) =	sbr.rel $0x88, $3  }
0x1: {  	(tag) =	ssettag $0x0;
	lr =	simm.s32 $0x1  }
0x2: {  	[smem:$0x3F8D] =	sst lr;
	_ =	strace $0xD0000000  }
0x3: {  	_ = 	snop  }
0x4: {  	_ = 	snop  }
0x5: {  	_ = 	snop  }
0x6: {  	_ = 	snop  }
0x7: {  	_ = 	snop  }
__scs_overlays_trampoline_lowered:
0x8: {  	[smem:$0x3F9C] =	sst s0  }
0x9: {  	[smem:$0x3F9D] =	sst s1  }
0xa: {  	[smem:$0x3F9E] =	sst s2  }
0xb: {  	[smem:$0x3F9F] =	sst s3  }
0xc: {  	[smem:$0x3FA0] =	sst s4  }
0xd: {  	[smem:$0x3FA1] =	sst s5  }
0xe: {  	[smem:$0x3FA2] =	sst s6  }
0xf: {  	[smem:$0x3FA3] =	sst s7  }
0x10: {  	[smem:$0x3FA4] =	sst s8  }
0x11: {  	[smem:$0x3FA5] =	sst s9;
	s0 =	simm.s32 @!p0 $0x0  }
0x12: {  	s1 =	sld [smem:$0x3F8B];
	s0 =	simm.s32 @p0 $0x1  }
0x13: {  	[smem:$0x3FA6] =	sst s0;
	s0 =	simm.s32 @!p1 $0x0  }
0x14: {  	s2 =	sld [smem:$0x3F8A];
	s0 =	simm.s32 @p1 $0x1  }
0x15: {  	[smem:$0x3FA7] =	sst s0;
	s0 =	simm.s32 @!p2 $0x0  }
0x16: {  	s3 =	sld [smem:$0x3FDB];
	s0 =	simm.s32 @p2 $0x1  }
0x17: {  	s4 =	simm.s32 $0x1BF5;
	[smem:$0x3FA9] =	sst s0  }
0x18: {  	s0 =	sld [smem:$0x3F8C];
	_ =	swait.ge [sflag:s4], $0x0  }
0x19: {  	s7 =	sld [smem:$0x3F8D]  }
0x1a: {  	s8 =	sadd.s32 $0xFFFFE003, lr  }
0x1b: {  	s9 =	sadd.s32 $0xFFFFFEF7, lr;
	s5 =	simm.s32 $0xFFFFFFFF;
	p2 =	slt.u32 s8, $0xFFFFF086  }
0x1c: {  	p1 =	slt.u32 s9, $0xF7A;
	s5 =	simm.s32 @!p2 $0x0  }
0x1d: {  	s5 =	simm.s32 @p1 $0x1;
	p0 =	seq.s32 s7, s2  }
0x1e: {  	s7 =	smul.u32 @!p0 $0xF7A, s2;
	p2 =	seq.s32 @!p0 s5, $0x0  }
0x1f: {  	s9 =	smul.u32 $0xF7A, s1;
	s8 =	simm.s32 @!p0 $0x1BF5;
	p2 =	por !p2, p0  }
0x20: {  	[sflag:s8] =	ssyncset.s32 @!p0 $0xFFFFF086;
	s6 =	sadd.s32 @!p0 s3, s7;
	s7 =	simm.s32 @!p0 $0x108  }
0x21: {  	s3 =	sadd.s32 s3, s9;
	s6 =	sadd.s32 @!p0 $0x88, s6;
	s7 =	simm.s32 @p2 $0x1082  }
0x22: {  	[simem:s7], [sflag:s8] =	dma.local @!p0 [hbm:s6], $0xF7A  }
0x23: {  	s9 =	sor.u32 $0xD0000000, s2;
	s6 =	simm.s32 $0x108;
	_ =	swait.ge @!p0 [sflag:s8], $0x0  }
0x24: {  	s3 =	sadd.s32 $0x88, s3;
	s6 =	simm.s32 @!p1 $0x1082;
	[sflag:s4] =	ssyncset.s32 $0xFFFFF086  }
0x25: {  	[simem:s6], [sflag:s4] =	dma.local [hbm:s3], $0xF7A  }
0x26: {  	[smem:$0x3F8D] =	sst s1;
	(tag) =	ssettag s2;
	_ =	strace s9  }
0x27: {  	s1 =	sld [smem:$0x3F9D]  }
0x28: {  	s2 =	sld [smem:$0x3F9E]  }
0x29: {  	s4 =	sld [smem:$0x3FA0]  }
0x2a: {  	p0 =	seq.s32 s5, $0x0;
	s5 =	sld [smem:$0x3FA1]  }
0x2b: {  	s6 =	sld [smem:$0x3FA2]  }
0x2c: {  	s7 =	sld [smem:$0x3FA3]  }
0x2d: {  	s3 =	simm.s32 $0x108;
	s8 =	sld [smem:$0x3FA4]  }
0x2e: {  	s3 =	simm.s32 @!p0 $0x1082;
	s9 =	sld [smem:$0x3FA5]  }
0x2f: {  	lr =	sadd.s32 s0, s3;
	s0 =	sld [smem:$0x3F9C]  }
0x30: {  	s3 =	sld [smem:$0x3F9F]  }
0x31: {  	[smem:$0x3FA8] =	sst s10  }
0x32: {  	s10 =	sld [smem:$0x3FA6];
	_ =	sdelay $0x3  }
0x33: {  	p0 =	seq.s32 s10, $0x1;
	s10 =	sld [smem:$0x3FA8];
	_ =	sdelay $0x3  }
0x34: {  	[smem:$0x3FA8] =	sst s10  }
0x35: {  	s10 =	sld [smem:$0x3FA7];
	_ =	sdelay $0x3  }
0x36: {  	p1 =	seq.s32 s10, $0x1;
	s10 =	sld [smem:$0x3FA8];
	_ =	sdelay $0x3  }
0x37: {  	[smem:$0x3FA8] =	sst s10  }
0x38: {  	s10 =	sld [smem:$0x3FA9]  }
0x39: {  	_ = 	snop;
	(pc) =	sbr.ind lr, $3  }
0x3a: {  	_ = 	snop  }
0x3b: {  	_ = 	snop  }
0x3c: {  	p2 =	seq.s32 s10, $0x1;
	s10 =	sld [smem:$0x3FA8]  }
0x3d: {  	_ =	shalt  }
0x3e: {  	_ =	shalt  }
0x3f: {  	_ =	shalt  }
0x40: {  	_ =	shalt  }
0x41: {  	_ =	shalt  }
0x42: {  	_ =	shalt  }
0x43: {  	_ =	shalt  }
0x44: {  	_ =	shalt  }
0x45: {  	_ =	shalt  }
0x46: {  	_ =	shalt  }
0x47: {  	_ =	shalt  }
0x48: {  	_ =	shalt  }
0x49: {  	_ =	shalt  }
0x4a: {  	_ =	shalt  }
0x4b: {  	_ =	shalt  }
0x4c: {  	_ =	shalt  }
0x4d: {  	_ =	shalt  }
0x4e: {  	_ =	shalt  }
0x4f: {  	_ =	shalt  }
0x50: {  	_ =	shalt  }
0x51: {  	_ =	shalt  }
0x52: {  	_ =	shalt  }
0x53: {  	_ =	shalt  }
0x54: {  	_ =	shalt  }
0x55: {  	_ =	shalt  }
0x56: {  	_ =	shalt  }
0x57: {  	_ =	shalt  }
0x58: {  	_ =	shalt  }
0x59: {  	_ =	shalt  }
0x5a: {  	_ =	shalt  }
0x5b: {  	_ =	shalt  }
0x5c: {  	_ =	shalt  }
0x5d: {  	_ =	shalt  }
0x5e: {  	_ =	shalt  }
0x5f: {  	_ =	shalt  }
0x60: {  	_ =	shalt  }
0x61: {  	_ =	shalt  }
0x62: {  	_ =	shalt  }
0x63: {  	_ =	shalt  }
0x64: {  	_ =	shalt  }
0x65: {  	_ =	shalt  }
0x66: {  	_ =	shalt  }
0x67: {  	_ =	shalt  }
0x68: {  	_ =	shalt  }
0x69: {  	_ =	shalt  }
0x6a: {  	_ =	shalt  }
0x6b: {  	_ =	shalt  }
0x6c: {  	_ =	shalt  }
0x6d: {  	_ =	shalt  }
0x6e: {  	_ =	shalt  }
0x6f: {  	_ =	shalt  }
0x70: {  	_ =	shalt  }
0x71: {  	_ =	shalt  }
0x72: {  	_ =	shalt  }
0x73: {  	_ =	shalt  }
0x74: {  	_ =	shalt  }
0x75: {  	_ =	shalt  }
0x76: {  	_ =	shalt  }
0x77: {  	_ =	shalt  }
0x78: {  	_ =	shalt  }
0x79: {  	_ =	shalt  }
0x7a: {  	_ =	shalt  }
0x7b: {  	_ =	shalt  }
0x7c: {  	_ =	shalt  }
0x7d: {  	_ =	shalt  }
0x7e: {  	_ =	shalt  }
0x7f: {  	_ =	shalt  }
0x80: {  	_ =	shalt  }
0x81: {  	_ =	shalt  }
0x82: {  	_ =	shalt  }
0x83: {  	_ =	shalt  }
0x84: {  	_ =	shalt  }
0x85: {  	_ =	shalt  }
0x86: {  	_ =	shalt  }
0x87: {  	_ =	shalt  }
.Lfunc_end0:
.L_simem_size_0:
called_computation_lowered:
.L_overlay_start_0:
0x88: {  	s2 =	sld [smem:$0x3FD9]  }
0x89: {  	s3 =	sld [smem:$0x3FFE];
	_ =	sdelay $0x1  }
0x8a: {  	s1 =	srdreg.scid  }
0x8b: {  	s0 =	sand.u32 $0x1, s1  }
0x8c: {  	s14 =	sshll.u32 s0, $0xA;
	s2 =	sadd.s32 s3, s2  }
0x8d: {  	s2 =	sadd.s32 s2, s14  }
0x8e: {  	[smem:$0x3FB4] =	sst s2  }
0x8f: {  	_ = 	snop  }
0x90: {  	s2 =	sld [smem:$0x3FD0];
	_ =	sdelay $0x2  }
0x91: {  	s15 =	simm.s32 $0xA;
	s4 =	simm.s32 $0x10  }
0x92: {  	[smem:s4], [sflag:s15] =	dma.local [hbm:s2], $0x1  }
0x93: {  	_ =	swait.eq [sflag:s15], $0x1  }
0x94: {  	[sflag:s15] =	ssyncset.done $0x0  }
0x95: {  	[sflag:s15] =	ssyncadd.s32 $0xFFFFFFFF  }
0x96: {  	s16 =	sld [smem:$0x10];
	(tm) =	ssettm $0x1  }
0x97: {  	s17 =	sld [smem:$0x3FFB];
	_ =	sdelay $0x3  }
0x98: {  	_ =	strace s17  }
0x99: {  	s3 =	sld [smem:$0x3FFC];
	_ =	sdelay $0x3  }
0x9a: {  	_ =	strace s3  }
0x9b: {  	s3 =	sld [smem:$0x3FFD];
	_ =	sdelay $0x3  }
0x9c: {  	_ =	strace s3  }
0x9d: {  	_ =	strace $0x8FFFFFFF  }
0x9e: {  	s18 =	sld [smem:$0x3FDB];
	_ =	sdelay $0x1  }
0x9f: {  	s19 =	simm.s32 $_scs_section_size  }
0xa0: {  	s5 =	simm.s32 $_size__tile_overlayer_lowered;
	s6 =	simm.s32 $_tile_overlayer_lowered  }
0xa1: {  	s22 =	simm.s32 $0x1BFF;
	s21 =	sshll.u32 s6, $0x1;
	s3 =	sadd.s32 s19, s18  }
0xa2: {  	s7 =	simm.s32 $0x0;
	s20 =	sshll.u32 s5, $0x1;
	s5 =	sadd.s32 s21, s3  }
0xa3: {  	[timem:s7], [sflag:s22] =	dma.local [hbm:s5], s20  }
0xa4: {  	_ =	swait.ge [sflag:s22], s20  }
0xa5: {  	s4 =	ssub.s32 $0x0, s20;
	[sflag:s22] =	ssyncset.done $0x0  }
0xa6: {  	[sflag:s22] =	ssyncadd.s32 s4;
	_ =	sdelay $0x1  }
0xa7: {  	s23 =	simm.s32 $0x1B8B  }
0xa8: {  	_ =	swait.ge [sflag:s23], $0x1  }
0xa9: {  	[sflag:s23] =	ssyncset.done $0x0  }
0xaa: {  	s25 =	simm.s32 $0x1B8E;
	s24 =	sld [smem:$0x3FFE];
	[sflag:s23] =	ssyncadd.s32 $0xFFFFFFFF  }
0xab: {  	s26 =	simm.s32 $execute0_lowered;
	[smem:$0x3FD2] =	sst s25  }
0xac: {  	s5 =	sshll.u32 s26, $0x1;
	_ =	strace $0x80000046;
	[dreg:$0x1] =	wrdreg $0xFFFFFFFF  }
0xad: {  	s28 =	simm.s32 $_size_execute0_lowered;
	s3 =	sadd.s32 s3, s5;
	[dreg:$0x0] =	wrdreg $0x0  }
0xae: {  	s5 =	sshll.u32 s28, $0x1;
	[dreg:$0x2] =	wrdreg s3  }
0xaf: {  	[dreg:$0x3] =	wrdreg s5  }
0xb0: {  	[dreg:$0x4] =	wrdreg $0xC0  }
0xb1: {  	_ =	task [dreg:s7], $0x5FFFF  }
0xb2: {  	[dreg:$0x1] =	wrdreg $0xFFFFFFFF  }
0xb3: {  	[dreg:$0x0] =	wrdreg $0x60  }
0xb4: {  	[dreg:$0x2] =	wrdreg s16  }
0xb5: {  	[dreg:$0x3] =	wrdreg s24  }
0xb6: {  	[dreg:$0x4] =	wrdreg $0x9  }
0xb7: {  	_ =	task.clear_ibuf [dreg:s7], $0x5FFFF;
	_ =	strace $0x90000046  }
0xb8: {  	s29 =	simm.s32 $0x9;
	_ =	strace $0x80000048  }
0xb9: {  	_ =	swait.ge [sflag:s29], $0x1  }
0xba: {  	[sflag:s29] =	ssyncadd.s32 $0xFFFFFFFF  }
0xbb: {  	_ =	strace $0x90000048  }
0xbc: {  	_ =	sfence  }
0xbd: {  	s30 =	sld [smem:$0x0];
	_ =	sdelay $0x2  }
0xbe: {  	s31 =	sshll.u32 s1, $0xD;
	s1 =	sshrl.u32 s1, $0x2  }
0xbf: {  	s3 =	sand.u32 $0x4000, s31;
	s1 =	sadd.s32 s1, s30  }
0xc0: {  	s0 =	sor.u32 s3, s0;
	s1 =	sshll.u32 s1, $0x11  }
0xc1: {  	s0 =	sor.u32 s1, s0  }
0xc2: {  	s0 =	sadd.s32 $0x8F2B, s0  }
0xc3: {  	[sflag:s0] =	ssyncadd.remote.s32 $0x1  }
0xc4: {  	_ =	sfence.sel $0xFFFF  }
0xc5: {  	[dreg:$0x0] =	wrdreg $0xFFFFFFFF;
	(pc) =	sbr.abs _section_cstart, $3  }
0xc6: {  	[dreg:$0x1] =	wrdreg $0xFFFFFFFF  }
0xc7: {  	_ =	task.clear_ibuf [dreg:s7], $0x2FFFF;
	_ =	strace $0x9FFFFFFF  }
0xc8: {  	(tm) =	ssettm $0x7FFFFFFF  }
0xc9: {  	_ =	shalt  }
tec
execute0_lowered:
.L_overlay_start_1:
0x0: {  	(tag) =	ssettag $0x1  }
0x1: {  	v0 =	vimm.s32 $0xFEDCBA98;
	v1 =	vimm.s32 $0x76543210  }
0x2: {  	v2 =	vimm.s32 $0xBA98FEDC;
	v3 =	vimm.s32 $0x32107654;
	v4 =	vimm.s32 $0xDCFE98BA  }
0x3: {  	v5 =	vimm.s32 $0x54761032;
	v6 =	vimm.s32 $0xEFCDAB89;
	v7 =	vimm.s32 $0x67452301  }
0x4: {  	v0 =	vunpack.c.l.s4.s8 v0;
	v1 =	vunpack.c.l.s4.s8 v1;
	v2 =	vunpack.c.l.s4.s8 v2  }
0x5: {  	s3 =	rddreg [dreg:$0x0];
	v3 =	vunpack.c.l.s4.s8 v3;
	v4 =	vunpack.c.l.s4.s8 v4;
	v5 =	vunpack.c.l.s4.s8 v5  }
0x6: {  	s4 =	rddreg [dreg:$0x1];
	s2 =	srdreg.scid;
	v6 =	vunpack.c.l.s4.s8 v6;
	v7 =	vunpack.c.l.s4.s8 v7;
	v0 =	vunpack.c.0.s8.s32 v0  }
0x7: {  	s0 =	rddreg [dreg:$0x2];
	s1 =	stileid.u32;
	s5 =	sand.u32 $0x1, s2;
	v2 =	vunpack.c.0.s8.s32 v2;
	v3 =	vunpack.c.0.s8.s32 v3;
	v4 =	vunpack.c.0.s8.s32 v4  }
0x8: {  	s2 =	simm.s32 $0x0;
	s6 =	sshll.u32 s1, $0x8;
	s7 =	sshll.u32 s5, $0x7;
	v5 =	vunpack.c.0.s8.s32 v5;
	v6 =	vunpack.c.0.s8.s32 v6;
	v7 =	vunpack.c.0.s8.s32 v7  }
0x9: {  	[smem:$0x7FF] =	sst s2;
	s5 =	ssub.s32 $0x2, s5;
	s6 =	sor.u32 s7, s6;
	v1 =	vunpack.c.0.s8.s32 v1;
	v2 =	vcombine.low v3, v2  }
0xa: {  	_ =	strace $0x80000047;
	s31 =	sshrl.u32 s5, $0x1;
	s7 =	simm.s32 $0x400;
	v3 =	vcombine.low v5, v4;
	v0 =	vand.u32 $0xF, v0;
	v4 =	vcombine.low v7, v6  }
0xb: {  	s4 =	sadd.s32 s6, s4;
	s5 =	ssub.s32 s5, s31;
	s3 =	sadd.s32 s3, s6;
	v0 =	vcombine.low v0, v1;
	v1 =	vand.u32 $0xF, v2;
	v2 =	vlaneseq.u32  }
0xc: {  	s6 =	simm.s32 $0x1;
	s4 =	sadd.s32 $0x3A00, s4;
	s5 =	smax.u32 s5, $0x1;
	v3 =	vand.u32 $0xF, v3;
	v4 =	vand.u32 $0xF, v4;
	v5 =	vmul.u32 $0xFFFFFFFF, v2  }
.LBB2_1:
0xd: {  	[tilespmem:s2], [sflag:$0x1] =	stream.linear.gather [hbm4b:s3+s2], $0x400, $0x38;
	[tilespmem:$0x800] =	vst v63  }
0xe: {  	_ =	swait.ge [sflag:s6], $0x400  }
0xf: {  	[sflag:s6] =	ssyncset.done $0x0  }
0x10: {  	[sflag:s6] =	ssyncadd.s32 $0xFFFFFC00  }
0x11: {  	v7 =	vld [tilespmem:$0x0];
	_ =	sdelay $0x4  }
0x12: {  	v6 =	vperm.xlane v7, v0;
	_ =	sdelay $0x1  }
0x13: {  	v6 =	vmax.f32 v7, v6  }
0x14: {  	v8 =	vperm.xlane v6, v1;
	_ =	sdelay $0x1  }
0x15: {  	v6 =	vmax.f32 v6, v8  }
0x16: {  	v8 =	vperm.xlane v6, v3;
	_ =	sdelay $0x1  }
0x17: {  	v6 =	vmax.f32 v6, v8  }
0x18: {  	v8 =	vperm.xlane v6, v4;
	_ =	sdelay $0x1  }
0x19: {  	v6 =	vmax.f32 v6, v8  }
0x1a: {  	vm0 =	veq.f32 v7, v6  }
0x1b: {  	v60 =	vnsel vm0, $0xFFFFFFF0, v5  }
0x1c: {  	v9 =	vperm.xlane v60, v0;
	_ =	sdelay $0x1  }
0x1d: {  	vm0 =	vgt.s32 v60, v9  }
0x1e: {  	v8 =	vsel vm0, v60, v9  }
0x1f: {  	v9 =	vperm.xlane v8, v1  }
0x20: {  	v10 =	vld [tilespmem:$0x80]  }
0x21: {  	vm0 =	vgt.s32 v8, v9  }
0x22: {  	v8 =	vsel vm0, v8, v9  }
0x23: {  	v9 =	vperm.xlane v8, v3;
	_ =	sdelay $0x1  }
0x24: {  	v11 =	vperm.xlane v10, v0;
	vm0 =	vgt.s32 v8, v9  }
0x25: {  	v8 =	vsel vm0, v8, v9  }
0x26: {  	v11 =	vmax.f32 v10, v11;
	v9 =	vperm.xlane v8, v4  }
0x27: {  	v12 =	vperm.xlane v11, v1  }
0x28: {  	vm0 =	vgt.s32 v8, v9  }
0x29: {  	v61 =	vmax.f32 v11, v12;
	v8 =	vsel vm0, v8, v9  }
0x2a: {  	v63 =	vld [tilespmem:$0x100];
	v11 =	vperm.xlane v61, v3;
	v8 =	vsub.s32 $0x0, v8  }
0x2b: {  	vm0 =	veq.s32 v8, v2  }
0x2c: {  	v62 =	vmax.f32 v61, v11;
	v7 =	vsel vm0, $0xBF800000, v7  }
0x2d: {  	v22 =	vperm.xlane v62, v4;
	v21 =	vperm.xlane v7, v0;
	_ =	sdelay $0x1  }
0x2e: {  	v14 =	vperm.xlane v63, v0;
	v9 =	vmax.f32 v62, v22;
	v13 =	vmax.f32 v7, v21  }
0x2f: {  	vm1 =	veq.f32 v10, v9;
	v23 =	vperm.xlane v13, v1  }
0x30: {  	v14 =	vmax.f32 v63, v14;
	v24 =	vnsel vm1, $0xFFFFFFF0, v5  }
0x31: {  	v17 =	vld [tilespmem:$0x180];
	v16 =	vperm.xlane v14, v1;
	v25 =	vperm.xlane v24, v0;
	v8 =	vmax.f32 v13, v23  }
0x32: {  	v15 =	vperm.xlane v8, v3  }
0x33: {  	v14 =	vmax.f32 v14, v16;
	vm1 =	vgt.s32 v24, v25  }
0x34: {  	v16 =	vperm.xlane v14, v3;
	v12 =	vsel vm1, v24, v25;
	v8 =	vmax.f32 v8, v15  }
0x35: {  	v27 =	vperm.xlane v12, v1;
	v26 =	vperm.xlane v8, v4  }
0x36: {  	v32 =	vperm.xlane v17, v0  }
0x37: {  	v28 =	vmax.f32 v14, v16;
	vm1 =	vgt.s32 v12, v27;
	v13 =	vmax.f32 v8, v26  }
0x38: {  	v30 =	vperm.xlane v28, v4;
	vm2 =	veq.f32 v7, v13;
	v7 =	vsel vm1, v12, v27  }
0x39: {  	v8 =	vmax.f32 v17, v32;
	v15 =	vperm.xlane v7, v3  }
0x3a: {  	v12 =	vmax.f32 v28, v30;
	v19 =	vperm.xlane v8, v1;
	v38 =	vadd.f32 v13, v6  }
0x3b: {  	v29 =	vnsel vm2, $0xFFFFFFF0, v5;
	vm12 =	veq.f32 v63, v12;
	vm1 =	vgt.s32 v7, v15  }
0x3c: {  	v31 =	vperm.xlane v29, v0;
	v18 =	vnsel vm12, $0xFFFFFFF0, v5;
	v7 =	vsel vm1, v7, v15  }
0x3d: {  	v8 =	vmax.f32 v8, v19;
	v33 =	vperm.xlane v18, v0;
	v15 =	vperm.xlane v7, v4  }
0x3e: {  	v19 =	vadd.f32 $9.999999710e-10, v38;
	v35 =	vperm.xlane v8, v3;
	vm2 =	vgt.s32 v29, v31  }
0x3f: {  	v14 =	vsel vm2, v29, v31;
	vm14 =	vgt.s32 v18, v33;
	vm13 =	vgt.s32 v7, v15  }
0x40: {  	v8 =	vmax.f32 v8, v35;
	v20 =	vperm.xlane v14, v1;
	v7 =	vsel vm13, v7, v15  }
0x41: {  	v34 =	vsel vm14, v18, v33;
	v37 =	vperm.xlane v8, v4;
	v7 =	vsub.s32 $0x0, v7  }
0x42: {  	(erf) = vrcp.f32 v19;
	vm1 =	veq.s32 v7, v2;
	v7 =	vperm.xlane v34, v1  }
0x43: {  	vm2 =	vgt.s32 v14, v20;
	v8 =	vmax.f32 v8, v37;
	v10 =	vsel vm1, $0xBF800000, v10  }
0x44: {  	v14 =	vsel vm2, v14, v20;
	v36 =	vperm.xlane v10, v0;
	vm3 =	vgt.s32 v34, v7  }
0x45: {  	vm15 =	veq.f32 v17, v8;
	v41 =	vperm.xlane v14, v3;
	v7 =	vsel vm3, v34, v7  }
0x46: {  	v21 =	vnsel vm15, $0xFFFFFFF0, v5;
	v39 =	vmax.f32 v10, v36;
	v40 =	vperm.xlane v7, v3  }
0x47: {  	v43 =	vperm.xlane v21, v0;
	v42 =	vperm.xlane v39, v1  }
0x48: {  	vm6 =	vgt.s32 v14, v41;
	vm3 =	vgt.s32 v7, v40  }
0x49: {  	vm7 =	vgt.s32 v21, v43;
	v15 =	vmax.f32 v39, v42;
	v7 =	vsel vm3, v7, v40  }
0x4a: {  	v16 =	vsel vm7, v21, v43;
	v20 =	vperm.xlane v15, v3;
	v22 =	vperm.xlane v7, v4  }
0x4b: {  	v14 =	vsel vm6, v14, v41;
	v45 =	vperm.xlane v16, v1  }
0x4c: {  	v46 =	vperm.xlane v14, v4;
	v15 =	vmax.f32 v15, v20;
	vm3 =	vgt.s32 v7, v22  }
0x4d: {  	v53 =	vpop (erf);
	vm8 =	vgt.s32 v16, v45;
	v44 =	vperm.xlane v15, v4;
	v7 =	vsel vm3, v7, v22  }
0x4e: {  	v6 =	vmul.f32 v53, v6;
	v47 =	vsel vm8, v16, v45;
	v7 =	vsub.s32 $0x0, v7  }
0x4f: {  	v50 =	vperm.xlane v47, v3;
	v15 =	vmax.f32 v15, v44;
	vm2 =	veq.s32 v7, v2  }
0x50: {  	vm9 =	vgt.s32 v14, v46;
	vm4 =	veq.f32 v10, v15;
	v7 =	vsel vm2, $0xBF800000, v63  }
0x51: {  	vm10 =	vgt.s32 v47, v50;
	v48 =	vnsel vm4, $0xFFFFFFF0, v5;
	v49 =	vperm.xlane v7, v0  }
0x52: {  	v10 =	vsel vm10, v47, v50;
	v57 =	vadd.f32 v15, v9;
	v51 =	vperm.xlane v48, v0  }
0x53: {  	v6 =	vnsel vm0, $0x0, v6;
	v54 =	vperm.xlane v10, v4;
	v16 =	vmax.f32 v7, v49  }
0x54: {  	v19 =	vadd.f32 $9.999999710e-10, v57;
	vm4 =	vgt.s32 v48, v51;
	v52 =	vperm.xlane v16, v1  }
0x55: {  	v14 =	vsel vm9, v14, v46;
	vm12 =	vgt.s32 v10, v54;
	v11 =	vsel vm4, v48, v51  }
0x56: {  	(erf) = vrcp.f32 v19;
	v55 =	vperm.xlane v11, v1;
	v16 =	vmax.f32 v16, v52  }
0x57: {  	v14 =	vsub.s32 $0x0, v14;
	v22 =	vld [tilespmem:$0x280];
	v10 =	vsel vm12, v10, v54;
	v56 =	vperm.xlane v16, v3  }
0x58: {  	vm11 =	veq.s32 v14, v2;
	v10 =	vsub.s32 $0x0, v10;
	vm13 =	vgt.s32 v11, v55  }
0x59: {  	vm0 =	veq.s32 v10, v2;
	v14 =	vmax.f32 v16, v56;
	v11 =	vsel vm13, v11, v55  }
0x5a: {  	v17 =	vsel vm0, $0xBF800000, v17;
	v16 =	vld [tilespmem:$0x200];
	v58 =	vperm.xlane v14, v4;
	v59 =	vperm.xlane v11, v3  }
0x5b: {  	v13 =	vmul.f32 v53, v13;
	v61 =	vperm.xlane v17, v0  }
0x5c: {  	v41 =	vperm.xlane v22, v0;
	v60 =	vmax.f32 v14, v58;
	vm14 =	vgt.s32 v11, v59  }
0x5d: {  	v14 =	vmax.f32 v17, v61;
	vm5 =	veq.f32 v7, v60;
	v10 =	vsel vm14, v11, v59  }
0x5e: {  	v25 =	vperm.xlane v14, v1;
	v7 =	vnsel vm11, $0x0, v13;
	v31 =	vadd.f32 v60, v12  }
0x5f: {  	v35 =	vpop (erf);
	v62 =	vnsel vm5, $0xFFFFFFF0, v5;
	v63 =	vperm.xlane v16, v0;
	v26 =	vperm.xlane v10, v4  }
0x60: {  	v9 =	vmul.f32 v35, v9;
	v24 =	vperm.xlane v62, v0;
	v14 =	vmax.f32 v14, v25  }
0x61: {  	v36 =	vadd.f32 $9.999999710e-10, v31;
	v20 =	vmax.f32 v16, v63;
	vm4 =	vgt.s32 v10, v26  }
0x62: {  	v28 =	vperm.xlane v14, v3;
	vm15 =	vgt.s32 v62, v24;
	v27 =	vperm.xlane v20, v1  }
0x63: {  	v10 =	vsel vm4, v10, v26;
	(erf) = vrcp.f32 v36;
	v11 =	vsel vm15, v62, v24  }
0x64: {  	v14 =	vmax.f32 v14, v28;
	v29 =	vperm.xlane v11, v1;
	v20 =	vmax.f32 v20, v27  }
0x65: {  	v25 =	vld [tilespmem:$0x380];
	v10 =	vsub.s32 $0x0, v10;
	v32 =	vperm.xlane v14, v4;
	v30 =	vperm.xlane v20, v3  }
0x66: {  	v13 =	vmul.f32 v35, v15;
	v6 =	vadd.f32 v7, v6;
	vm9 =	veq.s32 v10, v2  }
0x67: {  	vm8 =	vgt.s32 v11, v29;
	v14 =	vmax.f32 v14, v32;
	v34 =	vmax.f32 v20, v30  }
0x68: {  	v33 =	vsel vm8, v11, v29;
	vm10 =	veq.f32 v17, v14;
	v20 =	vperm.xlane v34, v4  }
0x69: {  	v57 =	vadd.f32 v14, v8;
	v37 =	vperm.xlane v33, v3;
	v17 =	vnsel vm10, $0xFFFFFFF0, v5  }
0x6a: {  	v50 =	vperm.xlane v25, v0;
	v38 =	vperm.xlane v17, v0;
	v11 =	vmax.f32 v34, v20  }
0x6b: {  	vm11 =	vgt.s32 v33, v37;
	v34 =	vadd.f32 $9.999999710e-10, v57;
	vm12 =	veq.f32 v16, v11  }
0x6c: {  	v10 =	vsel vm11, v33, v37;
	vm13 =	vgt.s32 v17, v38;
	v43 =	vpop (erf);
	v39 =	vnsel vm12, $0xFFFFFFF0, v5  }
0x6d: {  	v21 =	vperm.xlane v10, v4;
	v40 =	vsel vm13, v17, v38;
	v12 =	vmul.f32 v43, v12  }
0x6e: {  	v17 =	vmax.f32 v22, v41;
	v18 =	vmul.f32 v43, v60;
	v23 =	vperm.xlane v39, v0  }
0x6f: {  	v9 =	vnsel vm1, $0x0, v9;
	v19 =	vperm.xlane v40, v1;
	v24 =	vperm.xlane v17, v1  }
0x70: {  	(erf) = vrcp.f32 v34;
	vm14 =	vgt.s32 v10, v21;
	vm15 =	vgt.s32 v39, v23  }
0x71: {  	vm6 =	vgt.s32 v40, v19;
	v17 =	vmax.f32 v17, v24;
	v24 =	vld [tilespmem:$0x300];
	v20 =	vsel vm15, v39, v23  }
0x72: {  	v15 =	vsel vm6, v40, v19;
	v45 =	vperm.xlane v17, v3;
	v23 =	vperm.xlane v20, v1  }
0x73: {  	v12 =	vnsel vm2, $0x0, v12;
	v21 =	vsel vm14, v10, v21;
	v44 =	vperm.xlane v15, v3  }
0x74: {  	v42 =	vsub.s32 $0x0, v21;
	v17 =	vmax.f32 v17, v45;
	vm7 =	vgt.s32 v20, v23  }
0x75: {  	vm8 =	vgt.s32 v15, v44;
	v20 =	vsel vm7, v20, v23;
	v23 =	vperm.xlane v17, v4  }
0x76: {  	v15 =	vsel vm8, v15, v44;
	v48 =	vperm.xlane v24, v0;
	v46 =	vperm.xlane v20, v3  }
0x77: {  	v10 =	vnsel vm9, $0x0, v13;
	vm3 =	veq.s32 v42, v2;
	v21 =	vperm.xlane v15, v4  }
0x78: {  	v13 =	vmax.f32 v17, v23;
	v49 =	vmax.f32 v24, v48;
	vm9 =	vgt.s32 v20, v46  }
0x79: {  	vm10 =	vgt.s32 v15, v21;
	vm11 =	veq.f32 v22, v13;
	v52 =	vperm.xlane v49, v1  }
0x7a: {  	v47 =	vsel vm9, v20, v46;
	v21 =	vsel vm10, v15, v21;
	v51 =	vnsel vm11, $0xFFFFFFF0, v5  }
0x7b: {  	v20 =	vmax.f32 v25, v50;
	v26 =	vperm.xlane v47, v4;
	v27 =	vperm.xlane v51, v0  }
0x7c: {  	v17 =	vmax.f32 v49, v52;
	v53 =	vperm.xlane v20, v1;
	v21 =	vsub.s32 $0x0, v21  }
0x7d: {  	v54 =	vperm.xlane v17, v3;
	vm12 =	vgt.s32 v47, v26;
	vm2 =	vgt.s32 v51, v27  }
0x7e: {  	v55 =	vmax.f32 v20, v53;
	v19 =	vsel vm12, v47, v26;
	v15 =	vsel vm2, v51, v27  }
0x7f: {  	v17 =	vmax.f32 v17, v54;
	v23 =	vperm.xlane v55, v3;
	v19 =	vsub.s32 $0x0, v19  }
0x80: {  	v48 =	vpop (erf);
	v56 =	vperm.xlane v15, v1;
	v59 =	vperm.xlane v17, v4;
	vm1 =	veq.s32 v19, v2  }
0x81: {  	v8 =	vmul.f32 v48, v8;
	v19 =	vmax.f32 v55, v23;
	v58 =	vsel vm1, $0xBF800000, v16  }
0x82: {  	vm2 =	vgt.s32 v15, v56;
	v16 =	vmax.f32 v17, v59;
	v60 =	vperm.xlane v19, v4  }
0x83: {  	v28 =	vperm.xlane v58, v0;
	v20 =	vsel vm2, v15, v56;
	vm13 =	veq.f32 v24, v16  }
0x84: {  	v14 =	vmul.f32 v48, v14;
	v62 =	vperm.xlane v20, v3;
	v29 =	vnsel vm13, $0xFFFFFFF0, v5  }
0x85: {  	v15 =	vmax.f32 v19, v60;
	v61 =	vmax.f32 v58, v28;
	v63 =	vperm.xlane v29, v0  }
0x86: {  	vm15 =	veq.f32 v25, v15;
	v28 =	vperm.xlane v61, v1;
	vm14 =	vgt.s32 v20, v62  }
0x87: {  	v33 =	vnsel vm15, $0xFFFFFFF0, v5;
	v20 =	vsel vm14, v20, v62;
	vm7 =	vgt.s32 v29, v63  }
0x88: {  	v31 =	vperm.xlane v33, v0;
	v28 =	vmax.f32 v61, v28;
	v30 =	vperm.xlane v20, v4  }
0x89: {  	v8 =	vnsel vm0, $0x0, v8;
	v19 =	vsel vm7, v29, v63;
	v35 =	vperm.xlane v28, v3  }
0x8a: {  	vm9 =	vgt.s32 v33, v31;
	v29 =	vperm.xlane v19, v1;
	vm8 =	vgt.s32 v20, v30  }
0x8b: {  	v17 =	vnsel vm3, $0x0, v18;
	v23 =	vsel vm9, v33, v31;
	v20 =	vsel vm8, v20, v30  }
0x8c: {  	v26 =	vmax.f32 v28, v35;
	v36 =	vperm.xlane v23, v1;
	vm10 =	vgt.s32 v19, v29  }
0x8d: {  	v20 =	vsub.s32 $0x0, v20;
	v37 =	vperm.xlane v26, v4;
	v19 =	vsel vm10, v19, v29  }
0x8e: {  	vm2 =	veq.s32 v20, v2;
	vm11 =	vgt.s32 v23, v36;
	v29 =	vperm.xlane v19, v3  }
0x8f: {  	v20 =	vsel vm2, $0xBF800000, v22;
	v23 =	vsel vm11, v23, v36;
	v18 =	vmax.f32 v26, v37  }
0x90: {  	v22 =	vperm.xlane v20, v0;
	v38 =	vperm.xlane v23, v3;
	vm13 =	vgt.s32 v19, v29  }
0x91: {  	vm12 =	veq.f32 v58, v18;
	v59 =	vadd.f32 v18, v11;
	v19 =	vsel vm13, v19, v29  }
0x92: {  	v40 =	vnsel vm12, $0xFFFFFFF0, v5;
	v22 =	vmax.f32 v20, v22;
	vm14 =	vgt.s32 v23, v38  }
0x93: {  	v29 =	vperm.xlane v19, v4;
	v41 =	vperm.xlane v40, v0;
	v23 =	vsel vm14, v23, v38  }
0x94: {  	v28 =	vadd.f32 $9.999999710e-10, v59;
	v39 =	vperm.xlane v22, v1;
	v42 =	vperm.xlane v23, v4  }
0x95: {  	vm0 =	veq.s32 v21, v2;
	vm15 =	vgt.s32 v19, v29;
	vm8 =	vgt.s32 v40, v41  }
0x96: {  	(erf) = vrcp.f32 v28;
	v22 =	vmax.f32 v22, v39;
	vm9 =	vgt.s32 v23, v42  }
0x97: {  	v19 =	vsel vm15, v19, v29;
	v43 =	vperm.xlane v22, v3;
	v23 =	vsel vm9, v23, v42  }
0x98: {  	v46 =	vsel vm8, v40, v41;
	v19 =	vsub.s32 $0x0, v19;
	v45 =	vsub.s32 $0x0, v23  }
0x99: {  	v49 =	vperm.xlane v46, v1;
	v22 =	vmax.f32 v22, v43;
	vm3 =	veq.s32 v45, v2  }
0x9a: {  	vm4 =	veq.s32 v19, v2;
	v44 =	vperm.xlane v22, v4;
	v25 =	vsel vm3, $0xBF800000, v25  }
0x9b: {  	v14 =	vnsel vm0, $0x0, v14;
	v24 =	vsel vm4, $0xBF800000, v24;
	v50 =	vperm.xlane v25, v0  }
0x9c: {  	vm11 =	vgt.s32 v46, v49;
	v47 =	vperm.xlane v24, v0;
	v19 =	vmax.f32 v22, v44  }
0x9d: {  	v23 =	vsel vm11, v46, v49;
	vm10 =	veq.f32 v20, v19;
	v20 =	vmax.f32 v25, v50  }
0x9e: {  	v55 =	vperm.xlane v23, v3;
	v22 =	vmax.f32 v24, v47;
	v54 =	vperm.xlane v20, v1  }
0x9f: {  	[tilespmem:$0x400] =	vst v6;
	v7 =	vadd.f32 v10, v9;
	v6 =	vadd.f32 v14, v8;
	v52 =	vperm.xlane v22, v1  }
0xa0: {  	vm13 =	vgt.s32 v23, v55;
	v33 =	vadd.f32 v19, v13;
	v20 =	vmax.f32 v20, v54  }
0xa1: {  	v51 =	vnsel vm10, $0xFFFFFFF0, v5;
	v22 =	vmax.f32 v22, v52;
	v58 =	vperm.xlane v20, v3  }
0xa2: {  	v23 =	vsel vm13, v23, v55;
	v53 =	vperm.xlane v51, v0;
	v56 =	vperm.xlane v22, v3  }
0xa3: {  	v47 =	vpop (erf);
	v37 =	vadd.f32 $9.999999710e-10, v33;
	v38 =	vperm.xlane v23, v4;
	v20 =	vmax.f32 v20, v58  }
0xa4: {  	v11 =	vmul.f32 v47, v11;
	v22 =	vmax.f32 v22, v56;
	v62 =	vperm.xlane v20, v4  }
0xa5: {  	v18 =	vmul.f32 v47, v18;
	vm12 =	vgt.s32 v51, v53;
	v61 =	vperm.xlane v22, v4  }
0xa6: {  	(erf) = vrcp.f32 v37;
	v11 =	vnsel vm1, $0x0, v11;
	v20 =	vmax.f32 v20, v62  }
0xa7: {  	v57 =	vsel vm12, v51, v53;
	v22 =	vmax.f32 v22, v61;
	vm8 =	veq.f32 v25, v20  }
0xa8: {  	v60 =	vperm.xlane v57, v1;
	vm15 =	veq.f32 v24, v22;
	v35 =	vnsel vm8, $0xFFFFFFF0, v5  }
0xa9: {  	v54 =	vadd.f32 v17, v12;
	v32 =	vnsel vm15, $0xFFFFFFF0, v5;
	v36 =	vperm.xlane v35, v0  }
0xaa: {  	vm12 =	vgt.s32 v23, v38;
	vm14 =	vgt.s32 v57, v60;
	v34 =	vperm.xlane v32, v0  }
0xab: {  	v21 =	vsel vm14, v57, v60;
	v41 =	vadd.f32 v22, v16;
	vm11 =	vgt.s32 v35, v36  }
0xac: {  	v63 =	vperm.xlane v21, v3;
	vm10 =	vgt.s32 v32, v34;
	v40 =	vsel vm11, v35, v36  }
0xad: {  	v43 =	vadd.f32 $9.999999710e-10, v41;
	v26 =	vsel vm10, v32, v34;
	v29 =	vperm.xlane v40, v1  }
0xae: {  	v45 =	vadd.f32 v20, v15;
	vm9 =	vgt.s32 v21, v63;
	v39 =	vperm.xlane v26, v1  }
0xaf: {  	v21 =	vsel vm9, v21, v63;
	(erf) = vrcp.f32 v43;
	vm14 =	vgt.s32 v40, v29  }
0xb0: {  	vm13 =	vgt.s32 v26, v39;
	v27 =	vsel vm14, v40, v29;
	v29 =	vadd.f32 $9.999999710e-10, v45  }
0xb1: {  	v23 =	vsel vm12, v23, v38;
	v42 =	vperm.xlane v21, v4;
	v24 =	vsel vm13, v26, v39  }
0xb2: {  	v23 =	vsub.s32 $0x0, v23;
	v48 =	vpop (erf);
	v44 =	vperm.xlane v24, v3;
	(erf) = vrcp.f32 v29  }
0xb3: {  	vm10 =	veq.s32 v23, v2;
	v13 =	vmul.f32 v48, v13;
	v19 =	vmul.f32 v48, v19  }
0xb4: {  	vm15 =	vgt.s32 v21, v42;
	v46 =	vperm.xlane v27, v3;
	vm8 =	vgt.s32 v24, v44  }
0xb5: {  	v18 =	vnsel vm10, $0x0, v18;
	v21 =	vsel vm15, v21, v42;
	v24 =	vsel vm8, v24, v44  }
0xb6: {  	v21 =	vsub.s32 $0x0, v21;
	vm9 =	vgt.s32 v27, v46;
	v49 =	vperm.xlane v24, v4  }
0xb7: {  	v13 =	vnsel vm2, $0x0, v13;
	vm11 =	veq.s32 v21, v2;
	v26 =	vsel vm9, v27, v46  }
0xb8: {  	v19 =	vnsel vm11, $0x0, v19;
	v50 =	vperm.xlane v26, v4;
	vm12 =	vgt.s32 v24, v49  }
0xb9: {  	[tilespmem:$0x580] =	vst v6;
	v56 =	vadd.f32 v18, v11;
	v6 =	vadd.f32 v19, v13;
	v53 =	vpop (erf);
	v51 =	vsel vm12, v24, v49  }
0xba: {  	v55 =	vmul.f32 v53, v16;
	vm13 =	vgt.s32 v26, v50;
	v57 =	vsub.s32 $0x0, v51  }
0xbb: {  	v58 =	vmul.f32 v53, v22;
	v52 =	vsel vm13, v26, v50;
	vm14 =	veq.s32 v57, v2;
	v59 =	vpop (erf)  }
0xbc: {  	[tilespmem:$0x480] =	vst v7;
	v61 =	vsub.s32 $0x0, v52;
	v60 =	vmul.f32 v59, v15;
	v11 =	vmul.f32 v59, v20  }
0xbd: {  	[tilespmem:$0x500] =	vst v54;
	v7 =	vnsel vm4, $0x0, v55;
	v10 =	vnsel vm14, $0x0, v58;
	vm15 =	veq.s32 v61, v2  }
0xbe: {  	[tilespmem:$0x600] =	vst v56;
	v7 =	vadd.f32 v10, v7;
	v62 =	vnsel vm3, $0x0, v60;
	v63 =	vnsel vm15, $0x0, v11  }
0xbf: {  	[tilespmem:$0x680] =	vst v6;
	v6 =	vadd.f32 v63, v62  }
0xc0: {  	p0 =	sne.s32 s5, $0x1;
	[tilespmem:$0x700] =	vst v7  }
.Ltmp0:
0xc1: {  	[tilespmem:$0x780] =	vst v6;
	(pc) =	sbr.rel @p0 .LBB2_1-.Ltmp0, $4  }
0xc2: {  	[hbm4b:s4+s2] =	stream.linear.scatter [tilespmem:s7], [sflag:$0x1], $0x400, $0x38;
	[tilespmem:$0x800] =	vst v63  }
0xc3: {  	_ =	swait.ge [sflag:s6], $0x400  }
0xc4: {  	[sflag:s6] =	ssyncset.done $0x0  }
0xc5: {  	s5 =	sadd.s32 $0xFFFFFFFF, s5;
	[sflag:s6] =	ssyncadd.s32 $0xFFFFFC00  }
0xc6: {  	_ =	sfence.sel $0x180000  }
0xc7: {  	[bflag:$0x0] =	sbarrier.arrive $0xFFFF  }
0xc8: {  	p0 =	sne.s32 s1, $0x0;
	_ =	strace $0x90000047  }
0xc9: {  	s0 =	sadd.s32 @!p0 $0x100000, s0;
	[bflag:$0x2] =	sbarrier.arrive $0xFFFF  }
0xca: {  	[sflag:s0] =	ssyncadd.tile.s32 @!p0 $0x1;
	_ =	shalt  }
.Lfunc_end2:
_tile_overlayer_lowered:
.L_overlay_start_2:
0xcb: {  	(tag) =	ssettag $0x2  }
0xcc: {  	s0 =	rddreg [dreg:$0x0];
	s2 =	stileid.u32  }
0xcd: {  	s1 =	rddreg [dreg:$0x1];
	p0 =	sne.s32 s2, $0x0  }
0xce: {  	s3 =	rddreg [dreg:$0x2];
	[bflag:$0x3] =	sbarrier.arrive $0xFFFF;
	s2 =	simm.s32 @!p0 $0x1C01  }
0xcf: {  	[timem:s3], [sflag:s2] =	dma.local @!p0 [hbm:s0], s1  }
0xd0: {  	s0 =	simm.s32 @!p0 $0x1  }
0xd1: {  	_ =	swait.ge @!p0 [sflag:s0], s1  }
0xd2: {  	s1 =	ssub.s32 @!p0 $0x0, s1;
	[sflag:s0] =	ssyncset.done @!p0 $0x0  }
0xd3: {  	[sflag:s0] =	ssyncadd.s32 @!p0 s1  }
0xd4: {  	[bflag:$0x3] =	sbarrier.arrive $0xFFFF  }
0xd5: {  	_ =	shalt  }

</sc_bundles>
